<compile_context>
chip_gen: v7x
topology: tpu7x:2x2x1
jax: 0.10.2.dev20260603
libtpu: 0.0.44.dev20260713+nightly
codegen_flags: <defaults>
</compile_context>

<pallas_src>
import jax
import jax.numpy as jnp
from jax import lax
from jax.experimental import pallas as pl
from jax.experimental.pallas import tpu as pltpu
from jax.experimental.pallas import tpu_sc as plsc
import functools

_VOCAB = 100000
_D = 128
_B = 1024
_L = 200
_NC = 2
_NS = 16
_NW = _NC * _NS
_SEQ_PER_W = _B // _NW
_ROWS_PER_W = _SEQ_PER_W * _L
_GSIZES = (128, 64, 32)
_RND = 32
_BUF_ROWS = 224


def _sc_body(ids_hbm, len_hbm, table_hbm, out_hbm,
             idx_v, len_v, buf0, buf1, buf2, buf3,
             g0, g1, g2, g3, o0, o1, o2, o3):
    bufs = (buf0, buf1, buf2, buf3)
    gsems = (g0, g1, g2, g3)
    osems = (o0, o1, o2, o3)
    wid = lax.axis_index("s") * _NC + lax.axis_index("c")
    base_row = wid * _ROWS_PER_W
    base_seq = wid * _SEQ_PER_W

    pltpu.sync_copy(ids_hbm.at[pl.ds(base_row, _ROWS_PER_W)],
                    idx_v.at[pl.ds(0, _ROWS_PER_W)])
    for k in range(_RND // 16):
        idx_v[pl.ds(_ROWS_PER_W + k * 16, 16)] = jnp.zeros((16,), jnp.int32)
    pltpu.sync_copy(len_hbm.at[pl.ds(base_seq, _SEQ_PER_W)],
                    len_v.at[pl.ds(0, _SEQ_PER_W)])

    def seq_len_at(s):
        return len_v[pl.ds(s, 16)][0]

    def fire_gather(s, b):
        off = s * _L
        lnu = (seq_len_at(s) + _RND - 1) & ~(_RND - 1)
        acc = 0
        for sz in _GSIZES:
            part = lnu & sz
            at = acc

            @pl.when(part != 0)
            def _():
                pltpu.async_copy(
                    table_hbm.at[idx_v.at[pl.ds(pl.multiple_of(off + at, 8), sz)]],
                    bufs[b].at[pl.ds(pl.multiple_of(at, 8), sz)], gsems[b])
            acc = acc + part

    def wait_gather(s, b):
        lnu = (seq_len_at(s) + _RND - 1) & ~(_RND - 1)
        for sz in _GSIZES:
            @pl.when((lnu & sz) != 0)
            def _():
                pltpu.make_async_copy(
                    table_hbm.at[idx_v.at[pl.ds(0, sz)]],
                    bufs[b].at[pl.ds(0, sz)], gsems[b]).wait()

    def fire_out(s, b):
        pltpu.async_copy(bufs[b].at[pl.ds(0, _L)],
                         out_hbm.at[pl.ds(base_row + s * _L, _L)], osems[b])

    def wait_out(b):
        pltpu.make_async_copy(bufs[b].at[pl.ds(0, _L)],
                              out_hbm.at[pl.ds(base_row, _L)],
                              osems[b]).wait()

    zeros16 = jnp.zeros((16,), jnp.float32)

    def zero_tail(s, b):
        ln = seq_len_at(s)

        @pl.loop(ln, _L)
        def _(r):
            for c in range(_D // 16):
                bufs[b][r, pl.ds(c * 16, 16)] = zeros16

    fire_gather(0, 0)
    fire_gather(1, 1)
    for s in (0, 1):
        wait_gather(s, s)
        zero_tail(s, s)
        fire_out(s, s)
        fire_gather(s + 2, s + 2)

    @pl.loop(2, _SEQ_PER_W - 2, step=4)
    def _(s0):
        for j in range(4):
            s = s0 + j
            p = (2 + j) % 4
            q = j
            wait_gather(s, p)
            zero_tail(s, p)
            fire_out(s, p)
            wait_out(q)
            fire_gather(s + 2, q)

    for s, p in ((_SEQ_PER_W - 2, 2), (_SEQ_PER_W - 1, 3)):
        wait_gather(s, p)
        zero_tail(s, p)
        fire_out(s, p)
        wait_out(p - 2)
    wait_out(2)
    wait_out(3)


@jax.jit
def kernel(seq_ids, seq_len, table):
    ids_flat = seq_ids.reshape(-1).astype(jnp.int32)
    len32 = seq_len.astype(jnp.int32)
    table = table.astype(jnp.float32)

    mesh = plsc.VectorSubcoreMesh(core_axis_name="c", subcore_axis_name="s")
    run = pl.kernel(
        _sc_body,
        out_type=jax.ShapeDtypeStruct((_B * _L, _D), jnp.float32),
        mesh=mesh,
        scratch_types=[
            pltpu.VMEM((_ROWS_PER_W + _RND,), jnp.int32),
            pltpu.VMEM((_SEQ_PER_W + 16, ), jnp.int32),
            pltpu.VMEM((_BUF_ROWS, _D), jnp.float32),
            pltpu.VMEM((_BUF_ROWS, _D), jnp.float32),
            pltpu.VMEM((_BUF_ROWS, _D), jnp.float32),
            pltpu.VMEM((_BUF_ROWS, _D), jnp.float32),
            pltpu.SemaphoreType.DMA,
            pltpu.SemaphoreType.DMA,
            pltpu.SemaphoreType.DMA,
            pltpu.SemaphoreType.DMA,
            pltpu.SemaphoreType.DMA,
            pltpu.SemaphoreType.DMA,
            pltpu.SemaphoreType.DMA,
            pltpu.SemaphoreType.DMA,
        ],
    )
    out = run(ids_flat, len32, table)
    return out.reshape(_B, _L, _D)

# --- scband reference (transcript-rebuilt; emitter-appended) ---
"""Pipeline reference for scband-transfer-embedding-72713796321586 (READ-ONLY COPY).

The authoritative reference and input builder live on the scoring server;
editing this copy changes nothing except your own understanding.
"""

import jax, jax.numpy as jnp
import numpy as np

VOCAB = 100000
EMBED_DIM = 128
BATCH = 1024
SEQ_LEN = 200


def setup_inputs(seed: int = 0) -> dict:
    key = jax.random.key(seed)
    k1, k2, k3 = jax.random.split(key, 3)
    seq_ids = jax.random.randint(k1, (BATCH, SEQ_LEN), 0, VOCAB, dtype=jnp.int64 if jax.config.read('jax_enable_x64') else jnp.int32)
    seq_len = jax.random.randint(k2, (BATCH,), 0, 201, dtype=jnp.int64 if jax.config.read('jax_enable_x64') else jnp.int32)
    # learned embedding table extracted from the pretrained transfer model
    table = jax.random.normal(k3, (VOCAB, EMBED_DIM), dtype=jnp.float32) * 0.02
    return {"seq_ids": seq_ids, "seq_len": seq_len, "table": table}


def reference(seq_ids, seq_len, table):
    # embedding lookup (gather): embed_seq = self.embedding(seq_ids)
    embed_seq = jnp.take(table, seq_ids, axis=0)  # [B, L, D]
    # Squeezer: mask out padded positions beyond each sequence's true length
    pos = jnp.arange(embed_seq.shape[1])
    mask = (pos[None, :] < seq_len[:, None]).astype(embed_seq.dtype)  # [B, L]
    return embed_seq * mask[:, :, None]

if __name__ == "__main__":
    import jax
    _d = setup_inputs()
    print(jax.jit(kernel)(*tuple(_d.values())))

</pallas_src>

<mosaic_0001>
#map = affine_map<(d0, d1) -> (0)>
#map1 = affine_map<(d0, d1) -> (0, 0)>
module attributes {stable_mosaic.version = 14 : i64} {
  func.func @_sc_body(%arg0: i32, %arg1: i32, %arg2: memref<204800xi32, #tpu.memory_space<hbm>>, %arg3: memref<1024xi32, #tpu.memory_space<hbm>>, %arg4: memref<100000x128xf32, #tpu.memory_space<hbm>>, %arg5: memref<204800x128xf32, #tpu.memory_space<hbm>>, %arg6: memref<6432xi32, #tpu.memory_space<vmem>>, %arg7: memref<48xi32, #tpu.memory_space<vmem>>, %arg8: memref<224x128xf32, #tpu.memory_space<vmem>>, %arg9: memref<224x128xf32, #tpu.memory_space<vmem>>, %arg10: memref<224x128xf32, #tpu.memory_space<vmem>>, %arg11: memref<224x128xf32, #tpu.memory_space<vmem>>, %arg12: memref<!tpu.dma_semaphore, #tpu.memory_space<semaphore_mem>>, %arg13: memref<!tpu.dma_semaphore, #tpu.memory_space<semaphore_mem>>, %arg14: memref<!tpu.dma_semaphore, #tpu.memory_space<semaphore_mem>>, %arg15: memref<!tpu.dma_semaphore, #tpu.memory_space<semaphore_mem>>, %arg16: memref<!tpu.dma_semaphore, #tpu.memory_space<semaphore_mem>>, %arg17: memref<!tpu.dma_semaphore, #tpu.memory_space<semaphore_mem>>, %arg18: memref<!tpu.dma_semaphore, #tpu.memory_space<semaphore_mem>>, %arg19: memref<!tpu.dma_semaphore, #tpu.memory_space<semaphore_mem>>) attributes {dimension_semantics = [#tpu.dimension_semantics<core_parallel>, #tpu.dimension_semantics<subcore_parallel>], iteration_bounds = array<i64: 2, 16>, scalar_prefetch = 0 : i64, scratch_operands = 14 : i64, tpu.core_type = #tpu.core_type<sc_vector_subcore>, window_params = [{transform_indices = #map}, {transform_indices = #map}, {transform_indices = #map1}, {transform_indices = #map1}]} {
    %mul3A = arith.constant 2 : i32
    %mul3A_0 = arith.muli %arg1, %mul3A : i32
    %add3A = arith.addi %mul3A_0, %arg0 : i32
    %mul3A_1 = arith.constant 6400 : i32
    %mul3A_2 = arith.muli %add3A, %mul3A_1 : i32
    %mul3A_3 = arith.constant 32 : i32
    %mul3A_4 = arith.muli %add3A, %mul3A_3 : i32
    "tpu.region"() ({
      %run_scoped3A = tpu.sem_alloc : memref<!tpu.dma_semaphore, #tpu.memory_space<semaphore_mem>>
      %dma_start3A_461 = arith.constant 0 : i32
      %dma_start3A_462 = tpu.memref_slice %arg6[%dma_start3A_461] : memref<6432xi32, #tpu.memory_space<vmem>> -> memref<6400xi32, #tpu.memory_space<vmem>>
      %dma_start3A_463 = tpu.memref_slice %arg2[%mul3A_2] : memref<204800xi32, #tpu.memory_space<hbm>> -> memref<6400xi32, #tpu.memory_space<hbm>>
      %dma_start3A_464 = arith.constant 0 : i32
      %dma_start3A_465 = tpu.memref_slice %arg6[%dma_start3A_464] : memref<6432xi32, #tpu.memory_space<vmem>> -> memref<6400xi32, #tpu.memory_space<vmem>>
      %dma_start3A_466 = tpu.memref_slice %arg2[%mul3A_2] : memref<204800xi32, #tpu.memory_space<hbm>> -> memref<6400xi32, #tpu.memory_space<hbm>>
      tpu.enqueue_dma source(%dma_start3A_466 : memref<6400xi32, #tpu.memory_space<hbm>>) target(%dma_start3A_465 : memref<6400xi32, #tpu.memory_space<vmem>>) target_semaphore(%run_scoped3A : memref<!tpu.dma_semaphore, #tpu.memory_space<semaphore_mem>>)
      %dma_wait3A_467 = arith.constant 0 : i32
      %dma_wait3A_468 = tpu.memref_slice %arg6[%dma_wait3A_467] : memref<6432xi32, #tpu.memory_space<vmem>> -> memref<6400xi32, #tpu.memory_space<vmem>>
      %dma_wait3A_469 = tpu.memref_slice %arg2[%mul3A_2] : memref<204800xi32, #tpu.memory_space<hbm>> -> memref<6400xi32, #tpu.memory_space<hbm>>
      %dma_wait3A_470 = arith.constant 0 : i32
      %dma_wait3A_471 = tpu.memref_slice %arg6[%dma_wait3A_470] : memref<6432xi32, #tpu.memory_space<vmem>> -> memref<6400xi32, #tpu.memory_space<vmem>>
      %dma_wait3A_472 = tpu.memref_slice %arg2[%mul3A_2] : memref<204800xi32, #tpu.memory_space<hbm>> -> memref<6400xi32, #tpu.memory_space<hbm>>
      tpu.wait_dma2 semaphore(%run_scoped3A : memref<!tpu.dma_semaphore, #tpu.memory_space<semaphore_mem>>) src(%dma_wait3A_472 : memref<6400xi32, #tpu.memory_space<hbm>>) dst(%dma_wait3A_471 : memref<6400xi32, #tpu.memory_space<vmem>>)
      tpu.yield
    }) : () -> ()
    %broadcast_in_dim3A = arith.constant 0 : i32
    %broadcast_in_dim3A_5 = vector.broadcast %broadcast_in_dim3A : i32 to vector<16xi32>
    %swap3A = arith.constant 6400 : index
    %swap3A_6 = tpu.vector_load %arg6[%swap3A] {strides = array<i32>} : memref<6432xi32, #tpu.memory_space<vmem>>, vector<16xi32>,
    %swap3A_7 = vector.shape_cast %swap3A_6 : vector<16xi32> to vector<16xi32>
    %swap3A_8 = vector.shape_cast %broadcast_in_dim3A_5 : vector<16xi32> to vector<16xi32>
    tpu.vector_store %arg6[%swap3A], %swap3A_8 {strides = array<i32>} : memref<6432xi32, #tpu.memory_space<vmem>>, vector<16xi32>,
    %broadcast_in_dim3A_9 = arith.constant 0 : i32
    %broadcast_in_dim3A_10 = vector.broadcast %broadcast_in_dim3A_9 : i32 to vector<16xi32>
    %swap3A_11 = arith.constant 6416 : index
    %swap3A_12 = tpu.vector_load %arg6[%swap3A_11] {strides = array<i32>} : memref<6432xi32, #tpu.memory_space<vmem>>, vector<16xi32>,
    %swap3A_13 = vector.shape_cast %swap3A_12 : vector<16xi32> to vector<16xi32>
    %swap3A_14 = vector.shape_cast %broadcast_in_dim3A_10 : vector<16xi32> to vector<16xi32>
    tpu.vector_store %arg6[%swap3A_11], %swap3A_14 {strides = array<i32>} : memref<6432xi32, #tpu.memory_space<vmem>>, vector<16xi32>,
    "tpu.region"() ({
      %run_scoped3A = tpu.sem_alloc : memref<!tpu.dma_semaphore, #tpu.memory_space<semaphore_mem>>
      %dma_start3A_461 = arith.constant 0 : i32
      %dma_start3A_462 = tpu.memref_slice %arg7[%dma_start3A_461] : memref<48xi32, #tpu.memory_space<vmem>> -> memref<32xi32, #tpu.memory_space<vmem>>
      %dma_start3A_463 = tpu.memref_slice %arg3[%mul3A_4] : memref<1024xi32, #tpu.memory_space<hbm>> -> memref<32xi32, #tpu.memory_space<hbm>>
      %dma_start3A_464 = arith.constant 0 : i32
      %dma_start3A_465 = tpu.memref_slice %arg7[%dma_start3A_464] : memref<48xi32, #tpu.memory_space<vmem>> -> memref<32xi32, #tpu.memory_space<vmem>>
      %dma_start3A_466 = tpu.memref_slice %arg3[%mul3A_4] : memref<1024xi32, #tpu.memory_space<hbm>> -> memref<32xi32, #tpu.memory_space<hbm>>
      tpu.enqueue_dma source(%dma_start3A_466 : memref<32xi32, #tpu.memory_space<hbm>>) target(%dma_start3A_465 : memref<32xi32, #tpu.memory_space<vmem>>) target_semaphore(%run_scoped3A : memref<!tpu.dma_semaphore, #tpu.memory_space<semaphore_mem>>)
      %dma_wait3A_467 = arith.constant 0 : i32
      %dma_wait3A_468 = tpu.memref_slice %arg7[%dma_wait3A_467] : memref<48xi32, #tpu.memory_space<vmem>> -> memref<32xi32, #tpu.memory_space<vmem>>
      %dma_wait3A_469 = tpu.memref_slice %arg3[%mul3A_4] : memref<1024xi32, #tpu.memory_space<hbm>> -> memref<32xi32, #tpu.memory_space<hbm>>
      %dma_wait3A_470 = arith.constant 0 : i32
      %dma_wait3A_471 = tpu.memref_slice %arg7[%dma_wait3A_470] : memref<48xi32, #tpu.memory_space<vmem>> -> memref<32xi32, #tpu.memory_space<vmem>>
      %dma_wait3A_472 = tpu.memref_slice %arg3[%mul3A_4] : memref<1024xi32, #tpu.memory_space<hbm>> -> memref<32xi32, #tpu.memory_space<hbm>>
      tpu.wait_dma2 semaphore(%run_scoped3A : memref<!tpu.dma_semaphore, #tpu.memory_space<semaphore_mem>>) src(%dma_wait3A_472 : memref<32xi32, #tpu.memory_space<hbm>>) dst(%dma_wait3A_471 : memref<32xi32, #tpu.memory_space<vmem>>)
      tpu.yield
    }) : () -> ()
    %broadcast_in_dim3A_15 = arith.constant 0.000000e+00 : f32
    %broadcast_in_dim3A_16 = vector.broadcast %broadcast_in_dim3A_15 : f32 to vector<16xf32>
    %get3A = arith.constant 0 : index
    %get3A_17 = tpu.vector_load %arg7[%get3A] {strides = array<i32>} : memref<48xi32, #tpu.memory_space<vmem>>, vector<16xi32>,
    %get3A_18 = vector.shape_cast %get3A_17 : vector<16xi32> to vector<16xi32>
    %slice3A = vector.extract_strided_slice %get3A_18 {offsets = [0], sizes = [1], strides = [1]} : vector<16xi32> to vector<1xi32>
    %squeeze3A = vector.extract %slice3A[0] : i32 from vector<1xi32>
    %add3A_19 = arith.constant 32 : i32
    %add3A_20 = arith.addi %squeeze3A, %add3A_19 : i32
    %sub3A = arith.constant 1 : i32
    %sub3A_21 = arith.subi %add3A_20, %sub3A : i32
    %and3A = arith.constant -32 : i32
    %and3A_22 = arith.andi %sub3A_21, %and3A : i32
    %and3A_23 = arith.constant 128 : i32
    %and3A_24 = arith.andi %and3A_22, %and3A_23 : i32
    %ne3A = arith.constant 0 : i32
    %ne3A_25 = arith.cmpi ne, %and3A_24, %ne3A : i32
    %convert_element_type3A = arith.extui %ne3A_25 : i1 to i32
    %cond3A = arith.constant 0 : i32
    %cond3A_26 = arith.cmpi ne, %convert_element_type3A, %cond3A : i32
    scf.if %cond3A_26 {
      %multiple_of3A = arith.constant 0 : i32
      %multiple_of3A_461 = tpu.assume_multiple %multiple_of3A, 8 : i32
      %multiple_of3A_462 = arith.constant 0 : i32
      %multiple_of3A_463 = tpu.assume_multiple %multiple_of3A_462, 8 : i32
      %dma_start3A_464 = arith.constant 0 : i32
      %dma_start3A_465 = tpu.memref_slice %arg8[%multiple_of3A_463, %dma_start3A_464] : memref<224x128xf32, #tpu.memory_space<vmem>> -> memref<128x128xf32, #tpu.memory_space<vmem>>
      %dma_start3A_466 = tpu.memref_slice %arg6[%multiple_of3A_461] : memref<6432xi32, #tpu.memory_space<vmem>> -> memref<128xi32, #tpu.memory_space<vmem>>
      %dma_start3A_467 = arith.constant 0 : i32
      %dma_start3A_468 = arith.constant 0 : i32
      %dma_start3A_469 = tpu.memref_slice %arg4[%dma_start3A_467, %dma_start3A_468] : memref<100000x128xf32, #tpu.memory_space<hbm>> -> memref<100000x128xf32, #tpu.memory_space<hbm>>
      tpu.enqueue_indirect_dma source(%dma_start3A_469 : memref<100000x128xf32, #tpu.memory_space<hbm>>) target(%dma_start3A_465 : memref<128x128xf32, #tpu.memory_space<vmem>>) offsets(%dma_start3A_466 : memref<128xi32, #tpu.memory_space<vmem>>) semaphore(%arg12 : memref<!tpu.dma_semaphore, #tpu.memory_space<semaphore_mem>>)
    } else {
    }
    %add3A_27 = arith.constant 0 : i32
    %add3A_28 = arith.addi %add3A_27, %and3A_24 : i32
    %and3A_29 = arith.constant 64 : i32
    %and3A_30 = arith.andi %and3A_22, %and3A_29 : i32
    %ne3A_31 = arith.constant 0 : i32
    %ne3A_32 = arith.cmpi ne, %and3A_30, %ne3A_31 : i32
    %convert_element_type3A_33 = arith.extui %ne3A_32 : i1 to i32
    %cond3A_34 = arith.constant 0 : i32
    %cond3A_35 = arith.cmpi ne, %convert_element_type3A_33, %cond3A_34 : i32
    scf.if %cond3A_35 {
      %add3A_461 = arith.constant 0 : i32
      %add3A_462 = arith.addi %add3A_461, %add3A_28 : i32
      %multiple_of3A = tpu.assume_multiple %add3A_462, 8 : i32
      %multiple_of3A_463 = tpu.assume_multiple %add3A_28, 8 : i32
      %dma_start3A_464 = arith.constant 0 : i32
      %dma_start3A_465 = tpu.memref_slice %arg8[%multiple_of3A_463, %dma_start3A_464] : memref<224x128xf32, #tpu.memory_space<vmem>> -> memref<64x128xf32, #tpu.memory_space<vmem>>
      %dma_start3A_466 = tpu.memref_slice %arg6[%multiple_of3A] : memref<6432xi32, #tpu.memory_space<vmem>> -> memref<64xi32, #tpu.memory_space<vmem>>
      %dma_start3A_467 = arith.constant 0 : i32
      %dma_start3A_468 = arith.constant 0 : i32
      %dma_start3A_469 = tpu.memref_slice %arg4[%dma_start3A_467, %dma_start3A_468] : memref<100000x128xf32, #tpu.memory_space<hbm>> -> memref<100000x128xf32, #tpu.memory_space<hbm>>
      tpu.enqueue_indirect_dma source(%dma_start3A_469 : memref<100000x128xf32, #tpu.memory_space<hbm>>) target(%dma_start3A_465 : memref<64x128xf32, #tpu.memory_space<vmem>>) offsets(%dma_start3A_466 : memref<64xi32, #tpu.memory_space<vmem>>) semaphore(%arg12 : memref<!tpu.dma_semaphore, #tpu.memory_space<semaphore_mem>>)
    } else {
    }
    %add3A_36 = arith.addi %add3A_28, %and3A_30 : i32
    %and3A_37 = arith.constant 32 : i32
    %and3A_38 = arith.andi %and3A_22, %and3A_37 : i32
    %ne3A_39 = arith.constant 0 : i32
    %ne3A_40 = arith.cmpi ne, %and3A_38, %ne3A_39 : i32
    %convert_element_type3A_41 = arith.extui %ne3A_40 : i1 to i32
    %cond3A_42 = arith.constant 0 : i32
    %cond3A_43 = arith.cmpi ne, %convert_element_type3A_41, %cond3A_42 : i32
    scf.if %cond3A_43 {
      %add3A_461 = arith.constant 0 : i32
      %add3A_462 = arith.addi %add3A_461, %add3A_36 : i32
      %multiple_of3A = tpu.assume_multiple %add3A_462, 8 : i32
      %multiple_of3A_463 = tpu.assume_multiple %add3A_36, 8 : i32
      %dma_start3A_464 = arith.constant 0 : i32
      %dma_start3A_465 = tpu.memref_slice %arg8[%multiple_of3A_463, %dma_start3A_464] : memref<224x128xf32, #tpu.memory_space<vmem>> -> memref<32x128xf32, #tpu.memory_space<vmem>>
      %dma_start3A_466 = tpu.memref_slice %arg6[%multiple_of3A] : memref<6432xi32, #tpu.memory_space<vmem>> -> memref<32xi32, #tpu.memory_space<vmem>>
      %dma_start3A_467 = arith.constant 0 : i32
      %dma_start3A_468 = arith.constant 0 : i32
      %dma_start3A_469 = tpu.memref_slice %arg4[%dma_start3A_467, %dma_start3A_468] : memref<100000x128xf32, #tpu.memory_space<hbm>> -> memref<100000x128xf32, #tpu.memory_space<hbm>>
      tpu.enqueue_indirect_dma source(%dma_start3A_469 : memref<100000x128xf32, #tpu.memory_space<hbm>>) target(%dma_start3A_465 : memref<32x128xf32, #tpu.memory_space<vmem>>) offsets(%dma_start3A_466 : memref<32xi32, #tpu.memory_space<vmem>>) semaphore(%arg12 : memref<!tpu.dma_semaphore, #tpu.memory_space<semaphore_mem>>)
    } else {
    }
    %add3A_44 = arith.addi %add3A_36, %and3A_38 : i32
    %get3A_45 = arith.constant 1 : index
    %get3A_46 = tpu.vector_load %arg7[%get3A_45] {strides = array<i32>} : memref<48xi32, #tpu.memory_space<vmem>>, vector<16xi32>,
    %get3A_47 = vector.shape_cast %get3A_46 : vector<16xi32> to vector<16xi32>
    %slice3A_48 = vector.extract_strided_slice %get3A_47 {offsets = [0], sizes = [1], strides = [1]} : vector<16xi32> to vector<1xi32>
    %squeeze3A_49 = vector.extract %slice3A_48[0] : i32 from vector<1xi32>
    %add3A_50 = arith.constant 32 : i32
    %add3A_51 = arith.addi %squeeze3A_49, %add3A_50 : i32
    %sub3A_52 = arith.constant 1 : i32
    %sub3A_53 = arith.subi %add3A_51, %sub3A_52 : i32
    %and3A_54 = arith.constant -32 : i32
    %and3A_55 = arith.andi %sub3A_53, %and3A_54 : i32
    %and3A_56 = arith.constant 128 : i32
    %and3A_57 = arith.andi %and3A_55, %and3A_56 : i32
    %ne3A_58 = arith.constant 0 : i32
    %ne3A_59 = arith.cmpi ne, %and3A_57, %ne3A_58 : i32
    %convert_element_type3A_60 = arith.extui %ne3A_59 : i1 to i32
    %cond3A_61 = arith.constant 0 : i32
    %cond3A_62 = arith.cmpi ne, %convert_element_type3A_60, %cond3A_61 : i32
    scf.if %cond3A_62 {
      %multiple_of3A = arith.constant 200 : i32
      %multiple_of3A_461 = tpu.assume_multiple %multiple_of3A, 8 : i32
      %multiple_of3A_462 = arith.constant 0 : i32
      %multiple_of3A_463 = tpu.assume_multiple %multiple_of3A_462, 8 : i32
      %dma_start3A_464 = arith.constant 0 : i32
      %dma_start3A_465 = tpu.memref_slice %arg9[%multiple_of3A_463, %dma_start3A_464] : memref<224x128xf32, #tpu.memory_space<vmem>> -> memref<128x128xf32, #tpu.memory_space<vmem>>
      %dma_start3A_466 = tpu.memref_slice %arg6[%multiple_of3A_461] : memref<6432xi32, #tpu.memory_space<vmem>> -> memref<128xi32, #tpu.memory_space<vmem>>
      %dma_start3A_467 = arith.constant 0 : i32
      %dma_start3A_468 = arith.constant 0 : i32
      %dma_start3A_469 = tpu.memref_slice %arg4[%dma_start3A_467, %dma_start3A_468] : memref<100000x128xf32, #tpu.memory_space<hbm>> -> memref<100000x128xf32, #tpu.memory_space<hbm>>
      tpu.enqueue_indirect_dma source(%dma_start3A_469 : memref<100000x128xf32, #tpu.memory_space<hbm>>) target(%dma_start3A_465 : memref<128x128xf32, #tpu.memory_space<vmem>>) offsets(%dma_start3A_466 : memref<128xi32, #tpu.memory_space<vmem>>) semaphore(%arg13 : memref<!tpu.dma_semaphore, #tpu.memory_space<semaphore_mem>>)
    } else {
    }
    %add3A_63 = arith.constant 0 : i32
    %add3A_64 = arith.addi %add3A_63, %and3A_57 : i32
    %and3A_65 = arith.constant 64 : i32
    %and3A_66 = arith.andi %and3A_55, %and3A_65 : i32
    %ne3A_67 = arith.constant 0 : i32
    %ne3A_68 = arith.cmpi ne, %and3A_66, %ne3A_67 : i32
    %convert_element_type3A_69 = arith.extui %ne3A_68 : i1 to i32
    %cond3A_70 = arith.constant 0 : i32
    %cond3A_71 = arith.cmpi ne, %convert_element_type3A_69, %cond3A_70 : i32
    scf.if %cond3A_71 {
      %add3A_461 = arith.constant 200 : i32
      %add3A_462 = arith.addi %add3A_461, %add3A_64 : i32
      %multiple_of3A = tpu.assume_multiple %add3A_462, 8 : i32
      %multiple_of3A_463 = tpu.assume_multiple %add3A_64, 8 : i32
      %dma_start3A_464 = arith.constant 0 : i32
      %dma_start3A_465 = tpu.memref_slice %arg9[%multiple_of3A_463, %dma_start3A_464] : memref<224x128xf32, #tpu.memory_space<vmem>> -> memref<64x128xf32, #tpu.memory_space<vmem>>
      %dma_start3A_466 = tpu.memref_slice %arg6[%multiple_of3A] : memref<6432xi32, #tpu.memory_space<vmem>> -> memref<64xi32, #tpu.memory_space<vmem>>
      %dma_start3A_467 = arith.constant 0 : i32
      %dma_start3A_468 = arith.constant 0 : i32
      %dma_start3A_469 = tpu.memref_slice %arg4[%dma_start3A_467, %dma_start3A_468] : memref<100000x128xf32, #tpu.memory_space<hbm>> -> memref<100000x128xf32, #tpu.memory_space<hbm>>
      tpu.enqueue_indirect_dma source(%dma_start3A_469 : memref<100000x128xf32, #tpu.memory_space<hbm>>) target(%dma_start3A_465 : memref<64x128xf32, #tpu.memory_space<vmem>>) offsets(%dma_start3A_466 : memref<64xi32, #tpu.memory_space<vmem>>) semaphore(%arg13 : memref<!tpu.dma_semaphore, #tpu.memory_space<semaphore_mem>>)
    } else {
    }
    %add3A_72 = arith.addi %add3A_64, %and3A_66 : i32
    %and3A_73 = arith.constant 32 : i32
    %and3A_74 = arith.andi %and3A_55, %and3A_73 : i32
    %ne3A_75 = arith.constant 0 : i32
    %ne3A_76 = arith.cmpi ne, %and3A_74, %ne3A_75 : i32
    %convert_element_type3A_77 = arith.extui %ne3A_76 : i1 to i32
    %cond3A_78 = arith.constant 0 : i32
    %cond3A_79 = arith.cmpi ne, %convert_element_type3A_77, %cond3A_78 : i32
    scf.if %cond3A_79 {
      %add3A_461 = arith.constant 200 : i32
      %add3A_462 = arith.addi %add3A_461, %add3A_72 : i32
      %multiple_of3A = tpu.assume_multiple %add3A_462, 8 : i32
      %multiple_of3A_463 = tpu.assume_multiple %add3A_72, 8 : i32
      %dma_start3A_464 = arith.constant 0 : i32
      %dma_start3A_465 = tpu.memref_slice %arg9[%multiple_of3A_463, %dma_start3A_464] : memref<224x128xf32, #tpu.memory_space<vmem>> -> memref<32x128xf32, #tpu.memory_space<vmem>>
      %dma_start3A_466 = tpu.memref_slice %arg6[%multiple_of3A] : memref<6432xi32, #tpu.memory_space<vmem>> -> memref<32xi32, #tpu.memory_space<vmem>>
      %dma_start3A_467 = arith.constant 0 : i32
      %dma_start3A_468 = arith.constant 0 : i32
      %dma_start3A_469 = tpu.memref_slice %arg4[%dma_start3A_467, %dma_start3A_468] : memref<100000x128xf32, #tpu.memory_space<hbm>> -> memref<100000x128xf32, #tpu.memory_space<hbm>>
      tpu.enqueue_indirect_dma source(%dma_start3A_469 : memref<100000x128xf32, #tpu.memory_space<hbm>>) target(%dma_start3A_465 : memref<32x128xf32, #tpu.memory_space<vmem>>) offsets(%dma_start3A_466 : memref<32xi32, #tpu.memory_space<vmem>>) semaphore(%arg13 : memref<!tpu.dma_semaphore, #tpu.memory_space<semaphore_mem>>)
    } else {
    }
    %add3A_80 = arith.addi %add3A_72, %and3A_74 : i32
    %get3A_81 = arith.constant 0 : index
    %get3A_82 = tpu.vector_load %arg7[%get3A_81] {strides = array<i32>} : memref<48xi32, #tpu.memory_space<vmem>>, vector<16xi32>,
    %get3A_83 = vector.shape_cast %get3A_82 : vector<16xi32> to vector<16xi32>
    %slice3A_84 = vector.extract_strided_slice %get3A_83 {offsets = [0], sizes = [1], strides = [1]} : vector<16xi32> to vector<1xi32>
    %squeeze3A_85 = vector.extract %slice3A_84[0] : i32 from vector<1xi32>
    %add3A_86 = arith.constant 32 : i32
    %add3A_87 = arith.addi %squeeze3A_85, %add3A_86 : i32
    %sub3A_88 = arith.constant 1 : i32
    %sub3A_89 = arith.subi %add3A_87, %sub3A_88 : i32
    %and3A_90 = arith.constant -32 : i32
    %and3A_91 = arith.andi %sub3A_89, %and3A_90 : i32
    %and3A_92 = arith.constant 128 : i32
    %and3A_93 = arith.andi %and3A_91, %and3A_92 : i32
    %ne3A_94 = arith.constant 0 : i32
    %ne3A_95 = arith.cmpi ne, %and3A_93, %ne3A_94 : i32
    %convert_element_type3A_96 = arith.extui %ne3A_95 : i1 to i32
    %cond3A_97 = arith.constant 0 : i32
    %cond3A_98 = arith.cmpi ne, %convert_element_type3A_96, %cond3A_97 : i32
    scf.if %cond3A_98 {
      %dma_wait3A_461 = arith.constant 0 : i32
      %dma_wait3A_462 = arith.constant 0 : i32
      %dma_wait3A_463 = tpu.memref_slice %arg8[%dma_wait3A_461, %dma_wait3A_462] : memref<224x128xf32, #tpu.memory_space<vmem>> -> memref<128x128xf32, #tpu.memory_space<vmem>>
      %dma_wait3A_464 = arith.constant 0 : i32
      %dma_wait3A_465 = tpu.memref_slice %arg6[%dma_wait3A_464] : memref<6432xi32, #tpu.memory_space<vmem>> -> memref<128xi32, #tpu.memory_space<vmem>>
      %dma_wait3A_466 = arith.constant 0 : i32
      %dma_wait3A_467 = arith.constant 0 : i32
      %dma_wait3A_468 = tpu.memref_slice %arg4[%dma_wait3A_466, %dma_wait3A_467] : memref<100000x128xf32, #tpu.memory_space<hbm>> -> memref<100000x128xf32, #tpu.memory_space<hbm>>
      tpu.wait_indirect_dma semaphore(%arg12 : memref<!tpu.dma_semaphore, #tpu.memory_space<semaphore_mem>>) src(%dma_wait3A_468 : memref<100000x128xf32, #tpu.memory_space<hbm>>) dst(%dma_wait3A_463 : memref<128x128xf32, #tpu.memory_space<vmem>>)
    } else {
    }
    %and3A_99 = arith.constant 64 : i32
    %and3A_100 = arith.andi %and3A_91, %and3A_99 : i32
    %ne3A_101 = arith.constant 0 : i32
    %ne3A_102 = arith.cmpi ne, %and3A_100, %ne3A_101 : i32
    %convert_element_type3A_103 = arith.extui %ne3A_102 : i1 to i32
    %cond3A_104 = arith.constant 0 : i32
    %cond3A_105 = arith.cmpi ne, %convert_element_type3A_103, %cond3A_104 : i32
    scf.if %cond3A_105 {
      %dma_wait3A_461 = arith.constant 0 : i32
      %dma_wait3A_462 = arith.constant 0 : i32
      %dma_wait3A_463 = tpu.memref_slice %arg8[%dma_wait3A_461, %dma_wait3A_462] : memref<224x128xf32, #tpu.memory_space<vmem>> -> memref<64x128xf32, #tpu.memory_space<vmem>>
      %dma_wait3A_464 = arith.constant 0 : i32
      %dma_wait3A_465 = tpu.memref_slice %arg6[%dma_wait3A_464] : memref<6432xi32, #tpu.memory_space<vmem>> -> memref<64xi32, #tpu.memory_space<vmem>>
      %dma_wait3A_466 = arith.constant 0 : i32
      %dma_wait3A_467 = arith.constant 0 : i32
      %dma_wait3A_468 = tpu.memref_slice %arg4[%dma_wait3A_466, %dma_wait3A_467] : memref<100000x128xf32, #tpu.memory_space<hbm>> -> memref<100000x128xf32, #tpu.memory_space<hbm>>
      tpu.wait_indirect_dma semaphore(%arg12 : memref<!tpu.dma_semaphore, #tpu.memory_space<semaphore_mem>>) src(%dma_wait3A_468 : memref<100000x128xf32, #tpu.memory_space<hbm>>) dst(%dma_wait3A_463 : memref<64x128xf32, #tpu.memory_space<vmem>>)
    } else {
    }
    %and3A_106 = arith.constant 32 : i32
    %and3A_107 = arith.andi %and3A_91, %and3A_106 : i32
    %ne3A_108 = arith.constant 0 : i32
    %ne3A_109 = arith.cmpi ne, %and3A_107, %ne3A_108 : i32
    %convert_element_type3A_110 = arith.extui %ne3A_109 : i1 to i32
    %cond3A_111 = arith.constant 0 : i32
    %cond3A_112 = arith.cmpi ne, %convert_element_type3A_110, %cond3A_111 : i32
    scf.if %cond3A_112 {
      %dma_wait3A_461 = arith.constant 0 : i32
      %dma_wait3A_462 = arith.constant 0 : i32
      %dma_wait3A_463 = tpu.memref_slice %arg8[%dma_wait3A_461, %dma_wait3A_462] : memref<224x128xf32, #tpu.memory_space<vmem>> -> memref<32x128xf32, #tpu.memory_space<vmem>>
      %dma_wait3A_464 = arith.constant 0 : i32
      %dma_wait3A_465 = tpu.memref_slice %arg6[%dma_wait3A_464] : memref<6432xi32, #tpu.memory_space<vmem>> -> memref<32xi32, #tpu.memory_space<vmem>>
      %dma_wait3A_466 = arith.constant 0 : i32
      %dma_wait3A_467 = arith.constant 0 : i32
      %dma_wait3A_468 = tpu.memref_slice %arg4[%dma_wait3A_466, %dma_wait3A_467] : memref<100000x128xf32, #tpu.memory_space<hbm>> -> memref<100000x128xf32, #tpu.memory_space<hbm>>
      tpu.wait_indirect_dma semaphore(%arg12 : memref<!tpu.dma_semaphore, #tpu.memory_space<semaphore_mem>>) src(%dma_wait3A_468 : memref<100000x128xf32, #tpu.memory_space<hbm>>) dst(%dma_wait3A_463 : memref<32x128xf32, #tpu.memory_space<vmem>>)
    } else {
    }
    %get3A_113 = arith.constant 0 : index
    %get3A_114 = tpu.vector_load %arg7[%get3A_113] {strides = array<i32>} : memref<48xi32, #tpu.memory_space<vmem>>, vector<16xi32>,
    %get3A_115 = vector.shape_cast %get3A_114 : vector<16xi32> to vector<16xi32>
    %slice3A_116 = vector.extract_strided_slice %get3A_115 {offsets = [0], sizes = [1], strides = [1]} : vector<16xi32> to vector<1xi32>
    %squeeze3A_117 = vector.extract %slice3A_116[0] : i32 from vector<1xi32>
    %sub3A_118 = arith.constant 200 : i32
    %sub3A_119 = arith.subi %sub3A_118, %squeeze3A_117 : i32
    %sub3A_120 = arith.constant 1 : i32
    %sub3A_121 = arith.constant 1 : i32
    %sub3A_122 = arith.subi %sub3A_120, %sub3A_121 : i32
    %add3A_123 = arith.addi %sub3A_119, %sub3A_122 : i32
    %div3A = arith.constant 1 : i32
    %div3A_124 = arith.divsi %add3A_123, %div3A : i32
    %while3A = arith.constant 1 : i32
    %while3A_125 = arith.constant 0 : i32
    %while3A_126 = arith.subi %div3A_124, %while3A_125 : i32
    %while3A_127 = arith.addi %while3A_125, %while3A_126 : i32
    %while3A_128 = arith.constant 1 : i32
    %while3A_129 = arith.divsi %while3A_126, %while3A_128 : i32
    %while3A_130 = arith.muli %while3A_129, %while3A_128 : i32
    %while3A_131 = arith.addi %while3A_125, %while3A_130 : i32
    %while3A_132 = arith.constant 1 : i32
    scf.for %while3A_461 = %while3A_125 to %while3A_131 step %while3A_132  : i32 {
      %mul3A_462 = arith.muli %while3A_461, %while3A : i32
      %add3A_463 = arith.addi %squeeze3A_117, %mul3A_462 : i32
      %swap3A_464 = arith.index_cast %add3A_463 : i32 to index
      %swap3A_465 = arith.constant 0 : index
      %swap3A_466 = tpu.vector_load %arg8[%swap3A_464, %swap3A_465] {strides = array<i32>} : memref<224x128xf32, #tpu.memory_space<vmem>>, vector<1x16xf32>,
      %swap3A_467 = vector.shape_cast %swap3A_466 : vector<1x16xf32> to vector<16xf32>
      %swap3A_468 = vector.shape_cast %broadcast_in_dim3A_16 : vector<16xf32> to vector<1x16xf32>
      tpu.vector_store %arg8[%swap3A_464, %swap3A_465], %swap3A_468 {strides = array<i32>} : memref<224x128xf32, #tpu.memory_space<vmem>>, vector<1x16xf32>,
      %swap3A_469 = arith.index_cast %add3A_463 : i32 to index
      %swap3A_470 = arith.constant 16 : index
      %swap3A_471 = tpu.vector_load %arg8[%swap3A_469, %swap3A_470] {strides = array<i32>} : memref<224x128xf32, #tpu.memory_space<vmem>>, vector<1x16xf32>,
      %swap3A_472 = vector.shape_cast %swap3A_471 : vector<1x16xf32> to vector<16xf32>
      %swap3A_473 = vector.shape_cast %broadcast_in_dim3A_16 : vector<16xf32> to vector<1x16xf32>
      tpu.vector_store %arg8[%swap3A_469, %swap3A_470], %swap3A_473 {strides = array<i32>} : memref<224x128xf32, #tpu.memory_space<vmem>>, vector<1x16xf32>,
      %swap3A_474 = arith.index_cast %add3A_463 : i32 to index
      %swap3A_475 = arith.constant 32 : index
      %swap3A_476 = tpu.vector_load %arg8[%swap3A_474, %swap3A_475] {strides = array<i32>} : memref<224x128xf32, #tpu.memory_space<vmem>>, vector<1x16xf32>,
      %swap3A_477 = vector.shape_cast %swap3A_476 : vector<1x16xf32> to vector<16xf32>
      %swap3A_478 = vector.shape_cast %broadcast_in_dim3A_16 : vector<16xf32> to vector<1x16xf32>
      tpu.vector_store %arg8[%swap3A_474, %swap3A_475], %swap3A_478 {strides = array<i32>} : memref<224x128xf32, #tpu.memory_space<vmem>>, vector<1x16xf32>,
      %swap3A_479 = arith.index_cast %add3A_463 : i32 to index
      %swap3A_480 = arith.constant 48 : index
      %swap3A_481 = tpu.vector_load %arg8[%swap3A_479, %swap3A_480] {strides = array<i32>} : memref<224x128xf32, #tpu.memory_space<vmem>>, vector<1x16xf32>,
      %swap3A_482 = vector.shape_cast %swap3A_481 : vector<1x16xf32> to vector<16xf32>
      %swap3A_483 = vector.shape_cast %broadcast_in_dim3A_16 : vector<16xf32> to vector<1x16xf32>
      tpu.vector_store %arg8[%swap3A_479, %swap3A_480], %swap3A_483 {strides = array<i32>} : memref<224x128xf32, #tpu.memory_space<vmem>>, vector<1x16xf32>,
      %swap3A_484 = arith.index_cast %add3A_463 : i32 to index
      %swap3A_485 = arith.constant 64 : index
      %swap3A_486 = tpu.vector_load %arg8[%swap3A_484, %swap3A_485] {strides = array<i32>} : memref<224x128xf32, #tpu.memory_space<vmem>>, vector<1x16xf32>,
      %swap3A_487 = vector.shape_cast %swap3A_486 : vector<1x16xf32> to vector<16xf32>
      %swap3A_488 = vector.shape_cast %broadcast_in_dim3A_16 : vector<16xf32> to vector<1x16xf32>
      tpu.vector_store %arg8[%swap3A_484, %swap3A_485], %swap3A_488 {strides = array<i32>} : memref<224x128xf32, #tpu.memory_space<vmem>>, vector<1x16xf32>,
      %swap3A_489 = arith.index_cast %add3A_463 : i32 to index
      %swap3A_490 = arith.constant 80 : index
      %swap3A_491 = tpu.vector_load %arg8[%swap3A_489, %swap3A_490] {strides = array<i32>} : memref<224x128xf32, #tpu.memory_space<vmem>>, vector<1x16xf32>,
      %swap3A_492 = vector.shape_cast %swap3A_491 : vector<1x16xf32> to vector<16xf32>
      %swap3A_493 = vector.shape_cast %broadcast_in_dim3A_16 : vector<16xf32> to vector<1x16xf32>
      tpu.vector_store %arg8[%swap3A_489, %swap3A_490], %swap3A_493 {strides = array<i32>} : memref<224x128xf32, #tpu.memory_space<vmem>>, vector<1x16xf32>,
      %swap3A_494 = arith.index_cast %add3A_463 : i32 to index
      %swap3A_495 = arith.constant 96 : index
      %swap3A_496 = tpu.vector_load %arg8[%swap3A_494, %swap3A_495] {strides = array<i32>} : memref<224x128xf32, #tpu.memory_space<vmem>>, vector<1x16xf32>,
      %swap3A_497 = vector.shape_cast %swap3A_496 : vector<1x16xf32> to vector<16xf32>
      %swap3A_498 = vector.shape_cast %broadcast_in_dim3A_16 : vector<16xf32> to vector<1x16xf32>
      tpu.vector_store %arg8[%swap3A_494, %swap3A_495], %swap3A_498 {strides = array<i32>} : memref<224x128xf32, #tpu.memory_space<vmem>>, vector<1x16xf32>,
      %swap3A_499 = arith.index_cast %add3A_463 : i32 to index
      %swap3A_500 = arith.constant 112 : index
      %swap3A_501 = tpu.vector_load %arg8[%swap3A_499, %swap3A_500] {strides = array<i32>} : memref<224x128xf32, #tpu.memory_space<vmem>>, vector<1x16xf32>,
      %swap3A_502 = vector.shape_cast %swap3A_501 : vector<1x16xf32> to vector<16xf32>
      %swap3A_503 = vector.shape_cast %broadcast_in_dim3A_16 : vector<16xf32> to vector<1x16xf32>
      tpu.vector_store %arg8[%swap3A_499, %swap3A_500], %swap3A_503 {strides = array<i32>} : memref<224x128xf32, #tpu.memory_space<vmem>>, vector<1x16xf32>,
    }
    %while3A_133 = arith.constant 1 : i32
    scf.for %while3A_461 = %while3A_131 to %while3A_127 step %while3A_133  : i32 {
      %mul3A_462 = arith.muli %while3A_461, %while3A : i32
      %add3A_463 = arith.addi %squeeze3A_117, %mul3A_462 : i32
      %swap3A_464 = arith.index_cast %add3A_463 : i32 to index
      %swap3A_465 = arith.constant 0 : index
      %swap3A_466 = tpu.vector_load %arg8[%swap3A_464, %swap3A_465] {strides = array<i32>} : memref<224x128xf32, #tpu.memory_space<vmem>>, vector<1x16xf32>,
      %swap3A_467 = vector.shape_cast %swap3A_466 : vector<1x16xf32> to vector<16xf32>
      %swap3A_468 = vector.shape_cast %broadcast_in_dim3A_16 : vector<16xf32> to vector<1x16xf32>
      tpu.vector_store %arg8[%swap3A_464, %swap3A_465], %swap3A_468 {strides = array<i32>} : memref<224x128xf32, #tpu.memory_space<vmem>>, vector<1x16xf32>,
      %swap3A_469 = arith.index_cast %add3A_463 : i32 to index
      %swap3A_470 = arith.constant 16 : index
      %swap3A_471 = tpu.vector_load %arg8[%swap3A_469, %swap3A_470] {strides = array<i32>} : memref<224x128xf32, #tpu.memory_space<vmem>>, vector<1x16xf32>,
      %swap3A_472 = vector.shape_cast %swap3A_471 : vector<1x16xf32> to vector<16xf32>
      %swap3A_473 = vector.shape_cast %broadcast_in_dim3A_16 : vector<16xf32> to vector<1x16xf32>
      tpu.vector_store %arg8[%swap3A_469, %swap3A_470], %swap3A_473 {strides = array<i32>} : memref<224x128xf32, #tpu.memory_space<vmem>>, vector<1x16xf32>,
      %swap3A_474 = arith.index_cast %add3A_463 : i32 to index
      %swap3A_475 = arith.constant 32 : index
      %swap3A_476 = tpu.vector_load %arg8[%swap3A_474, %swap3A_475] {strides = array<i32>} : memref<224x128xf32, #tpu.memory_space<vmem>>, vector<1x16xf32>,
      %swap3A_477 = vector.shape_cast %swap3A_476 : vector<1x16xf32> to vector<16xf32>
      %swap3A_478 = vector.shape_cast %broadcast_in_dim3A_16 : vector<16xf32> to vector<1x16xf32>
      tpu.vector_store %arg8[%swap3A_474, %swap3A_475], %swap3A_478 {strides = array<i32>} : memref<224x128xf32, #tpu.memory_space<vmem>>, vector<1x16xf32>,
      %swap3A_479 = arith.index_cast %add3A_463 : i32 to index
      %swap3A_480 = arith.constant 48 : index
      %swap3A_481 = tpu.vector_load %arg8[%swap3A_479, %swap3A_480] {strides = array<i32>} : memref<224x128xf32, #tpu.memory_space<vmem>>, vector<1x16xf32>,
      %swap3A_482 = vector.shape_cast %swap3A_481 : vector<1x16xf32> to vector<16xf32>
      %swap3A_483 = vector.shape_cast %broadcast_in_dim3A_16 : vector<16xf32> to vector<1x16xf32>
      tpu.vector_store %arg8[%swap3A_479, %swap3A_480], %swap3A_483 {strides = array<i32>} : memref<224x128xf32, #tpu.memory_space<vmem>>, vector<1x16xf32>,
      %swap3A_484 = arith.index_cast %add3A_463 : i32 to index
      %swap3A_485 = arith.constant 64 : index
      %swap3A_486 = tpu.vector_load %arg8[%swap3A_484, %swap3A_485] {strides = array<i32>} : memref<224x128xf32, #tpu.memory_space<vmem>>, vector<1x16xf32>,
      %swap3A_487 = vector.shape_cast %swap3A_486 : vector<1x16xf32> to vector<16xf32>
      %swap3A_488 = vector.shape_cast %broadcast_in_dim3A_16 : vector<16xf32> to vector<1x16xf32>
      tpu.vector_store %arg8[%swap3A_484, %swap3A_485], %swap3A_488 {strides = array<i32>} : memref<224x128xf32, #tpu.memory_space<vmem>>, vector<1x16xf32>,
      %swap3A_489 = arith.index_cast %add3A_463 : i32 to index
      %swap3A_490 = arith.constant 80 : index
      %swap3A_491 = tpu.vector_load %arg8[%swap3A_489, %swap3A_490] {strides = array<i32>} : memref<224x128xf32, #tpu.memory_space<vmem>>, vector<1x16xf32>,
      %swap3A_492 = vector.shape_cast %swap3A_491 : vector<1x16xf32> to vector<16xf32>
      %swap3A_493 = vector.shape_cast %broadcast_in_dim3A_16 : vector<16xf32> to vector<1x16xf32>
      tpu.vector_store %arg8[%swap3A_489, %swap3A_490], %swap3A_493 {strides = array<i32>} : memref<224x128xf32, #tpu.memory_space<vmem>>, vector<1x16xf32>,
      %swap3A_494 = arith.index_cast %add3A_463 : i32 to index
      %swap3A_495 = arith.constant 96 : index
      %swap3A_496 = tpu.vector_load %arg8[%swap3A_494, %swap3A_495] {strides = array<i32>} : memref<224x128xf32, #tpu.memory_space<vmem>>, vector<1x16xf32>,
      %swap3A_497 = vector.shape_cast %swap3A_496 : vector<1x16xf32> to vector<16xf32>
      %swap3A_498 = vector.shape_cast %broadcast_in_dim3A_16 : vector<16xf32> to vector<1x16xf32>
      tpu.vector_store %arg8[%swap3A_494, %swap3A_495], %swap3A_498 {strides = array<i32>} : memref<224x128xf32, #tpu.memory_space<vmem>>, vector<1x16xf32>,
      %swap3A_499 = arith.index_cast %add3A_463 : i32 to index
      %swap3A_500 = arith.constant 112 : index
      %swap3A_501 = tpu.vector_load %arg8[%swap3A_499, %swap3A_500] {strides = array<i32>} : memref<224x128xf32, #tpu.memory_space<vmem>>, vector<1x16xf32>,
      %swap3A_502 = vector.shape_cast %swap3A_501 : vector<1x16xf32> to vector<16xf32>
      %swap3A_503 = vector.shape_cast %broadcast_in_dim3A_16 : vector<16xf32> to vector<1x16xf32>
      tpu.vector_store %arg8[%swap3A_499, %swap3A_500], %swap3A_503 {strides = array<i32>} : memref<224x128xf32, #tpu.memory_space<vmem>>, vector<1x16xf32>,
    }
    %add3A_134 = arith.constant 0 : i32
    %add3A_135 = arith.addi %mul3A_2, %add3A_134 : i32
    %dma_start3A = arith.constant 0 : i32
    %dma_start3A_136 = arith.constant 0 : i32
    %dma_start3A_137 = tpu.memref_slice %arg8[%dma_start3A, %dma_start3A_136] : memref<224x128xf32, #tpu.memory_space<vmem>> -> memref<200x128xf32, #tpu.memory_space<vmem>>
    %dma_start3A_138 = arith.constant 0 : i32
    %dma_start3A_139 = tpu.memref_slice %arg5[%add3A_135, %dma_start3A_138] : memref<204800x128xf32, #tpu.memory_space<hbm>> -> memref<200x128xf32, #tpu.memory_space<hbm>>
    %dma_start3A_140 = arith.constant 0 : i32
    %dma_start3A_141 = tpu.memref_slice %arg5[%add3A_135, %dma_start3A_140] : memref<204800x128xf32, #tpu.memory_space<hbm>> -> memref<200x128xf32, #tpu.memory_space<hbm>>
    %dma_start3A_142 = arith.constant 0 : i32
    %dma_start3A_143 = arith.constant 0 : i32
    %dma_start3A_144 = tpu.memref_slice %arg8[%dma_start3A_142, %dma_start3A_143] : memref<224x128xf32, #tpu.memory_space<vmem>> -> memref<200x128xf32, #tpu.memory_space<vmem>>
    tpu.enqueue_dma source(%dma_start3A_144 : memref<200x128xf32, #tpu.memory_space<vmem>>) target(%dma_start3A_141 : memref<200x128xf32, #tpu.memory_space<hbm>>) target_semaphore(%arg16 : memref<!tpu.dma_semaphore, #tpu.memory_space<semaphore_mem>>)
    %get3A_145 = arith.constant 2 : index
    %get3A_146 = tpu.vector_load %arg7[%get3A_145] {strides = array<i32>} : memref<48xi32, #tpu.memory_space<vmem>>, vector<16xi32>,
    %get3A_147 = vector.shape_cast %get3A_146 : vector<16xi32> to vector<16xi32>
    %slice3A_148 = vector.extract_strided_slice %get3A_147 {offsets = [0], sizes = [1], strides = [1]} : vector<16xi32> to vector<1xi32>
    %squeeze3A_149 = vector.extract %slice3A_148[0] : i32 from vector<1xi32>
    %add3A_150 = arith.constant 32 : i32
    %add3A_151 = arith.addi %squeeze3A_149, %add3A_150 : i32
    %sub3A_152 = arith.constant 1 : i32
    %sub3A_153 = arith.subi %add3A_151, %sub3A_152 : i32
    %and3A_154 = arith.constant -32 : i32
    %and3A_155 = arith.andi %sub3A_153, %and3A_154 : i32
    %and3A_156 = arith.constant 128 : i32
    %and3A_157 = arith.andi %and3A_155, %and3A_156 : i32
    %ne3A_158 = arith.constant 0 : i32
    %ne3A_159 = arith.cmpi ne, %and3A_157, %ne3A_158 : i32
    %convert_element_type3A_160 = arith.extui %ne3A_159 : i1 to i32
    %cond3A_161 = arith.constant 0 : i32
    %cond3A_162 = arith.cmpi ne, %convert_element_type3A_160, %cond3A_161 : i32
    scf.if %cond3A_162 {
      %multiple_of3A = arith.constant 400 : i32
      %multiple_of3A_461 = tpu.assume_multiple %multiple_of3A, 8 : i32
      %multiple_of3A_462 = arith.constant 0 : i32
      %multiple_of3A_463 = tpu.assume_multiple %multiple_of3A_462, 8 : i32
      %dma_start3A_464 = arith.constant 0 : i32
      %dma_start3A_465 = tpu.memref_slice %arg10[%multiple_of3A_463, %dma_start3A_464] : memref<224x128xf32, #tpu.memory_space<vmem>> -> memref<128x128xf32, #tpu.memory_space<vmem>>
      %dma_start3A_466 = tpu.memref_slice %arg6[%multiple_of3A_461] : memref<6432xi32, #tpu.memory_space<vmem>> -> memref<128xi32, #tpu.memory_space<vmem>>
      %dma_start3A_467 = arith.constant 0 : i32
      %dma_start3A_468 = arith.constant 0 : i32
      %dma_start3A_469 = tpu.memref_slice %arg4[%dma_start3A_467, %dma_start3A_468] : memref<100000x128xf32, #tpu.memory_space<hbm>> -> memref<100000x128xf32, #tpu.memory_space<hbm>>
      tpu.enqueue_indirect_dma source(%dma_start3A_469 : memref<100000x128xf32, #tpu.memory_space<hbm>>) target(%dma_start3A_465 : memref<128x128xf32, #tpu.memory_space<vmem>>) offsets(%dma_start3A_466 : memref<128xi32, #tpu.memory_space<vmem>>) semaphore(%arg14 : memref<!tpu.dma_semaphore, #tpu.memory_space<semaphore_mem>>)
    } else {
    }
    %add3A_163 = arith.constant 0 : i32
    %add3A_164 = arith.addi %add3A_163, %and3A_157 : i32
    %and3A_165 = arith.constant 64 : i32
    %and3A_166 = arith.andi %and3A_155, %and3A_165 : i32
    %ne3A_167 = arith.constant 0 : i32
    %ne3A_168 = arith.cmpi ne, %and3A_166, %ne3A_167 : i32
    %convert_element_type3A_169 = arith.extui %ne3A_168 : i1 to i32
    %cond3A_170 = arith.constant 0 : i32
    %cond3A_171 = arith.cmpi ne, %convert_element_type3A_169, %cond3A_170 : i32
    scf.if %cond3A_171 {
      %add3A_461 = arith.constant 400 : i32
      %add3A_462 = arith.addi %add3A_461, %add3A_164 : i32
      %multiple_of3A = tpu.assume_multiple %add3A_462, 8 : i32
      %multiple_of3A_463 = tpu.assume_multiple %add3A_164, 8 : i32
      %dma_start3A_464 = arith.constant 0 : i32
      %dma_start3A_465 = tpu.memref_slice %arg10[%multiple_of3A_463, %dma_start3A_464] : memref<224x128xf32, #tpu.memory_space<vmem>> -> memref<64x128xf32, #tpu.memory_space<vmem>>
      %dma_start3A_466 = tpu.memref_slice %arg6[%multiple_of3A] : memref<6432xi32, #tpu.memory_space<vmem>> -> memref<64xi32, #tpu.memory_space<vmem>>
      %dma_start3A_467 = arith.constant 0 : i32
      %dma_start3A_468 = arith.constant 0 : i32
      %dma_start3A_469 = tpu.memref_slice %arg4[%dma_start3A_467, %dma_start3A_468] : memref<100000x128xf32, #tpu.memory_space<hbm>> -> memref<100000x128xf32, #tpu.memory_space<hbm>>
      tpu.enqueue_indirect_dma source(%dma_start3A_469 : memref<100000x128xf32, #tpu.memory_space<hbm>>) target(%dma_start3A_465 : memref<64x128xf32, #tpu.memory_space<vmem>>) offsets(%dma_start3A_466 : memref<64xi32, #tpu.memory_space<vmem>>) semaphore(%arg14 : memref<!tpu.dma_semaphore, #tpu.memory_space<semaphore_mem>>)
    } else {
    }
    %add3A_172 = arith.addi %add3A_164, %and3A_166 : i32
    %and3A_173 = arith.constant 32 : i32
    %and3A_174 = arith.andi %and3A_155, %and3A_173 : i32
    %ne3A_175 = arith.constant 0 : i32
    %ne3A_176 = arith.cmpi ne, %and3A_174, %ne3A_175 : i32
    %convert_element_type3A_177 = arith.extui %ne3A_176 : i1 to i32
    %cond3A_178 = arith.constant 0 : i32
    %cond3A_179 = arith.cmpi ne, %convert_element_type3A_177, %cond3A_178 : i32
    scf.if %cond3A_179 {
      %add3A_461 = arith.constant 400 : i32
      %add3A_462 = arith.addi %add3A_461, %add3A_172 : i32
      %multiple_of3A = tpu.assume_multiple %add3A_462, 8 : i32
      %multiple_of3A_463 = tpu.assume_multiple %add3A_172, 8 : i32
      %dma_start3A_464 = arith.constant 0 : i32
      %dma_start3A_465 = tpu.memref_slice %arg10[%multiple_of3A_463, %dma_start3A_464] : memref<224x128xf32, #tpu.memory_space<vmem>> -> memref<32x128xf32, #tpu.memory_space<vmem>>
      %dma_start3A_466 = tpu.memref_slice %arg6[%multiple_of3A] : memref<6432xi32, #tpu.memory_space<vmem>> -> memref<32xi32, #tpu.memory_space<vmem>>
      %dma_start3A_467 = arith.constant 0 : i32
      %dma_start3A_468 = arith.constant 0 : i32
      %dma_start3A_469 = tpu.memref_slice %arg4[%dma_start3A_467, %dma_start3A_468] : memref<100000x128xf32, #tpu.memory_space<hbm>> -> memref<100000x128xf32, #tpu.memory_space<hbm>>
      tpu.enqueue_indirect_dma source(%dma_start3A_469 : memref<100000x128xf32, #tpu.memory_space<hbm>>) target(%dma_start3A_465 : memref<32x128xf32, #tpu.memory_space<vmem>>) offsets(%dma_start3A_466 : memref<32xi32, #tpu.memory_space<vmem>>) semaphore(%arg14 : memref<!tpu.dma_semaphore, #tpu.memory_space<semaphore_mem>>)
    } else {
    }
    %add3A_180 = arith.addi %add3A_172, %and3A_174 : i32
    %get3A_181 = arith.constant 1 : index
    %get3A_182 = tpu.vector_load %arg7[%get3A_181] {strides = array<i32>} : memref<48xi32, #tpu.memory_space<vmem>>, vector<16xi32>,
    %get3A_183 = vector.shape_cast %get3A_182 : vector<16xi32> to vector<16xi32>
    %slice3A_184 = vector.extract_strided_slice %get3A_183 {offsets = [0], sizes = [1], strides = [1]} : vector<16xi32> to vector<1xi32>
    %squeeze3A_185 = vector.extract %slice3A_184[0] : i32 from vector<1xi32>
    %add3A_186 = arith.constant 32 : i32
    %add3A_187 = arith.addi %squeeze3A_185, %add3A_186 : i32
    %sub3A_188 = arith.constant 1 : i32
    %sub3A_189 = arith.subi %add3A_187, %sub3A_188 : i32
    %and3A_190 = arith.constant -32 : i32
    %and3A_191 = arith.andi %sub3A_189, %and3A_190 : i32
    %and3A_192 = arith.constant 128 : i32
    %and3A_193 = arith.andi %and3A_191, %and3A_192 : i32
    %ne3A_194 = arith.constant 0 : i32
    %ne3A_195 = arith.cmpi ne, %and3A_193, %ne3A_194 : i32
    %convert_element_type3A_196 = arith.extui %ne3A_195 : i1 to i32
    %cond3A_197 = arith.constant 0 : i32
    %cond3A_198 = arith.cmpi ne, %convert_element_type3A_196, %cond3A_197 : i32
    scf.if %cond3A_198 {
      %dma_wait3A_461 = arith.constant 0 : i32
      %dma_wait3A_462 = arith.constant 0 : i32
      %dma_wait3A_463 = tpu.memref_slice %arg9[%dma_wait3A_461, %dma_wait3A_462] : memref<224x128xf32, #tpu.memory_space<vmem>> -> memref<128x128xf32, #tpu.memory_space<vmem>>
      %dma_wait3A_464 = arith.constant 0 : i32
      %dma_wait3A_465 = tpu.memref_slice %arg6[%dma_wait3A_464] : memref<6432xi32, #tpu.memory_space<vmem>> -> memref<128xi32, #tpu.memory_space<vmem>>
      %dma_wait3A_466 = arith.constant 0 : i32
      %dma_wait3A_467 = arith.constant 0 : i32
      %dma_wait3A_468 = tpu.memref_slice %arg4[%dma_wait3A_466, %dma_wait3A_467] : memref<100000x128xf32, #tpu.memory_space<hbm>> -> memref<100000x128xf32, #tpu.memory_space<hbm>>
      tpu.wait_indirect_dma semaphore(%arg13 : memref<!tpu.dma_semaphore, #tpu.memory_space<semaphore_mem>>) src(%dma_wait3A_468 : memref<100000x128xf32, #tpu.memory_space<hbm>>) dst(%dma_wait3A_463 : memref<128x128xf32, #tpu.memory_space<vmem>>)
    } else {
    }
    %and3A_199 = arith.constant 64 : i32
    %and3A_200 = arith.andi %and3A_191, %and3A_199 : i32
    %ne3A_201 = arith.constant 0 : i32
    %ne3A_202 = arith.cmpi ne, %and3A_200, %ne3A_201 : i32
    %convert_element_type3A_203 = arith.extui %ne3A_202 : i1 to i32
    %cond3A_204 = arith.constant 0 : i32
    %cond3A_205 = arith.cmpi ne, %convert_element_type3A_203, %cond3A_204 : i32
    scf.if %cond3A_205 {
      %dma_wait3A_461 = arith.constant 0 : i32
      %dma_wait3A_462 = arith.constant 0 : i32
      %dma_wait3A_463 = tpu.memref_slice %arg9[%dma_wait3A_461, %dma_wait3A_462] : memref<224x128xf32, #tpu.memory_space<vmem>> -> memref<64x128xf32, #tpu.memory_space<vmem>>
      %dma_wait3A_464 = arith.constant 0 : i32
      %dma_wait3A_465 = tpu.memref_slice %arg6[%dma_wait3A_464] : memref<6432xi32, #tpu.memory_space<vmem>> -> memref<64xi32, #tpu.memory_space<vmem>>
      %dma_wait3A_466 = arith.constant 0 : i32
      %dma_wait3A_467 = arith.constant 0 : i32
      %dma_wait3A_468 = tpu.memref_slice %arg4[%dma_wait3A_466, %dma_wait3A_467] : memref<100000x128xf32, #tpu.memory_space<hbm>> -> memref<100000x128xf32, #tpu.memory_space<hbm>>
      tpu.wait_indirect_dma semaphore(%arg13 : memref<!tpu.dma_semaphore, #tpu.memory_space<semaphore_mem>>) src(%dma_wait3A_468 : memref<100000x128xf32, #tpu.memory_space<hbm>>) dst(%dma_wait3A_463 : memref<64x128xf32, #tpu.memory_space<vmem>>)
    } else {
    }
    %and3A_206 = arith.constant 32 : i32
    %and3A_207 = arith.andi %and3A_191, %and3A_206 : i32
    %ne3A_208 = arith.constant 0 : i32
    %ne3A_209 = arith.cmpi ne, %and3A_207, %ne3A_208 : i32
    %convert_element_type3A_210 = arith.extui %ne3A_209 : i1 to i32
    %cond3A_211 = arith.constant 0 : i32
    %cond3A_212 = arith.cmpi ne, %convert_element_type3A_210, %cond3A_211 : i32
    scf.if %cond3A_212 {
      %dma_wait3A_461 = arith.constant 0 : i32
      %dma_wait3A_462 = arith.constant 0 : i32
      %dma_wait3A_463 = tpu.memref_slice %arg9[%dma_wait3A_461, %dma_wait3A_462] : memref<224x128xf32, #tpu.memory_space<vmem>> -> memref<32x128xf32, #tpu.memory_space<vmem>>
      %dma_wait3A_464 = arith.constant 0 : i32
      %dma_wait3A_465 = tpu.memref_slice %arg6[%dma_wait3A_464] : memref<6432xi32, #tpu.memory_space<vmem>> -> memref<32xi32, #tpu.memory_space<vmem>>
      %dma_wait3A_466 = arith.constant 0 : i32
      %dma_wait3A_467 = arith.constant 0 : i32
      %dma_wait3A_468 = tpu.memref_slice %arg4[%dma_wait3A_466, %dma_wait3A_467] : memref<100000x128xf32, #tpu.memory_space<hbm>> -> memref<100000x128xf32, #tpu.memory_space<hbm>>
      tpu.wait_indirect_dma semaphore(%arg13 : memref<!tpu.dma_semaphore, #tpu.memory_space<semaphore_mem>>) src(%dma_wait3A_468 : memref<100000x128xf32, #tpu.memory_space<hbm>>) dst(%dma_wait3A_463 : memref<32x128xf32, #tpu.memory_space<vmem>>)
    } else {
    }
    %get3A_213 = arith.constant 1 : index
    %get3A_214 = tpu.vector_load %arg7[%get3A_213] {strides = array<i32>} : memref<48xi32, #tpu.memory_space<vmem>>, vector<16xi32>,
    %get3A_215 = vector.shape_cast %get3A_214 : vector<16xi32> to vector<16xi32>
    %slice3A_216 = vector.extract_strided_slice %get3A_215 {offsets = [0], sizes = [1], strides = [1]} : vector<16xi32> to vector<1xi32>
    %squeeze3A_217 = vector.extract %slice3A_216[0] : i32 from vector<1xi32>
    %sub3A_218 = arith.constant 200 : i32
    %sub3A_219 = arith.subi %sub3A_218, %squeeze3A_217 : i32
    %sub3A_220 = arith.constant 1 : i32
    %sub3A_221 = arith.constant 1 : i32
    %sub3A_222 = arith.subi %sub3A_220, %sub3A_221 : i32
    %add3A_223 = arith.addi %sub3A_219, %sub3A_222 : i32
    %div3A_224 = arith.constant 1 : i32
    %div3A_225 = arith.divsi %add3A_223, %div3A_224 : i32
    %while3A_226 = arith.constant 1 : i32
    %while3A_227 = arith.constant 0 : i32
    %while3A_228 = arith.subi %div3A_225, %while3A_227 : i32
    %while3A_229 = arith.addi %while3A_227, %while3A_228 : i32
    %while3A_230 = arith.constant 1 : i32
    %while3A_231 = arith.divsi %while3A_228, %while3A_230 : i32
    %while3A_232 = arith.muli %while3A_231, %while3A_230 : i32
    %while3A_233 = arith.addi %while3A_227, %while3A_232 : i32
    %while3A_234 = arith.constant 1 : i32
    scf.for %while3A_461 = %while3A_227 to %while3A_233 step %while3A_234  : i32 {
      %mul3A_462 = arith.muli %while3A_461, %while3A_226 : i32
      %add3A_463 = arith.addi %squeeze3A_217, %mul3A_462 : i32
      %swap3A_464 = arith.index_cast %add3A_463 : i32 to index
      %swap3A_465 = arith.constant 0 : index
      %swap3A_466 = tpu.vector_load %arg9[%swap3A_464, %swap3A_465] {strides = array<i32>} : memref<224x128xf32, #tpu.memory_space<vmem>>, vector<1x16xf32>,
      %swap3A_467 = vector.shape_cast %swap3A_466 : vector<1x16xf32> to vector<16xf32>
      %swap3A_468 = vector.shape_cast %broadcast_in_dim3A_16 : vector<16xf32> to vector<1x16xf32>
      tpu.vector_store %arg9[%swap3A_464, %swap3A_465], %swap3A_468 {strides = array<i32>} : memref<224x128xf32, #tpu.memory_space<vmem>>, vector<1x16xf32>,
      %swap3A_469 = arith.index_cast %add3A_463 : i32 to index
      %swap3A_470 = arith.constant 16 : index
      %swap3A_471 = tpu.vector_load %arg9[%swap3A_469, %swap3A_470] {strides = array<i32>} : memref<224x128xf32, #tpu.memory_space<vmem>>, vector<1x16xf32>,
      %swap3A_472 = vector.shape_cast %swap3A_471 : vector<1x16xf32> to vector<16xf32>
      %swap3A_473 = vector.shape_cast %broadcast_in_dim3A_16 : vector<16xf32> to vector<1x16xf32>
      tpu.vector_store %arg9[%swap3A_469, %swap3A_470], %swap3A_473 {strides = array<i32>} : memref<224x128xf32, #tpu.memory_space<vmem>>, vector<1x16xf32>,
      %swap3A_474 = arith.index_cast %add3A_463 : i32 to index
      %swap3A_475 = arith.constant 32 : index
      %swap3A_476 = tpu.vector_load %arg9[%swap3A_474, %swap3A_475] {strides = array<i32>} : memref<224x128xf32, #tpu.memory_space<vmem>>, vector<1x16xf32>,
      %swap3A_477 = vector.shape_cast %swap3A_476 : vector<1x16xf32> to vector<16xf32>
      %swap3A_478 = vector.shape_cast %broadcast_in_dim3A_16 : vector<16xf32> to vector<1x16xf32>
      tpu.vector_store %arg9[%swap3A_474, %swap3A_475], %swap3A_478 {strides = array<i32>} : memref<224x128xf32, #tpu.memory_space<vmem>>, vector<1x16xf32>,
      %swap3A_479 = arith.index_cast %add3A_463 : i32 to index
      %swap3A_480 = arith.constant 48 : index
      %swap3A_481 = tpu.vector_load %arg9[%swap3A_479, %swap3A_480] {strides = array<i32>} : memref<224x128xf32, #tpu.memory_space<vmem>>, vector<1x16xf32>,
      %swap3A_482 = vector.shape_cast %swap3A_481 : vector<1x16xf32> to vector<16xf32>
      %swap3A_483 = vector.shape_cast %broadcast_in_dim3A_16 : vector<16xf32> to vector<1x16xf32>
      tpu.vector_store %arg9[%swap3A_479, %swap3A_480], %swap3A_483 {strides = array<i32>} : memref<224x128xf32, #tpu.memory_space<vmem>>, vector<1x16xf32>,
      %swap3A_484 = arith.index_cast %add3A_463 : i32 to index
      %swap3A_485 = arith.constant 64 : index
      %swap3A_486 = tpu.vector_load %arg9[%swap3A_484, %swap3A_485] {strides = array<i32>} : memref<224x128xf32, #tpu.memory_space<vmem>>, vector<1x16xf32>,
      %swap3A_487 = vector.shape_cast %swap3A_486 : vector<1x16xf32> to vector<16xf32>
      %swap3A_488 = vector.shape_cast %broadcast_in_dim3A_16 : vector<16xf32> to vector<1x16xf32>
      tpu.vector_store %arg9[%swap3A_484, %swap3A_485], %swap3A_488 {strides = array<i32>} : memref<224x128xf32, #tpu.memory_space<vmem>>, vector<1x16xf32>,
      %swap3A_489 = arith.index_cast %add3A_463 : i32 to index
      %swap3A_490 = arith.constant 80 : index
      %swap3A_491 = tpu.vector_load %arg9[%swap3A_489, %swap3A_490] {strides = array<i32>} : memref<224x128xf32, #tpu.memory_space<vmem>>, vector<1x16xf32>,
      %swap3A_492 = vector.shape_cast %swap3A_491 : vector<1x16xf32> to vector<16xf32>
      %swap3A_493 = vector.shape_cast %broadcast_in_dim3A_16 : vector<16xf32> to vector<1x16xf32>
      tpu.vector_store %arg9[%swap3A_489, %swap3A_490], %swap3A_493 {strides = array<i32>} : memref<224x128xf32, #tpu.memory_space<vmem>>, vector<1x16xf32>,
      %swap3A_494 = arith.index_cast %add3A_463 : i32 to index
      %swap3A_495 = arith.constant 96 : index
      %swap3A_496 = tpu.vector_load %arg9[%swap3A_494, %swap3A_495] {strides = array<i32>} : memref<224x128xf32, #tpu.memory_space<vmem>>, vector<1x16xf32>,
      %swap3A_497 = vector.shape_cast %swap3A_496 : vector<1x16xf32> to vector<16xf32>
      %swap3A_498 = vector.shape_cast %broadcast_in_dim3A_16 : vector<16xf32> to vector<1x16xf32>
      tpu.vector_store %arg9[%swap3A_494, %swap3A_495], %swap3A_498 {strides = array<i32>} : memref<224x128xf32, #tpu.memory_space<vmem>>, vector<1x16xf32>,
      %swap3A_499 = arith.index_cast %add3A_463 : i32 to index
      %swap3A_500 = arith.constant 112 : index
      %swap3A_501 = tpu.vector_load %arg9[%swap3A_499, %swap3A_500] {strides = array<i32>} : memref<224x128xf32, #tpu.memory_space<vmem>>, vector<1x16xf32>,
      %swap3A_502 = vector.shape_cast %swap3A_501 : vector<1x16xf32> to vector<16xf32>
      %swap3A_503 = vector.shape_cast %broadcast_in_dim3A_16 : vector<16xf32> to vector<1x16xf32>
      tpu.vector_store %arg9[%swap3A_499, %swap3A_500], %swap3A_503 {strides = array<i32>} : memref<224x128xf32, #tpu.memory_space<vmem>>, vector<1x16xf32>,
    }
    %while3A_235 = arith.constant 1 : i32
    scf.for %while3A_461 = %while3A_233 to %while3A_229 step %while3A_235  : i32 {
      %mul3A_462 = arith.muli %while3A_461, %while3A_226 : i32
      %add3A_463 = arith.addi %squeeze3A_217, %mul3A_462 : i32
      %swap3A_464 = arith.index_cast %add3A_463 : i32 to index
      %swap3A_465 = arith.constant 0 : index
      %swap3A_466 = tpu.vector_load %arg9[%swap3A_464, %swap3A_465] {strides = array<i32>} : memref<224x128xf32, #tpu.memory_space<vmem>>, vector<1x16xf32>,
      %swap3A_467 = vector.shape_cast %swap3A_466 : vector<1x16xf32> to vector<16xf32>
      %swap3A_468 = vector.shape_cast %broadcast_in_dim3A_16 : vector<16xf32> to vector<1x16xf32>
      tpu.vector_store %arg9[%swap3A_464, %swap3A_465], %swap3A_468 {strides = array<i32>} : memref<224x128xf32, #tpu.memory_space<vmem>>, vector<1x16xf32>,
      %swap3A_469 = arith.index_cast %add3A_463 : i32 to index
      %swap3A_470 = arith.constant 16 : index
      %swap3A_471 = tpu.vector_load %arg9[%swap3A_469, %swap3A_470] {strides = array<i32>} : memref<224x128xf32, #tpu.memory_space<vmem>>, vector<1x16xf32>,
      %swap3A_472 = vector.shape_cast %swap3A_471 : vector<1x16xf32> to vector<16xf32>
      %swap3A_473 = vector.shape_cast %broadcast_in_dim3A_16 : vector<16xf32> to vector<1x16xf32>
      tpu.vector_store %arg9[%swap3A_469, %swap3A_470], %swap3A_473 {strides = array<i32>} : memref<224x128xf32, #tpu.memory_space<vmem>>, vector<1x16xf32>,
      %swap3A_474 = arith.index_cast %add3A_463 : i32 to index
      %swap3A_475 = arith.constant 32 : index
      %swap3A_476 = tpu.vector_load %arg9[%swap3A_474, %swap3A_475] {strides = array<i32>} : memref<224x128xf32, #tpu.memory_space<vmem>>, vector<1x16xf32>,
      %swap3A_477 = vector.shape_cast %swap3A_476 : vector<1x16xf32> to vector<16xf32>
      %swap3A_478 = vector.shape_cast %broadcast_in_dim3A_16 : vector<16xf32> to vector<1x16xf32>
      tpu.vector_store %arg9[%swap3A_474, %swap3A_475], %swap3A_478 {strides = array<i32>} : memref<224x128xf32, #tpu.memory_space<vmem>>, vector<1x16xf32>,
      %swap3A_479 = arith.index_cast %add3A_463 : i32 to index
      %swap3A_480 = arith.constant 48 : index
      %swap3A_481 = tpu.vector_load %arg9[%swap3A_479, %swap3A_480] {strides = array<i32>} : memref<224x128xf32, #tpu.memory_space<vmem>>, vector<1x16xf32>,
      %swap3A_482 = vector.shape_cast %swap3A_481 : vector<1x16xf32> to vector<16xf32>
      %swap3A_483 = vector.shape_cast %broadcast_in_dim3A_16 : vector<16xf32> to vector<1x16xf32>
      tpu.vector_store %arg9[%swap3A_479, %swap3A_480], %swap3A_483 {strides = array<i32>} : memref<224x128xf32, #tpu.memory_space<vmem>>, vector<1x16xf32>,
      %swap3A_484 = arith.index_cast %add3A_463 : i32 to index
      %swap3A_485 = arith.constant 64 : index
      %swap3A_486 = tpu.vector_load %arg9[%swap3A_484, %swap3A_485] {strides = array<i32>} : memref<224x128xf32, #tpu.memory_space<vmem>>, vector<1x16xf32>,
      %swap3A_487 = vector.shape_cast %swap3A_486 : vector<1x16xf32> to vector<16xf32>
      %swap3A_488 = vector.shape_cast %broadcast_in_dim3A_16 : vector<16xf32> to vector<1x16xf32>
      tpu.vector_store %arg9[%swap3A_484, %swap3A_485], %swap3A_488 {strides = array<i32>} : memref<224x128xf32, #tpu.memory_space<vmem>>, vector<1x16xf32>,
      %swap3A_489 = arith.index_cast %add3A_463 : i32 to index
      %swap3A_490 = arith.constant 80 : index
      %swap3A_491 = tpu.vector_load %arg9[%swap3A_489, %swap3A_490] {strides = array<i32>} : memref<224x128xf32, #tpu.memory_space<vmem>>, vector<1x16xf32>,
      %swap3A_492 = vector.shape_cast %swap3A_491 : vector<1x16xf32> to vector<16xf32>
      %swap3A_493 = vector.shape_cast %broadcast_in_dim3A_16 : vector<16xf32> to vector<1x16xf32>
      tpu.vector_store %arg9[%swap3A_489, %swap3A_490], %swap3A_493 {strides = array<i32>} : memref<224x128xf32, #tpu.memory_space<vmem>>, vector<1x16xf32>,
      %swap3A_494 = arith.index_cast %add3A_463 : i32 to index
      %swap3A_495 = arith.constant 96 : index
      %swap3A_496 = tpu.vector_load %arg9[%swap3A_494, %swap3A_495] {strides = array<i32>} : memref<224x128xf32, #tpu.memory_space<vmem>>, vector<1x16xf32>,
      %swap3A_497 = vector.shape_cast %swap3A_496 : vector<1x16xf32> to vector<16xf32>
      %swap3A_498 = vector.shape_cast %broadcast_in_dim3A_16 : vector<16xf32> to vector<1x16xf32>
      tpu.vector_store %arg9[%swap3A_494, %swap3A_495], %swap3A_498 {strides = array<i32>} : memref<224x128xf32, #tpu.memory_space<vmem>>, vector<1x16xf32>,
      %swap3A_499 = arith.index_cast %add3A_463 : i32 to index
      %swap3A_500 = arith.constant 112 : index
      %swap3A_501 = tpu.vector_load %arg9[%swap3A_499, %swap3A_500] {strides = array<i32>} : memref<224x128xf32, #tpu.memory_space<vmem>>, vector<1x16xf32>,
      %swap3A_502 = vector.shape_cast %swap3A_501 : vector<1x16xf32> to vector<16xf32>
      %swap3A_503 = vector.shape_cast %broadcast_in_dim3A_16 : vector<16xf32> to vector<1x16xf32>
      tpu.vector_store %arg9[%swap3A_499, %swap3A_500], %swap3A_503 {strides = array<i32>} : memref<224x128xf32, #tpu.memory_space<vmem>>, vector<1x16xf32>,
    }
    %add3A_236 = arith.constant 200 : i32
    %add3A_237 = arith.addi %mul3A_2, %add3A_236 : i32
    %dma_start3A_238 = arith.constant 0 : i32
    %dma_start3A_239 = arith.constant 0 : i32
    %dma_start3A_240 = tpu.memref_slice %arg9[%dma_start3A_238, %dma_start3A_239] : memref<224x128xf32, #tpu.memory_space<vmem>> -> memref<200x128xf32, #tpu.memory_space<vmem>>
    %dma_start3A_241 = arith.constant 0 : i32
    %dma_start3A_242 = tpu.memref_slice %arg5[%add3A_237, %dma_start3A_241] : memref<204800x128xf32, #tpu.memory_space<hbm>> -> memref<200x128xf32, #tpu.memory_space<hbm>>
    %dma_start3A_243 = arith.constant 0 : i32
    %dma_start3A_244 = tpu.memref_slice %arg5[%add3A_237, %dma_start3A_243] : memref<204800x128xf32, #tpu.memory_space<hbm>> -> memref<200x128xf32, #tpu.memory_space<hbm>>
    %dma_start3A_245 = arith.constant 0 : i32
    %dma_start3A_246 = arith.constant 0 : i32
    %dma_start3A_247 = tpu.memref_slice %arg9[%dma_start3A_245, %dma_start3A_246] : memref<224x128xf32, #tpu.memory_space<vmem>> -> memref<200x128xf32, #tpu.memory_space<vmem>>
    tpu.enqueue_dma source(%dma_start3A_247 : memref<200x128xf32, #tpu.memory_space<vmem>>) target(%dma_start3A_244 : memref<200x128xf32, #tpu.memory_space<hbm>>) target_semaphore(%arg17 : memref<!tpu.dma_semaphore, #tpu.memory_space<semaphore_mem>>)
    %get3A_248 = arith.constant 3 : index
    %get3A_249 = tpu.vector_load %arg7[%get3A_248] {strides = array<i32>} : memref<48xi32, #tpu.memory_space<vmem>>, vector<16xi32>,
    %get3A_250 = vector.shape_cast %get3A_249 : vector<16xi32> to vector<16xi32>
    %slice3A_251 = vector.extract_strided_slice %get3A_250 {offsets = [0], sizes = [1], strides = [1]} : vector<16xi32> to vector<1xi32>
    %squeeze3A_252 = vector.extract %slice3A_251[0] : i32 from vector<1xi32>
    %add3A_253 = arith.constant 32 : i32
    %add3A_254 = arith.addi %squeeze3A_252, %add3A_253 : i32
    %sub3A_255 = arith.constant 1 : i32
    %sub3A_256 = arith.subi %add3A_254, %sub3A_255 : i32
    %and3A_257 = arith.constant -32 : i32
    %and3A_258 = arith.andi %sub3A_256, %and3A_257 : i32
    %and3A_259 = arith.constant 128 : i32
    %and3A_260 = arith.andi %and3A_258, %and3A_259 : i32
    %ne3A_261 = arith.constant 0 : i32
    %ne3A_262 = arith.cmpi ne, %and3A_260, %ne3A_261 : i32
    %convert_element_type3A_263 = arith.extui %ne3A_262 : i1 to i32
    %cond3A_264 = arith.constant 0 : i32
    %cond3A_265 = arith.cmpi ne, %convert_element_type3A_263, %cond3A_264 : i32
    scf.if %cond3A_265 {
      %multiple_of3A = arith.constant 600 : i32
      %multiple_of3A_461 = tpu.assume_multiple %multiple_of3A, 8 : i32
      %multiple_of3A_462 = arith.constant 0 : i32
      %multiple_of3A_463 = tpu.assume_multiple %multiple_of3A_462, 8 : i32
      %dma_start3A_464 = arith.constant 0 : i32
      %dma_start3A_465 = tpu.memref_slice %arg11[%multiple_of3A_463, %dma_start3A_464] : memref<224x128xf32, #tpu.memory_space<vmem>> -> memref<128x128xf32, #tpu.memory_space<vmem>>
      %dma_start3A_466 = tpu.memref_slice %arg6[%multiple_of3A_461] : memref<6432xi32, #tpu.memory_space<vmem>> -> memref<128xi32, #tpu.memory_space<vmem>>
      %dma_start3A_467 = arith.constant 0 : i32
      %dma_start3A_468 = arith.constant 0 : i32
      %dma_start3A_469 = tpu.memref_slice %arg4[%dma_start3A_467, %dma_start3A_468] : memref<100000x128xf32, #tpu.memory_space<hbm>> -> memref<100000x128xf32, #tpu.memory_space<hbm>>
      tpu.enqueue_indirect_dma source(%dma_start3A_469 : memref<100000x128xf32, #tpu.memory_space<hbm>>) target(%dma_start3A_465 : memref<128x128xf32, #tpu.memory_space<vmem>>) offsets(%dma_start3A_466 : memref<128xi32, #tpu.memory_space<vmem>>) semaphore(%arg15 : memref<!tpu.dma_semaphore, #tpu.memory_space<semaphore_mem>>)
    } else {
    }
    %add3A_266 = arith.constant 0 : i32
    %add3A_267 = arith.addi %add3A_266, %and3A_260 : i32
    %and3A_268 = arith.constant 64 : i32
    %and3A_269 = arith.andi %and3A_258, %and3A_268 : i32
    %ne3A_270 = arith.constant 0 : i32
    %ne3A_271 = arith.cmpi ne, %and3A_269, %ne3A_270 : i32
    %convert_element_type3A_272 = arith.extui %ne3A_271 : i1 to i32
    %cond3A_273 = arith.constant 0 : i32
    %cond3A_274 = arith.cmpi ne, %convert_element_type3A_272, %cond3A_273 : i32
    scf.if %cond3A_274 {
      %add3A_461 = arith.constant 600 : i32
      %add3A_462 = arith.addi %add3A_461, %add3A_267 : i32
      %multiple_of3A = tpu.assume_multiple %add3A_462, 8 : i32
      %multiple_of3A_463 = tpu.assume_multiple %add3A_267, 8 : i32
      %dma_start3A_464 = arith.constant 0 : i32
      %dma_start3A_465 = tpu.memref_slice %arg11[%multiple_of3A_463, %dma_start3A_464] : memref<224x128xf32, #tpu.memory_space<vmem>> -> memref<64x128xf32, #tpu.memory_space<vmem>>
      %dma_start3A_466 = tpu.memref_slice %arg6[%multiple_of3A] : memref<6432xi32, #tpu.memory_space<vmem>> -> memref<64xi32, #tpu.memory_space<vmem>>
      %dma_start3A_467 = arith.constant 0 : i32
      %dma_start3A_468 = arith.constant 0 : i32
      %dma_start3A_469 = tpu.memref_slice %arg4[%dma_start3A_467, %dma_start3A_468] : memref<100000x128xf32, #tpu.memory_space<hbm>> -> memref<100000x128xf32, #tpu.memory_space<hbm>>
      tpu.enqueue_indirect_dma source(%dma_start3A_469 : memref<100000x128xf32, #tpu.memory_space<hbm>>) target(%dma_start3A_465 : memref<64x128xf32, #tpu.memory_space<vmem>>) offsets(%dma_start3A_466 : memref<64xi32, #tpu.memory_space<vmem>>) semaphore(%arg15 : memref<!tpu.dma_semaphore, #tpu.memory_space<semaphore_mem>>)
    } else {
    }
    %add3A_275 = arith.addi %add3A_267, %and3A_269 : i32
    %and3A_276 = arith.constant 32 : i32
    %and3A_277 = arith.andi %and3A_258, %and3A_276 : i32
    %ne3A_278 = arith.constant 0 : i32
    %ne3A_279 = arith.cmpi ne, %and3A_277, %ne3A_278 : i32
    %convert_element_type3A_280 = arith.extui %ne3A_279 : i1 to i32
    %cond3A_281 = arith.constant 0 : i32
    %cond3A_282 = arith.cmpi ne, %convert_element_type3A_280, %cond3A_281 : i32
    scf.if %cond3A_282 {
      %add3A_461 = arith.constant 600 : i32
      %add3A_462 = arith.addi %add3A_461, %add3A_275 : i32
      %multiple_of3A = tpu.assume_multiple %add3A_462, 8 : i32
      %multiple_of3A_463 = tpu.assume_multiple %add3A_275, 8 : i32
      %dma_start3A_464 = arith.constant 0 : i32
      %dma_start3A_465 = tpu.memref_slice %arg11[%multiple_of3A_463, %dma_start3A_464] : memref<224x128xf32, #tpu.memory_space<vmem>> -> memref<32x128xf32, #tpu.memory_space<vmem>>
      %dma_start3A_466 = tpu.memref_slice %arg6[%multiple_of3A] : memref<6432xi32, #tpu.memory_space<vmem>> -> memref<32xi32, #tpu.memory_space<vmem>>
      %dma_start3A_467 = arith.constant 0 : i32
      %dma_start3A_468 = arith.constant 0 : i32
      %dma_start3A_469 = tpu.memref_slice %arg4[%dma_start3A_467, %dma_start3A_468] : memref<100000x128xf32, #tpu.memory_space<hbm>> -> memref<100000x128xf32, #tpu.memory_space<hbm>>
      tpu.enqueue_indirect_dma source(%dma_start3A_469 : memref<100000x128xf32, #tpu.memory_space<hbm>>) target(%dma_start3A_465 : memref<32x128xf32, #tpu.memory_space<vmem>>) offsets(%dma_start3A_466 : memref<32xi32, #tpu.memory_space<vmem>>) semaphore(%arg15 : memref<!tpu.dma_semaphore, #tpu.memory_space<semaphore_mem>>)
    } else {
    }
    %add3A_283 = arith.addi %add3A_275, %and3A_277 : i32
    %scan3A = arith.constant 0 : i32
    %scan3A_284 = arith.constant 7 : i32
    %scan3A_285 = arith.addi %scan3A, %scan3A_284 : i32
    %scan3A_286 = arith.constant 1 : i32
    scf.for %scan3A_461 = %scan3A to %scan3A_285 step %scan3A_286  : i32 {
      %mul3A_462 = arith.constant 4 : i32
      %mul3A_463 = arith.muli %scan3A_461, %mul3A_462 : i32
      %add3A_464 = arith.constant 2 : i32
      %add3A_465 = arith.addi %add3A_464, %mul3A_463 : i32
      %add3A_466 = arith.constant 0 : i32
      %add3A_467 = arith.addi %add3A_465, %add3A_466 : i32
      %get3A_468 = arith.index_cast %add3A_467 : i32 to index
      %get3A_469 = tpu.vector_load %arg7[%get3A_468] {strides = array<i32>} : memref<48xi32, #tpu.memory_space<vmem>>, vector<16xi32>,
      %get3A_470 = vector.shape_cast %get3A_469 : vector<16xi32> to vector<16xi32>
      %slice3A_471 = vector.extract_strided_slice %get3A_470 {offsets = [0], sizes = [1], strides = [1]} : vector<16xi32> to vector<1xi32>
      %squeeze3A_472 = vector.extract %slice3A_471[0] : i32 from vector<1xi32>
      %add3A_473 = arith.constant 32 : i32
      %add3A_474 = arith.addi %squeeze3A_472, %add3A_473 : i32
      %sub3A_475 = arith.constant 1 : i32
      %sub3A_476 = arith.subi %add3A_474, %sub3A_475 : i32
      %and3A_477 = arith.constant -32 : i32
      %and3A_478 = arith.andi %sub3A_476, %and3A_477 : i32
      %and3A_479 = arith.constant 128 : i32
      %and3A_480 = arith.andi %and3A_478, %and3A_479 : i32
      %ne3A_481 = arith.constant 0 : i32
      %ne3A_482 = arith.cmpi ne, %and3A_480, %ne3A_481 : i32
      %convert_element_type3A_483 = arith.extui %ne3A_482 : i1 to i32
      %cond3A_484 = arith.constant 0 : i32
      %cond3A_485 = arith.cmpi ne, %convert_element_type3A_483, %cond3A_484 : i32
      scf.if %cond3A_485 {
        %dma_wait3A_946 = arith.constant 0 : i32
        %dma_wait3A_947 = arith.constant 0 : i32
        %dma_wait3A_948 = tpu.memref_slice %arg10[%dma_wait3A_946, %dma_wait3A_947] : memref<224x128xf32, #tpu.memory_space<vmem>> -> memref<128x128xf32, #tpu.memory_space<vmem>>
        %dma_wait3A_949 = arith.constant 0 : i32
        %dma_wait3A_950 = tpu.memref_slice %arg6[%dma_wait3A_949] : memref<6432xi32, #tpu.memory_space<vmem>> -> memref<128xi32, #tpu.memory_space<vmem>>
        %dma_wait3A_951 = arith.constant 0 : i32
        %dma_wait3A_952 = arith.constant 0 : i32
        %dma_wait3A_953 = tpu.memref_slice %arg4[%dma_wait3A_951, %dma_wait3A_952] : memref<100000x128xf32, #tpu.memory_space<hbm>> -> memref<100000x128xf32, #tpu.memory_space<hbm>>
        tpu.wait_indirect_dma semaphore(%arg14 : memref<!tpu.dma_semaphore, #tpu.memory_space<semaphore_mem>>) src(%dma_wait3A_953 : memref<100000x128xf32, #tpu.memory_space<hbm>>) dst(%dma_wait3A_948 : memref<128x128xf32, #tpu.memory_space<vmem>>)
      } else {
      }
      %and3A_486 = arith.constant 64 : i32
      %and3A_487 = arith.andi %and3A_478, %and3A_486 : i32
      %ne3A_488 = arith.constant 0 : i32
      %ne3A_489 = arith.cmpi ne, %and3A_487, %ne3A_488 : i32
      %convert_element_type3A_490 = arith.extui %ne3A_489 : i1 to i32
      %cond3A_491 = arith.constant 0 : i32
      %cond3A_492 = arith.cmpi ne, %convert_element_type3A_490, %cond3A_491 : i32
      scf.if %cond3A_492 {
        %dma_wait3A_946 = arith.constant 0 : i32
        %dma_wait3A_947 = arith.constant 0 : i32
        %dma_wait3A_948 = tpu.memref_slice %arg10[%dma_wait3A_946, %dma_wait3A_947] : memref<224x128xf32, #tpu.memory_space<vmem>> -> memref<64x128xf32, #tpu.memory_space<vmem>>
        %dma_wait3A_949 = arith.constant 0 : i32
        %dma_wait3A_950 = tpu.memref_slice %arg6[%dma_wait3A_949] : memref<6432xi32, #tpu.memory_space<vmem>> -> memref<64xi32, #tpu.memory_space<vmem>>
        %dma_wait3A_951 = arith.constant 0 : i32
        %dma_wait3A_952 = arith.constant 0 : i32
        %dma_wait3A_953 = tpu.memref_slice %arg4[%dma_wait3A_951, %dma_wait3A_952] : memref<100000x128xf32, #tpu.memory_space<hbm>> -> memref<100000x128xf32, #tpu.memory_space<hbm>>
        tpu.wait_indirect_dma semaphore(%arg14 : memref<!tpu.dma_semaphore, #tpu.memory_space<semaphore_mem>>) src(%dma_wait3A_953 : memref<100000x128xf32, #tpu.memory_space<hbm>>) dst(%dma_wait3A_948 : memref<64x128xf32, #tpu.memory_space<vmem>>)
      } else {
      }
      %and3A_493 = arith.constant 32 : i32
      %and3A_494 = arith.andi %and3A_478, %and3A_493 : i32
      %ne3A_495 = arith.constant 0 : i32
      %ne3A_496 = arith.cmpi ne, %and3A_494, %ne3A_495 : i32
      %convert_element_type3A_497 = arith.extui %ne3A_496 : i1 to i32
      %cond3A_498 = arith.constant 0 : i32
      %cond3A_499 = arith.cmpi ne, %convert_element_type3A_497, %cond3A_498 : i32
      scf.if %cond3A_499 {
        %dma_wait3A_946 = arith.constant 0 : i32
        %dma_wait3A_947 = arith.constant 0 : i32
        %dma_wait3A_948 = tpu.memref_slice %arg10[%dma_wait3A_946, %dma_wait3A_947] : memref<224x128xf32, #tpu.memory_space<vmem>> -> memref<32x128xf32, #tpu.memory_space<vmem>>
        %dma_wait3A_949 = arith.constant 0 : i32
        %dma_wait3A_950 = tpu.memref_slice %arg6[%dma_wait3A_949] : memref<6432xi32, #tpu.memory_space<vmem>> -> memref<32xi32, #tpu.memory_space<vmem>>
        %dma_wait3A_951 = arith.constant 0 : i32
        %dma_wait3A_952 = arith.constant 0 : i32
        %dma_wait3A_953 = tpu.memref_slice %arg4[%dma_wait3A_951, %dma_wait3A_952] : memref<100000x128xf32, #tpu.memory_space<hbm>> -> memref<100000x128xf32, #tpu.memory_space<hbm>>
        tpu.wait_indirect_dma semaphore(%arg14 : memref<!tpu.dma_semaphore, #tpu.memory_space<semaphore_mem>>) src(%dma_wait3A_953 : memref<100000x128xf32, #tpu.memory_space<hbm>>) dst(%dma_wait3A_948 : memref<32x128xf32, #tpu.memory_space<vmem>>)
      } else {
      }
      %get3A_500 = arith.index_cast %add3A_467 : i32 to index
      %get3A_501 = tpu.vector_load %arg7[%get3A_500] {strides = array<i32>} : memref<48xi32, #tpu.memory_space<vmem>>, vector<16xi32>,
      %get3A_502 = vector.shape_cast %get3A_501 : vector<16xi32> to vector<16xi32>
      %slice3A_503 = vector.extract_strided_slice %get3A_502 {offsets = [0], sizes = [1], strides = [1]} : vector<16xi32> to vector<1xi32>
      %squeeze3A_504 = vector.extract %slice3A_503[0] : i32 from vector<1xi32>
      %sub3A_505 = arith.constant 200 : i32
      %sub3A_506 = arith.subi %sub3A_505, %squeeze3A_504 : i32
      %sub3A_507 = arith.constant 1 : i32
      %sub3A_508 = arith.constant 1 : i32
      %sub3A_509 = arith.subi %sub3A_507, %sub3A_508 : i32
      %add3A_510 = arith.addi %sub3A_506, %sub3A_509 : i32
      %div3A_511 = arith.constant 1 : i32
      %div3A_512 = arith.divsi %add3A_510, %div3A_511 : i32
      %while3A_513 = arith.constant 1 : i32
      %while3A_514 = arith.constant 0 : i32
      %while3A_515 = arith.subi %div3A_512, %while3A_514 : i32
      %while3A_516 = arith.addi %while3A_514, %while3A_515 : i32
      %while3A_517 = arith.constant 1 : i32
      %while3A_518 = arith.divsi %while3A_515, %while3A_517 : i32
      %while3A_519 = arith.muli %while3A_518, %while3A_517 : i32
      %while3A_520 = arith.addi %while3A_514, %while3A_519 : i32
      %while3A_521 = arith.constant 1 : i32
      scf.for %while3A_946 = %while3A_514 to %while3A_520 step %while3A_521  : i32 {
        %mul3A_947 = arith.muli %while3A_946, %while3A_513 : i32
        %add3A_948 = arith.addi %squeeze3A_504, %mul3A_947 : i32
        %swap3A_949 = arith.index_cast %add3A_948 : i32 to index
        %swap3A_950 = arith.constant 0 : index
        %swap3A_951 = tpu.vector_load %arg10[%swap3A_949, %swap3A_950] {strides = array<i32>} : memref<224x128xf32, #tpu.memory_space<vmem>>, vector<1x16xf32>,
        %swap3A_952 = vector.shape_cast %swap3A_951 : vector<1x16xf32> to vector<16xf32>
        %swap3A_953 = vector.shape_cast %broadcast_in_dim3A_16 : vector<16xf32> to vector<1x16xf32>
        tpu.vector_store %arg10[%swap3A_949, %swap3A_950], %swap3A_953 {strides = array<i32>} : memref<224x128xf32, #tpu.memory_space<vmem>>, vector<1x16xf32>,
        %swap3A_954 = arith.index_cast %add3A_948 : i32 to index
        %swap3A_955 = arith.constant 16 : index
        %swap3A_956 = tpu.vector_load %arg10[%swap3A_954, %swap3A_955] {strides = array<i32>} : memref<224x128xf32, #tpu.memory_space<vmem>>, vector<1x16xf32>,
        %swap3A_957 = vector.shape_cast %swap3A_956 : vector<1x16xf32> to vector<16xf32>
        %swap3A_958 = vector.shape_cast %broadcast_in_dim3A_16 : vector<16xf32> to vector<1x16xf32>
        tpu.vector_store %arg10[%swap3A_954, %swap3A_955], %swap3A_958 {strides = array<i32>} : memref<224x128xf32, #tpu.memory_space<vmem>>, vector<1x16xf32>,
        %swap3A_959 = arith.index_cast %add3A_948 : i32 to index
        %swap3A_960 = arith.constant 32 : index
        %swap3A_961 = tpu.vector_load %arg10[%swap3A_959, %swap3A_960] {strides = array<i32>} : memref<224x128xf32, #tpu.memory_space<vmem>>, vector<1x16xf32>,
        %swap3A_962 = vector.shape_cast %swap3A_961 : vector<1x16xf32> to vector<16xf32>
        %swap3A_963 = vector.shape_cast %broadcast_in_dim3A_16 : vector<16xf32> to vector<1x16xf32>
        tpu.vector_store %arg10[%swap3A_959, %swap3A_960], %swap3A_963 {strides = array<i32>} : memref<224x128xf32, #tpu.memory_space<vmem>>, vector<1x16xf32>,
        %swap3A_964 = arith.index_cast %add3A_948 : i32 to index
        %swap3A_965 = arith.constant 48 : index
        %swap3A_966 = tpu.vector_load %arg10[%swap3A_964, %swap3A_965] {strides = array<i32>} : memref<224x128xf32, #tpu.memory_space<vmem>>, vector<1x16xf32>,
        %swap3A_967 = vector.shape_cast %swap3A_966 : vector<1x16xf32> to vector<16xf32>
        %swap3A_968 = vector.shape_cast %broadcast_in_dim3A_16 : vector<16xf32> to vector<1x16xf32>
        tpu.vector_store %arg10[%swap3A_964, %swap3A_965], %swap3A_968 {strides = array<i32>} : memref<224x128xf32, #tpu.memory_space<vmem>>, vector<1x16xf32>,
        %swap3A_969 = arith.index_cast %add3A_948 : i32 to index
        %swap3A_970 = arith.constant 64 : index
        %swap3A_971 = tpu.vector_load %arg10[%swap3A_969, %swap3A_970] {strides = array<i32>} : memref<224x128xf32, #tpu.memory_space<vmem>>, vector<1x16xf32>,
        %swap3A_972 = vector.shape_cast %swap3A_971 : vector<1x16xf32> to vector<16xf32>
        %swap3A_973 = vector.shape_cast %broadcast_in_dim3A_16 : vector<16xf32> to vector<1x16xf32>
        tpu.vector_store %arg10[%swap3A_969, %swap3A_970], %swap3A_973 {strides = array<i32>} : memref<224x128xf32, #tpu.memory_space<vmem>>, vector<1x16xf32>,
        %swap3A_974 = arith.index_cast %add3A_948 : i32 to index
        %swap3A_975 = arith.constant 80 : index
        %swap3A_976 = tpu.vector_load %arg10[%swap3A_974, %swap3A_975] {strides = array<i32>} : memref<224x128xf32, #tpu.memory_space<vmem>>, vector<1x16xf32>,
        %swap3A_977 = vector.shape_cast %swap3A_976 : vector<1x16xf32> to vector<16xf32>
        %swap3A_978 = vector.shape_cast %broadcast_in_dim3A_16 : vector<16xf32> to vector<1x16xf32>
        tpu.vector_store %arg10[%swap3A_974, %swap3A_975], %swap3A_978 {strides = array<i32>} : memref<224x128xf32, #tpu.memory_space<vmem>>, vector<1x16xf32>,
        %swap3A_979 = arith.index_cast %add3A_948 : i32 to index
        %swap3A_980 = arith.constant 96 : index
        %swap3A_981 = tpu.vector_load %arg10[%swap3A_979, %swap3A_980] {strides = array<i32>} : memref<224x128xf32, #tpu.memory_space<vmem>>, vector<1x16xf32>,
        %swap3A_982 = vector.shape_cast %swap3A_981 : vector<1x16xf32> to vector<16xf32>
        %swap3A_983 = vector.shape_cast %broadcast_in_dim3A_16 : vector<16xf32> to vector<1x16xf32>
        tpu.vector_store %arg10[%swap3A_979, %swap3A_980], %swap3A_983 {strides = array<i32>} : memref<224x128xf32, #tpu.memory_space<vmem>>, vector<1x16xf32>,
        %swap3A_984 = arith.index_cast %add3A_948 : i32 to index
        %swap3A_985 = arith.constant 112 : index
        %swap3A_986 = tpu.vector_load %arg10[%swap3A_984, %swap3A_985] {strides = array<i32>} : memref<224x128xf32, #tpu.memory_space<vmem>>, vector<1x16xf32>,
        %swap3A_987 = vector.shape_cast %swap3A_986 : vector<1x16xf32> to vector<16xf32>
        %swap3A_988 = vector.shape_cast %broadcast_in_dim3A_16 : vector<16xf32> to vector<1x16xf32>
        tpu.vector_store %arg10[%swap3A_984, %swap3A_985], %swap3A_988 {strides = array<i32>} : memref<224x128xf32, #tpu.memory_space<vmem>>, vector<1x16xf32>,
      }
      %while3A_522 = arith.constant 1 : i32
      scf.for %while3A_946 = %while3A_520 to %while3A_516 step %while3A_522  : i32 {
        %mul3A_947 = arith.muli %while3A_946, %while3A_513 : i32
        %add3A_948 = arith.addi %squeeze3A_504, %mul3A_947 : i32
        %swap3A_949 = arith.index_cast %add3A_948 : i32 to index
        %swap3A_950 = arith.constant 0 : index
        %swap3A_951 = tpu.vector_load %arg10[%swap3A_949, %swap3A_950] {strides = array<i32>} : memref<224x128xf32, #tpu.memory_space<vmem>>, vector<1x16xf32>,
        %swap3A_952 = vector.shape_cast %swap3A_951 : vector<1x16xf32> to vector<16xf32>
        %swap3A_953 = vector.shape_cast %broadcast_in_dim3A_16 : vector<16xf32> to vector<1x16xf32>
        tpu.vector_store %arg10[%swap3A_949, %swap3A_950], %swap3A_953 {strides = array<i32>} : memref<224x128xf32, #tpu.memory_space<vmem>>, vector<1x16xf32>,
        %swap3A_954 = arith.index_cast %add3A_948 : i32 to index
        %swap3A_955 = arith.constant 16 : index
        %swap3A_956 = tpu.vector_load %arg10[%swap3A_954, %swap3A_955] {strides = array<i32>} : memref<224x128xf32, #tpu.memory_space<vmem>>, vector<1x16xf32>,
        %swap3A_957 = vector.shape_cast %swap3A_956 : vector<1x16xf32> to vector<16xf32>
        %swap3A_958 = vector.shape_cast %broadcast_in_dim3A_16 : vector<16xf32> to vector<1x16xf32>
        tpu.vector_store %arg10[%swap3A_954, %swap3A_955], %swap3A_958 {strides = array<i32>} : memref<224x128xf32, #tpu.memory_space<vmem>>, vector<1x16xf32>,
        %swap3A_959 = arith.index_cast %add3A_948 : i32 to index
        %swap3A_960 = arith.constant 32 : index
        %swap3A_961 = tpu.vector_load %arg10[%swap3A_959, %swap3A_960] {strides = array<i32>} : memref<224x128xf32, #tpu.memory_space<vmem>>, vector<1x16xf32>,
        %swap3A_962 = vector.shape_cast %swap3A_961 : vector<1x16xf32> to vector<16xf32>
        %swap3A_963 = vector.shape_cast %broadcast_in_dim3A_16 : vector<16xf32> to vector<1x16xf32>
        tpu.vector_store %arg10[%swap3A_959, %swap3A_960], %swap3A_963 {strides = array<i32>} : memref<224x128xf32, #tpu.memory_space<vmem>>, vector<1x16xf32>,
        %swap3A_964 = arith.index_cast %add3A_948 : i32 to index
        %swap3A_965 = arith.constant 48 : index
        %swap3A_966 = tpu.vector_load %arg10[%swap3A_964, %swap3A_965] {strides = array<i32>} : memref<224x128xf32, #tpu.memory_space<vmem>>, vector<1x16xf32>,
        %swap3A_967 = vector.shape_cast %swap3A_966 : vector<1x16xf32> to vector<16xf32>
        %swap3A_968 = vector.shape_cast %broadcast_in_dim3A_16 : vector<16xf32> to vector<1x16xf32>
        tpu.vector_store %arg10[%swap3A_964, %swap3A_965], %swap3A_968 {strides = array<i32>} : memref<224x128xf32, #tpu.memory_space<vmem>>, vector<1x16xf32>,
        %swap3A_969 = arith.index_cast %add3A_948 : i32 to index
        %swap3A_970 = arith.constant 64 : index
        %swap3A_971 = tpu.vector_load %arg10[%swap3A_969, %swap3A_970] {strides = array<i32>} : memref<224x128xf32, #tpu.memory_space<vmem>>, vector<1x16xf32>,
        %swap3A_972 = vector.shape_cast %swap3A_971 : vector<1x16xf32> to vector<16xf32>
        %swap3A_973 = vector.shape_cast %broadcast_in_dim3A_16 : vector<16xf32> to vector<1x16xf32>
        tpu.vector_store %arg10[%swap3A_969, %swap3A_970], %swap3A_973 {strides = array<i32>} : memref<224x128xf32, #tpu.memory_space<vmem>>, vector<1x16xf32>,
        %swap3A_974 = arith.index_cast %add3A_948 : i32 to index
        %swap3A_975 = arith.constant 80 : index
        %swap3A_976 = tpu.vector_load %arg10[%swap3A_974, %swap3A_975] {strides = array<i32>} : memref<224x128xf32, #tpu.memory_space<vmem>>, vector<1x16xf32>,
        %swap3A_977 = vector.shape_cast %swap3A_976 : vector<1x16xf32> to vector<16xf32>
        %swap3A_978 = vector.shape_cast %broadcast_in_dim3A_16 : vector<16xf32> to vector<1x16xf32>
        tpu.vector_store %arg10[%swap3A_974, %swap3A_975], %swap3A_978 {strides = array<i32>} : memref<224x128xf32, #tpu.memory_space<vmem>>, vector<1x16xf32>,
        %swap3A_979 = arith.index_cast %add3A_948 : i32 to index
        %swap3A_980 = arith.constant 96 : index
        %swap3A_981 = tpu.vector_load %arg10[%swap3A_979, %swap3A_980] {strides = array<i32>} : memref<224x128xf32, #tpu.memory_space<vmem>>, vector<1x16xf32>,
        %swap3A_982 = vector.shape_cast %swap3A_981 : vector<1x16xf32> to vector<16xf32>
        %swap3A_983 = vector.shape_cast %broadcast_in_dim3A_16 : vector<16xf32> to vector<1x16xf32>
        tpu.vector_store %arg10[%swap3A_979, %swap3A_980], %swap3A_983 {strides = array<i32>} : memref<224x128xf32, #tpu.memory_space<vmem>>, vector<1x16xf32>,
        %swap3A_984 = arith.index_cast %add3A_948 : i32 to index
        %swap3A_985 = arith.constant 112 : index
        %swap3A_986 = tpu.vector_load %arg10[%swap3A_984, %swap3A_985] {strides = array<i32>} : memref<224x128xf32, #tpu.memory_space<vmem>>, vector<1x16xf32>,
        %swap3A_987 = vector.shape_cast %swap3A_986 : vector<1x16xf32> to vector<16xf32>
        %swap3A_988 = vector.shape_cast %broadcast_in_dim3A_16 : vector<16xf32> to vector<1x16xf32>
        tpu.vector_store %arg10[%swap3A_984, %swap3A_985], %swap3A_988 {strides = array<i32>} : memref<224x128xf32, #tpu.memory_space<vmem>>, vector<1x16xf32>,
      }
      %mul3A_523 = arith.constant 200 : i32
      %mul3A_524 = arith.muli %add3A_467, %mul3A_523 : i32
      %add3A_525 = arith.addi %mul3A_2, %mul3A_524 : i32
      %dma_start3A_526 = arith.constant 0 : i32
      %dma_start3A_527 = arith.constant 0 : i32
      %dma_start3A_528 = tpu.memref_slice %arg10[%dma_start3A_526, %dma_start3A_527] : memref<224x128xf32, #tpu.memory_space<vmem>> -> memref<200x128xf32, #tpu.memory_space<vmem>>
      %dma_start3A_529 = arith.constant 0 : i32
      %dma_start3A_530 = tpu.memref_slice %arg5[%add3A_525, %dma_start3A_529] : memref<204800x128xf32, #tpu.memory_space<hbm>> -> memref<200x128xf32, #tpu.memory_space<hbm>>
      %dma_start3A_531 = arith.constant 0 : i32
      %dma_start3A_532 = tpu.memref_slice %arg5[%add3A_525, %dma_start3A_531] : memref<204800x128xf32, #tpu.memory_space<hbm>> -> memref<200x128xf32, #tpu.memory_space<hbm>>
      %dma_start3A_533 = arith.constant 0 : i32
      %dma_start3A_534 = arith.constant 0 : i32
      %dma_start3A_535 = tpu.memref_slice %arg10[%dma_start3A_533, %dma_start3A_534] : memref<224x128xf32, #tpu.memory_space<vmem>> -> memref<200x128xf32, #tpu.memory_space<vmem>>
      tpu.enqueue_dma source(%dma_start3A_535 : memref<200x128xf32, #tpu.memory_space<vmem>>) target(%dma_start3A_532 : memref<200x128xf32, #tpu.memory_space<hbm>>) target_semaphore(%arg18 : memref<!tpu.dma_semaphore, #tpu.memory_space<semaphore_mem>>)
      %dma_wait3A_536 = arith.constant 0 : i32
      %dma_wait3A_537 = arith.constant 0 : i32
      %dma_wait3A_538 = tpu.memref_slice %arg8[%dma_wait3A_536, %dma_wait3A_537] : memref<224x128xf32, #tpu.memory_space<vmem>> -> memref<200x128xf32, #tpu.memory_space<vmem>>
      %dma_wait3A_539 = arith.constant 0 : i32
      %dma_wait3A_540 = tpu.memref_slice %arg5[%mul3A_2, %dma_wait3A_539] : memref<204800x128xf32, #tpu.memory_space<hbm>> -> memref<200x128xf32, #tpu.memory_space<hbm>>
      %dma_wait3A_541 = arith.constant 0 : i32
      %dma_wait3A_542 = tpu.memref_slice %arg5[%mul3A_2, %dma_wait3A_541] : memref<204800x128xf32, #tpu.memory_space<hbm>> -> memref<200x128xf32, #tpu.memory_space<hbm>>
      %dma_wait3A_543 = arith.constant 0 : i32
      %dma_wait3A_544 = arith.constant 0 : i32
      %dma_wait3A_545 = tpu.memref_slice %arg8[%dma_wait3A_543, %dma_wait3A_544] : memref<224x128xf32, #tpu.memory_space<vmem>> -> memref<200x128xf32, #tpu.memory_space<vmem>>
      tpu.wait_dma2 semaphore(%arg16 : memref<!tpu.dma_semaphore, #tpu.memory_space<semaphore_mem>>) src(%dma_wait3A_545 : memref<200x128xf32, #tpu.memory_space<vmem>>) dst(%dma_wait3A_542 : memref<200x128xf32, #tpu.memory_space<hbm>>)
      %add3A_546 = arith.constant 2 : i32
      %add3A_547 = arith.addi %add3A_467, %add3A_546 : i32
      %mul3A_548 = arith.constant 200 : i32
      %mul3A_549 = arith.muli %add3A_547, %mul3A_548 : i32
      %get3A_550 = arith.index_cast %add3A_547 : i32 to index
      %get3A_551 = tpu.vector_load %arg7[%get3A_550] {strides = array<i32>} : memref<48xi32, #tpu.memory_space<vmem>>, vector<16xi32>,
      %get3A_552 = vector.shape_cast %get3A_551 : vector<16xi32> to vector<16xi32>
      %slice3A_553 = vector.extract_strided_slice %get3A_552 {offsets = [0], sizes = [1], strides = [1]} : vector<16xi32> to vector<1xi32>
      %squeeze3A_554 = vector.extract %slice3A_553[0] : i32 from vector<1xi32>
      %add3A_555 = arith.constant 32 : i32
      %add3A_556 = arith.addi %squeeze3A_554, %add3A_555 : i32
      %sub3A_557 = arith.constant 1 : i32
      %sub3A_558 = arith.subi %add3A_556, %sub3A_557 : i32
      %and3A_559 = arith.constant -32 : i32
      %and3A_560 = arith.andi %sub3A_558, %and3A_559 : i32
      %and3A_561 = arith.constant 128 : i32
      %and3A_562 = arith.andi %and3A_560, %and3A_561 : i32
      %ne3A_563 = arith.constant 0 : i32
      %ne3A_564 = arith.cmpi ne, %and3A_562, %ne3A_563 : i32
      %convert_element_type3A_565 = arith.extui %ne3A_564 : i1 to i32
      %cond3A_566 = arith.constant 0 : i32
      %cond3A_567 = arith.cmpi ne, %convert_element_type3A_565, %cond3A_566 : i32
      scf.if %cond3A_567 {
        %add3A_946 = arith.constant 0 : i32
        %add3A_947 = arith.addi %mul3A_549, %add3A_946 : i32
        %multiple_of3A = tpu.assume_multiple %add3A_947, 8 : i32
        %multiple_of3A_948 = arith.constant 0 : i32
        %multiple_of3A_949 = tpu.assume_multiple %multiple_of3A_948, 8 : i32
        %dma_start3A_950 = arith.constant 0 : i32
        %dma_start3A_951 = tpu.memref_slice %arg8[%multiple_of3A_949, %dma_start3A_950] : memref<224x128xf32, #tpu.memory_space<vmem>> -> memref<128x128xf32, #tpu.memory_space<vmem>>
        %dma_start3A_952 = tpu.memref_slice %arg6[%multiple_of3A] : memref<6432xi32, #tpu.memory_space<vmem>> -> memref<128xi32, #tpu.memory_space<vmem>>
        %dma_start3A_953 = arith.constant 0 : i32
        %dma_start3A_954 = arith.constant 0 : i32
        %dma_start3A_955 = tpu.memref_slice %arg4[%dma_start3A_953, %dma_start3A_954] : memref<100000x128xf32, #tpu.memory_space<hbm>> -> memref<100000x128xf32, #tpu.memory_space<hbm>>
        tpu.enqueue_indirect_dma source(%dma_start3A_955 : memref<100000x128xf32, #tpu.memory_space<hbm>>) target(%dma_start3A_951 : memref<128x128xf32, #tpu.memory_space<vmem>>) offsets(%dma_start3A_952 : memref<128xi32, #tpu.memory_space<vmem>>) semaphore(%arg12 : memref<!tpu.dma_semaphore, #tpu.memory_space<semaphore_mem>>)
      } else {
      }
      %add3A_568 = arith.constant 0 : i32
      %add3A_569 = arith.addi %add3A_568, %and3A_562 : i32
      %and3A_570 = arith.constant 64 : i32
      %and3A_571 = arith.andi %and3A_560, %and3A_570 : i32
      %ne3A_572 = arith.constant 0 : i32
      %ne3A_573 = arith.cmpi ne, %and3A_571, %ne3A_572 : i32
      %convert_element_type3A_574 = arith.extui %ne3A_573 : i1 to i32
      %cond3A_575 = arith.constant 0 : i32
      %cond3A_576 = arith.cmpi ne, %convert_element_type3A_574, %cond3A_575 : i32
      scf.if %cond3A_576 {
        %add3A_946 = arith.addi %mul3A_549, %add3A_569 : i32
        %multiple_of3A = tpu.assume_multiple %add3A_946, 8 : i32
        %multiple_of3A_947 = tpu.assume_multiple %add3A_569, 8 : i32
        %dma_start3A_948 = arith.constant 0 : i32
        %dma_start3A_949 = tpu.memref_slice %arg8[%multiple_of3A_947, %dma_start3A_948] : memref<224x128xf32, #tpu.memory_space<vmem>> -> memref<64x128xf32, #tpu.memory_space<vmem>>
        %dma_start3A_950 = tpu.memref_slice %arg6[%multiple_of3A] : memref<6432xi32, #tpu.memory_space<vmem>> -> memref<64xi32, #tpu.memory_space<vmem>>
        %dma_start3A_951 = arith.constant 0 : i32
        %dma_start3A_952 = arith.constant 0 : i32
        %dma_start3A_953 = tpu.memref_slice %arg4[%dma_start3A_951, %dma_start3A_952] : memref<100000x128xf32, #tpu.memory_space<hbm>> -> memref<100000x128xf32, #tpu.memory_space<hbm>>
        tpu.enqueue_indirect_dma source(%dma_start3A_953 : memref<100000x128xf32, #tpu.memory_space<hbm>>) target(%dma_start3A_949 : memref<64x128xf32, #tpu.memory_space<vmem>>) offsets(%dma_start3A_950 : memref<64xi32, #tpu.memory_space<vmem>>) semaphore(%arg12 : memref<!tpu.dma_semaphore, #tpu.memory_space<semaphore_mem>>)
      } else {
      }
      %add3A_577 = arith.addi %add3A_569, %and3A_571 : i32
      %and3A_578 = arith.constant 32 : i32
      %and3A_579 = arith.andi %and3A_560, %and3A_578 : i32
      %ne3A_580 = arith.constant 0 : i32
      %ne3A_581 = arith.cmpi ne, %and3A_579, %ne3A_580 : i32
      %convert_element_type3A_582 = arith.extui %ne3A_581 : i1 to i32
      %cond3A_583 = arith.constant 0 : i32
      %cond3A_584 = arith.cmpi ne, %convert_element_type3A_582, %cond3A_583 : i32
      scf.if %cond3A_584 {
        %add3A_946 = arith.addi %mul3A_549, %add3A_577 : i32
        %multiple_of3A = tpu.assume_multiple %add3A_946, 8 : i32
        %multiple_of3A_947 = tpu.assume_multiple %add3A_577, 8 : i32
        %dma_start3A_948 = arith.constant 0 : i32
        %dma_start3A_949 = tpu.memref_slice %arg8[%multiple_of3A_947, %dma_start3A_948] : memref<224x128xf32, #tpu.memory_space<vmem>> -> memref<32x128xf32, #tpu.memory_space<vmem>>
        %dma_start3A_950 = tpu.memref_slice %arg6[%multiple_of3A] : memref<6432xi32, #tpu.memory_space<vmem>> -> memref<32xi32, #tpu.memory_space<vmem>>
        %dma_start3A_951 = arith.constant 0 : i32
        %dma_start3A_952 = arith.constant 0 : i32
        %dma_start3A_953 = tpu.memref_slice %arg4[%dma_start3A_951, %dma_start3A_952] : memref<100000x128xf32, #tpu.memory_space<hbm>> -> memref<100000x128xf32, #tpu.memory_space<hbm>>
        tpu.enqueue_indirect_dma source(%dma_start3A_953 : memref<100000x128xf32, #tpu.memory_space<hbm>>) target(%dma_start3A_949 : memref<32x128xf32, #tpu.memory_space<vmem>>) offsets(%dma_start3A_950 : memref<32xi32, #tpu.memory_space<vmem>>) semaphore(%arg12 : memref<!tpu.dma_semaphore, #tpu.memory_space<semaphore_mem>>)
      } else {
      }
      %add3A_585 = arith.addi %add3A_577, %and3A_579 : i32
      %add3A_586 = arith.constant 1 : i32
      %add3A_587 = arith.addi %add3A_465, %add3A_586 : i32
      %get3A_588 = arith.index_cast %add3A_587 : i32 to index
      %get3A_589 = tpu.vector_load %arg7[%get3A_588] {strides = array<i32>} : memref<48xi32, #tpu.memory_space<vmem>>, vector<16xi32>,
      %get3A_590 = vector.shape_cast %get3A_589 : vector<16xi32> to vector<16xi32>
      %slice3A_591 = vector.extract_strided_slice %get3A_590 {offsets = [0], sizes = [1], strides = [1]} : vector<16xi32> to vector<1xi32>
      %squeeze3A_592 = vector.extract %slice3A_591[0] : i32 from vector<1xi32>
      %add3A_593 = arith.constant 32 : i32
      %add3A_594 = arith.addi %squeeze3A_592, %add3A_593 : i32
      %sub3A_595 = arith.constant 1 : i32
      %sub3A_596 = arith.subi %add3A_594, %sub3A_595 : i32
      %and3A_597 = arith.constant -32 : i32
      %and3A_598 = arith.andi %sub3A_596, %and3A_597 : i32
      %and3A_599 = arith.constant 128 : i32
      %and3A_600 = arith.andi %and3A_598, %and3A_599 : i32
      %ne3A_601 = arith.constant 0 : i32
      %ne3A_602 = arith.cmpi ne, %and3A_600, %ne3A_601 : i32
      %convert_element_type3A_603 = arith.extui %ne3A_602 : i1 to i32
      %cond3A_604 = arith.constant 0 : i32
      %cond3A_605 = arith.cmpi ne, %convert_element_type3A_603, %cond3A_604 : i32
      scf.if %cond3A_605 {
        %dma_wait3A_946 = arith.constant 0 : i32
        %dma_wait3A_947 = arith.constant 0 : i32
        %dma_wait3A_948 = tpu.memref_slice %arg11[%dma_wait3A_946, %dma_wait3A_947] : memref<224x128xf32, #tpu.memory_space<vmem>> -> memref<128x128xf32, #tpu.memory_space<vmem>>
        %dma_wait3A_949 = arith.constant 0 : i32
        %dma_wait3A_950 = tpu.memref_slice %arg6[%dma_wait3A_949] : memref<6432xi32, #tpu.memory_space<vmem>> -> memref<128xi32, #tpu.memory_space<vmem>>
        %dma_wait3A_951 = arith.constant 0 : i32
        %dma_wait3A_952 = arith.constant 0 : i32
        %dma_wait3A_953 = tpu.memref_slice %arg4[%dma_wait3A_951, %dma_wait3A_952] : memref<100000x128xf32, #tpu.memory_space<hbm>> -> memref<100000x128xf32, #tpu.memory_space<hbm>>
        tpu.wait_indirect_dma semaphore(%arg15 : memref<!tpu.dma_semaphore, #tpu.memory_space<semaphore_mem>>) src(%dma_wait3A_953 : memref<100000x128xf32, #tpu.memory_space<hbm>>) dst(%dma_wait3A_948 : memref<128x128xf32, #tpu.memory_space<vmem>>)
      } else {
      }
      %and3A_606 = arith.constant 64 : i32
      %and3A_607 = arith.andi %and3A_598, %and3A_606 : i32
      %ne3A_608 = arith.constant 0 : i32
      %ne3A_609 = arith.cmpi ne, %and3A_607, %ne3A_608 : i32
      %convert_element_type3A_610 = arith.extui %ne3A_609 : i1 to i32
      %cond3A_611 = arith.constant 0 : i32
      %cond3A_612 = arith.cmpi ne, %convert_element_type3A_610, %cond3A_611 : i32
      scf.if %cond3A_612 {
        %dma_wait3A_946 = arith.constant 0 : i32
        %dma_wait3A_947 = arith.constant 0 : i32
        %dma_wait3A_948 = tpu.memref_slice %arg11[%dma_wait3A_946, %dma_wait3A_947] : memref<224x128xf32, #tpu.memory_space<vmem>> -> memref<64x128xf32, #tpu.memory_space<vmem>>
        %dma_wait3A_949 = arith.constant 0 : i32
        %dma_wait3A_950 = tpu.memref_slice %arg6[%dma_wait3A_949] : memref<6432xi32, #tpu.memory_space<vmem>> -> memref<64xi32, #tpu.memory_space<vmem>>
        %dma_wait3A_951 = arith.constant 0 : i32
        %dma_wait3A_952 = arith.constant 0 : i32
        %dma_wait3A_953 = tpu.memref_slice %arg4[%dma_wait3A_951, %dma_wait3A_952] : memref<100000x128xf32, #tpu.memory_space<hbm>> -> memref<100000x128xf32, #tpu.memory_space<hbm>>
        tpu.wait_indirect_dma semaphore(%arg15 : memref<!tpu.dma_semaphore, #tpu.memory_space<semaphore_mem>>) src(%dma_wait3A_953 : memref<100000x128xf32, #tpu.memory_space<hbm>>) dst(%dma_wait3A_948 : memref<64x128xf32, #tpu.memory_space<vmem>>)
      } else {
      }
      %and3A_613 = arith.constant 32 : i32
      %and3A_614 = arith.andi %and3A_598, %and3A_613 : i32
      %ne3A_615 = arith.constant 0 : i32
      %ne3A_616 = arith.cmpi ne, %and3A_614, %ne3A_615 : i32
      %convert_element_type3A_617 = arith.extui %ne3A_616 : i1 to i32
      %cond3A_618 = arith.constant 0 : i32
      %cond3A_619 = arith.cmpi ne, %convert_element_type3A_617, %cond3A_618 : i32
      scf.if %cond3A_619 {
        %dma_wait3A_946 = arith.constant 0 : i32
        %dma_wait3A_947 = arith.constant 0 : i32
        %dma_wait3A_948 = tpu.memref_slice %arg11[%dma_wait3A_946, %dma_wait3A_947] : memref<224x128xf32, #tpu.memory_space<vmem>> -> memref<32x128xf32, #tpu.memory_space<vmem>>
        %dma_wait3A_949 = arith.constant 0 : i32
        %dma_wait3A_950 = tpu.memref_slice %arg6[%dma_wait3A_949] : memref<6432xi32, #tpu.memory_space<vmem>> -> memref<32xi32, #tpu.memory_space<vmem>>
        %dma_wait3A_951 = arith.constant 0 : i32
        %dma_wait3A_952 = arith.constant 0 : i32
        %dma_wait3A_953 = tpu.memref_slice %arg4[%dma_wait3A_951, %dma_wait3A_952] : memref<100000x128xf32, #tpu.memory_space<hbm>> -> memref<100000x128xf32, #tpu.memory_space<hbm>>
        tpu.wait_indirect_dma semaphore(%arg15 : memref<!tpu.dma_semaphore, #tpu.memory_space<semaphore_mem>>) src(%dma_wait3A_953 : memref<100000x128xf32, #tpu.memory_space<hbm>>) dst(%dma_wait3A_948 : memref<32x128xf32, #tpu.memory_space<vmem>>)
      } else {
      }
      %get3A_620 = arith.index_cast %add3A_587 : i32 to index
      %get3A_621 = tpu.vector_load %arg7[%get3A_620] {strides = array<i32>} : memref<48xi32, #tpu.memory_space<vmem>>, vector<16xi32>,
      %get3A_622 = vector.shape_cast %get3A_621 : vector<16xi32> to vector<16xi32>
      %slice3A_623 = vector.extract_strided_slice %get3A_622 {offsets = [0], sizes = [1], strides = [1]} : vector<16xi32> to vector<1xi32>
      %squeeze3A_624 = vector.extract %slice3A_623[0] : i32 from vector<1xi32>
      %sub3A_625 = arith.constant 200 : i32
      %sub3A_626 = arith.subi %sub3A_625, %squeeze3A_624 : i32
      %sub3A_627 = arith.constant 1 : i32
      %sub3A_628 = arith.constant 1 : i32
      %sub3A_629 = arith.subi %sub3A_627, %sub3A_628 : i32
      %add3A_630 = arith.addi %sub3A_626, %sub3A_629 : i32
      %div3A_631 = arith.constant 1 : i32
      %div3A_632 = arith.divsi %add3A_630, %div3A_631 : i32
      %while3A_633 = arith.constant 1 : i32
      %while3A_634 = arith.constant 0 : i32
      %while3A_635 = arith.subi %div3A_632, %while3A_634 : i32
      %while3A_636 = arith.addi %while3A_634, %while3A_635 : i32
      %while3A_637 = arith.constant 1 : i32
      %while3A_638 = arith.divsi %while3A_635, %while3A_637 : i32
      %while3A_639 = arith.muli %while3A_638, %while3A_637 : i32
      %while3A_640 = arith.addi %while3A_634, %while3A_639 : i32
      %while3A_641 = arith.constant 1 : i32
      scf.for %while3A_946 = %while3A_634 to %while3A_640 step %while3A_641  : i32 {
        %mul3A_947 = arith.muli %while3A_946, %while3A_633 : i32
        %add3A_948 = arith.addi %squeeze3A_624, %mul3A_947 : i32
        %swap3A_949 = arith.index_cast %add3A_948 : i32 to index
        %swap3A_950 = arith.constant 0 : index
        %swap3A_951 = tpu.vector_load %arg11[%swap3A_949, %swap3A_950] {strides = array<i32>} : memref<224x128xf32, #tpu.memory_space<vmem>>, vector<1x16xf32>,
        %swap3A_952 = vector.shape_cast %swap3A_951 : vector<1x16xf32> to vector<16xf32>
        %swap3A_953 = vector.shape_cast %broadcast_in_dim3A_16 : vector<16xf32> to vector<1x16xf32>
        tpu.vector_store %arg11[%swap3A_949, %swap3A_950], %swap3A_953 {strides = array<i32>} : memref<224x128xf32, #tpu.memory_space<vmem>>, vector<1x16xf32>,
        %swap3A_954 = arith.index_cast %add3A_948 : i32 to index
        %swap3A_955 = arith.constant 16 : index
        %swap3A_956 = tpu.vector_load %arg11[%swap3A_954, %swap3A_955] {strides = array<i32>} : memref<224x128xf32, #tpu.memory_space<vmem>>, vector<1x16xf32>,
        %swap3A_957 = vector.shape_cast %swap3A_956 : vector<1x16xf32> to vector<16xf32>
        %swap3A_958 = vector.shape_cast %broadcast_in_dim3A_16 : vector<16xf32> to vector<1x16xf32>
        tpu.vector_store %arg11[%swap3A_954, %swap3A_955], %swap3A_958 {strides = array<i32>} : memref<224x128xf32, #tpu.memory_space<vmem>>, vector<1x16xf32>,
        %swap3A_959 = arith.index_cast %add3A_948 : i32 to index
        %swap3A_960 = arith.constant 32 : index
        %swap3A_961 = tpu.vector_load %arg11[%swap3A_959, %swap3A_960] {strides = array<i32>} : memref<224x128xf32, #tpu.memory_space<vmem>>, vector<1x16xf32>,
        %swap3A_962 = vector.shape_cast %swap3A_961 : vector<1x16xf32> to vector<16xf32>
        %swap3A_963 = vector.shape_cast %broadcast_in_dim3A_16 : vector<16xf32> to vector<1x16xf32>
        tpu.vector_store %arg11[%swap3A_959, %swap3A_960], %swap3A_963 {strides = array<i32>} : memref<224x128xf32, #tpu.memory_space<vmem>>, vector<1x16xf32>,
        %swap3A_964 = arith.index_cast %add3A_948 : i32 to index
        %swap3A_965 = arith.constant 48 : index
        %swap3A_966 = tpu.vector_load %arg11[%swap3A_964, %swap3A_965] {strides = array<i32>} : memref<224x128xf32, #tpu.memory_space<vmem>>, vector<1x16xf32>,
        %swap3A_967 = vector.shape_cast %swap3A_966 : vector<1x16xf32> to vector<16xf32>
        %swap3A_968 = vector.shape_cast %broadcast_in_dim3A_16 : vector<16xf32> to vector<1x16xf32>
        tpu.vector_store %arg11[%swap3A_964, %swap3A_965], %swap3A_968 {strides = array<i32>} : memref<224x128xf32, #tpu.memory_space<vmem>>, vector<1x16xf32>,
        %swap3A_969 = arith.index_cast %add3A_948 : i32 to index
        %swap3A_970 = arith.constant 64 : index
        %swap3A_971 = tpu.vector_load %arg11[%swap3A_969, %swap3A_970] {strides = array<i32>} : memref<224x128xf32, #tpu.memory_space<vmem>>, vector<1x16xf32>,
        %swap3A_972 = vector.shape_cast %swap3A_971 : vector<1x16xf32> to vector<16xf32>
        %swap3A_973 = vector.shape_cast %broadcast_in_dim3A_16 : vector<16xf32> to vector<1x16xf32>
        tpu.vector_store %arg11[%swap3A_969, %swap3A_970], %swap3A_973 {strides = array<i32>} : memref<224x128xf32, #tpu.memory_space<vmem>>, vector<1x16xf32>,
        %swap3A_974 = arith.index_cast %add3A_948 : i32 to index
        %swap3A_975 = arith.constant 80 : index
        %swap3A_976 = tpu.vector_load %arg11[%swap3A_974, %swap3A_975] {strides = array<i32>} : memref<224x128xf32, #tpu.memory_space<vmem>>, vector<1x16xf32>,
        %swap3A_977 = vector.shape_cast %swap3A_976 : vector<1x16xf32> to vector<16xf32>
        %swap3A_978 = vector.shape_cast %broadcast_in_dim3A_16 : vector<16xf32> to vector<1x16xf32>
        tpu.vector_store %arg11[%swap3A_974, %swap3A_975], %swap3A_978 {strides = array<i32>} : memref<224x128xf32, #tpu.memory_space<vmem>>, vector<1x16xf32>,
        %swap3A_979 = arith.index_cast %add3A_948 : i32 to index
        %swap3A_980 = arith.constant 96 : index
        %swap3A_981 = tpu.vector_load %arg11[%swap3A_979, %swap3A_980] {strides = array<i32>} : memref<224x128xf32, #tpu.memory_space<vmem>>, vector<1x16xf32>,
        %swap3A_982 = vector.shape_cast %swap3A_981 : vector<1x16xf32> to vector<16xf32>
        %swap3A_983 = vector.shape_cast %broadcast_in_dim3A_16 : vector<16xf32> to vector<1x16xf32>
        tpu.vector_store %arg11[%swap3A_979, %swap3A_980], %swap3A_983 {strides = array<i32>} : memref<224x128xf32, #tpu.memory_space<vmem>>, vector<1x16xf32>,
        %swap3A_984 = arith.index_cast %add3A_948 : i32 to index
        %swap3A_985 = arith.constant 112 : index
        %swap3A_986 = tpu.vector_load %arg11[%swap3A_984, %swap3A_985] {strides = array<i32>} : memref<224x128xf32, #tpu.memory_space<vmem>>, vector<1x16xf32>,
        %swap3A_987 = vector.shape_cast %swap3A_986 : vector<1x16xf32> to vector<16xf32>
        %swap3A_988 = vector.shape_cast %broadcast_in_dim3A_16 : vector<16xf32> to vector<1x16xf32>
        tpu.vector_store %arg11[%swap3A_984, %swap3A_985], %swap3A_988 {strides = array<i32>} : memref<224x128xf32, #tpu.memory_space<vmem>>, vector<1x16xf32>,
      }
      %while3A_642 = arith.constant 1 : i32
      scf.for %while3A_946 = %while3A_640 to %while3A_636 step %while3A_642  : i32 {
        %mul3A_947 = arith.muli %while3A_946, %while3A_633 : i32
        %add3A_948 = arith.addi %squeeze3A_624, %mul3A_947 : i32
        %swap3A_949 = arith.index_cast %add3A_948 : i32 to index
        %swap3A_950 = arith.constant 0 : index
        %swap3A_951 = tpu.vector_load %arg11[%swap3A_949, %swap3A_950] {strides = array<i32>} : memref<224x128xf32, #tpu.memory_space<vmem>>, vector<1x16xf32>,
        %swap3A_952 = vector.shape_cast %swap3A_951 : vector<1x16xf32> to vector<16xf32>
        %swap3A_953 = vector.shape_cast %broadcast_in_dim3A_16 : vector<16xf32> to vector<1x16xf32>
        tpu.vector_store %arg11[%swap3A_949, %swap3A_950], %swap3A_953 {strides = array<i32>} : memref<224x128xf32, #tpu.memory_space<vmem>>, vector<1x16xf32>,
        %swap3A_954 = arith.index_cast %add3A_948 : i32 to index
        %swap3A_955 = arith.constant 16 : index
        %swap3A_956 = tpu.vector_load %arg11[%swap3A_954, %swap3A_955] {strides = array<i32>} : memref<224x128xf32, #tpu.memory_space<vmem>>, vector<1x16xf32>,
        %swap3A_957 = vector.shape_cast %swap3A_956 : vector<1x16xf32> to vector<16xf32>
        %swap3A_958 = vector.shape_cast %broadcast_in_dim3A_16 : vector<16xf32> to vector<1x16xf32>
        tpu.vector_store %arg11[%swap3A_954, %swap3A_955], %swap3A_958 {strides = array<i32>} : memref<224x128xf32, #tpu.memory_space<vmem>>, vector<1x16xf32>,
        %swap3A_959 = arith.index_cast %add3A_948 : i32 to index
        %swap3A_960 = arith.constant 32 : index
        %swap3A_961 = tpu.vector_load %arg11[%swap3A_959, %swap3A_960] {strides = array<i32>} : memref<224x128xf32, #tpu.memory_space<vmem>>, vector<1x16xf32>,
        %swap3A_962 = vector.shape_cast %swap3A_961 : vector<1x16xf32> to vector<16xf32>
        %swap3A_963 = vector.shape_cast %broadcast_in_dim3A_16 : vector<16xf32> to vector<1x16xf32>
        tpu.vector_store %arg11[%swap3A_959, %swap3A_960], %swap3A_963 {strides = array<i32>} : memref<224x128xf32, #tpu.memory_space<vmem>>, vector<1x16xf32>,
        %swap3A_964 = arith.index_cast %add3A_948 : i32 to index
        %swap3A_965 = arith.constant 48 : index
        %swap3A_966 = tpu.vector_load %arg11[%swap3A_964, %swap3A_965] {strides = array<i32>} : memref<224x128xf32, #tpu.memory_space<vmem>>, vector<1x16xf32>,
        %swap3A_967 = vector.shape_cast %swap3A_966 : vector<1x16xf32> to vector<16xf32>
        %swap3A_968 = vector.shape_cast %broadcast_in_dim3A_16 : vector<16xf32> to vector<1x16xf32>
        tpu.vector_store %arg11[%swap3A_964, %swap3A_965], %swap3A_968 {strides = array<i32>} : memref<224x128xf32, #tpu.memory_space<vmem>>, vector<1x16xf32>,
        %swap3A_969 = arith.index_cast %add3A_948 : i32 to index
        %swap3A_970 = arith.constant 64 : index
        %swap3A_971 = tpu.vector_load %arg11[%swap3A_969, %swap3A_970] {strides = array<i32>} : memref<224x128xf32, #tpu.memory_space<vmem>>, vector<1x16xf32>,
        %swap3A_972 = vector.shape_cast %swap3A_971 : vector<1x16xf32> to vector<16xf32>
        %swap3A_973 = vector.shape_cast %broadcast_in_dim3A_16 : vector<16xf32> to vector<1x16xf32>
        tpu.vector_store %arg11[%swap3A_969, %swap3A_970], %swap3A_973 {strides = array<i32>} : memref<224x128xf32, #tpu.memory_space<vmem>>, vector<1x16xf32>,
        %swap3A_974 = arith.index_cast %add3A_948 : i32 to index
        %swap3A_975 = arith.constant 80 : index
        %swap3A_976 = tpu.vector_load %arg11[%swap3A_974, %swap3A_975] {strides = array<i32>} : memref<224x128xf32, #tpu.memory_space<vmem>>, vector<1x16xf32>,
        %swap3A_977 = vector.shape_cast %swap3A_976 : vector<1x16xf32> to vector<16xf32>
        %swap3A_978 = vector.shape_cast %broadcast_in_dim3A_16 : vector<16xf32> to vector<1x16xf32>
        tpu.vector_store %arg11[%swap3A_974, %swap3A_975], %swap3A_978 {strides = array<i32>} : memref<224x128xf32, #tpu.memory_space<vmem>>, vector<1x16xf32>,
        %swap3A_979 = arith.index_cast %add3A_948 : i32 to index
        %swap3A_980 = arith.constant 96 : index
        %swap3A_981 = tpu.vector_load %arg11[%swap3A_979, %swap3A_980] {strides = array<i32>} : memref<224x128xf32, #tpu.memory_space<vmem>>, vector<1x16xf32>,
        %swap3A_982 = vector.shape_cast %swap3A_981 : vector<1x16xf32> to vector<16xf32>
        %swap3A_983 = vector.shape_cast %broadcast_in_dim3A_16 : vector<16xf32> to vector<1x16xf32>
        tpu.vector_store %arg11[%swap3A_979, %swap3A_980], %swap3A_983 {strides = array<i32>} : memref<224x128xf32, #tpu.memory_space<vmem>>, vector<1x16xf32>,
        %swap3A_984 = arith.index_cast %add3A_948 : i32 to index
        %swap3A_985 = arith.constant 112 : index
        %swap3A_986 = tpu.vector_load %arg11[%swap3A_984, %swap3A_985] {strides = array<i32>} : memref<224x128xf32, #tpu.memory_space<vmem>>, vector<1x16xf32>,
        %swap3A_987 = vector.shape_cast %swap3A_986 : vector<1x16xf32> to vector<16xf32>
        %swap3A_988 = vector.shape_cast %broadcast_in_dim3A_16 : vector<16xf32> to vector<1x16xf32>
        tpu.vector_store %arg11[%swap3A_984, %swap3A_985], %swap3A_988 {strides = array<i32>} : memref<224x128xf32, #tpu.memory_space<vmem>>, vector<1x16xf32>,
      }
      %mul3A_643 = arith.constant 200 : i32
      %mul3A_644 = arith.muli %add3A_587, %mul3A_643 : i32
      %add3A_645 = arith.addi %mul3A_2, %mul3A_644 : i32
      %dma_start3A_646 = arith.constant 0 : i32
      %dma_start3A_647 = arith.constant 0 : i32
      %dma_start3A_648 = tpu.memref_slice %arg11[%dma_start3A_646, %dma_start3A_647] : memref<224x128xf32, #tpu.memory_space<vmem>> -> memref<200x128xf32, #tpu.memory_space<vmem>>
      %dma_start3A_649 = arith.constant 0 : i32
      %dma_start3A_650 = tpu.memref_slice %arg5[%add3A_645, %dma_start3A_649] : memref<204800x128xf32, #tpu.memory_space<hbm>> -> memref<200x128xf32, #tpu.memory_space<hbm>>
      %dma_start3A_651 = arith.constant 0 : i32
      %dma_start3A_652 = tpu.memref_slice %arg5[%add3A_645, %dma_start3A_651] : memref<204800x128xf32, #tpu.memory_space<hbm>> -> memref<200x128xf32, #tpu.memory_space<hbm>>
      %dma_start3A_653 = arith.constant 0 : i32
      %dma_start3A_654 = arith.constant 0 : i32
      %dma_start3A_655 = tpu.memref_slice %arg11[%dma_start3A_653, %dma_start3A_654] : memref<224x128xf32, #tpu.memory_space<vmem>> -> memref<200x128xf32, #tpu.memory_space<vmem>>
      tpu.enqueue_dma source(%dma_start3A_655 : memref<200x128xf32, #tpu.memory_space<vmem>>) target(%dma_start3A_652 : memref<200x128xf32, #tpu.memory_space<hbm>>) target_semaphore(%arg19 : memref<!tpu.dma_semaphore, #tpu.memory_space<semaphore_mem>>)
      %dma_wait3A_656 = arith.constant 0 : i32
      %dma_wait3A_657 = arith.constant 0 : i32
      %dma_wait3A_658 = tpu.memref_slice %arg9[%dma_wait3A_656, %dma_wait3A_657] : memref<224x128xf32, #tpu.memory_space<vmem>> -> memref<200x128xf32, #tpu.memory_space<vmem>>
      %dma_wait3A_659 = arith.constant 0 : i32
      %dma_wait3A_660 = tpu.memref_slice %arg5[%mul3A_2, %dma_wait3A_659] : memref<204800x128xf32, #tpu.memory_space<hbm>> -> memref<200x128xf32, #tpu.memory_space<hbm>>
      %dma_wait3A_661 = arith.constant 0 : i32
      %dma_wait3A_662 = tpu.memref_slice %arg5[%mul3A_2, %dma_wait3A_661] : memref<204800x128xf32, #tpu.memory_space<hbm>> -> memref<200x128xf32, #tpu.memory_space<hbm>>
      %dma_wait3A_663 = arith.constant 0 : i32
      %dma_wait3A_664 = arith.constant 0 : i32
      %dma_wait3A_665 = tpu.memref_slice %arg9[%dma_wait3A_663, %dma_wait3A_664] : memref<224x128xf32, #tpu.memory_space<vmem>> -> memref<200x128xf32, #tpu.memory_space<vmem>>
      tpu.wait_dma2 semaphore(%arg17 : memref<!tpu.dma_semaphore, #tpu.memory_space<semaphore_mem>>) src(%dma_wait3A_665 : memref<200x128xf32, #tpu.memory_space<vmem>>) dst(%dma_wait3A_662 : memref<200x128xf32, #tpu.memory_space<hbm>>)
      %add3A_666 = arith.constant 2 : i32
      %add3A_667 = arith.addi %add3A_587, %add3A_666 : i32
      %mul3A_668 = arith.constant 200 : i32
      %mul3A_669 = arith.muli %add3A_667, %mul3A_668 : i32
      %get3A_670 = arith.index_cast %add3A_667 : i32 to index
      %get3A_671 = tpu.vector_load %arg7[%get3A_670] {strides = array<i32>} : memref<48xi32, #tpu.memory_space<vmem>>, vector<16xi32>,
      %get3A_672 = vector.shape_cast %get3A_671 : vector<16xi32> to vector<16xi32>
      %slice3A_673 = vector.extract_strided_slice %get3A_672 {offsets = [0], sizes = [1], strides = [1]} : vector<16xi32> to vector<1xi32>
      %squeeze3A_674 = vector.extract %slice3A_673[0] : i32 from vector<1xi32>
      %add3A_675 = arith.constant 32 : i32
      %add3A_676 = arith.addi %squeeze3A_674, %add3A_675 : i32
      %sub3A_677 = arith.constant 1 : i32
      %sub3A_678 = arith.subi %add3A_676, %sub3A_677 : i32
      %and3A_679 = arith.constant -32 : i32
      %and3A_680 = arith.andi %sub3A_678, %and3A_679 : i32
      %and3A_681 = arith.constant 128 : i32
      %and3A_682 = arith.andi %and3A_680, %and3A_681 : i32
      %ne3A_683 = arith.constant 0 : i32
      %ne3A_684 = arith.cmpi ne, %and3A_682, %ne3A_683 : i32
      %convert_element_type3A_685 = arith.extui %ne3A_684 : i1 to i32
      %cond3A_686 = arith.constant 0 : i32
      %cond3A_687 = arith.cmpi ne, %convert_element_type3A_685, %cond3A_686 : i32
      scf.if %cond3A_687 {
        %add3A_946 = arith.constant 0 : i32
        %add3A_947 = arith.addi %mul3A_669, %add3A_946 : i32
        %multiple_of3A = tpu.assume_multiple %add3A_947, 8 : i32
        %multiple_of3A_948 = arith.constant 0 : i32
        %multiple_of3A_949 = tpu.assume_multiple %multiple_of3A_948, 8 : i32
        %dma_start3A_950 = arith.constant 0 : i32
        %dma_start3A_951 = tpu.memref_slice %arg9[%multiple_of3A_949, %dma_start3A_950] : memref<224x128xf32, #tpu.memory_space<vmem>> -> memref<128x128xf32, #tpu.memory_space<vmem>>
        %dma_start3A_952 = tpu.memref_slice %arg6[%multiple_of3A] : memref<6432xi32, #tpu.memory_space<vmem>> -> memref<128xi32, #tpu.memory_space<vmem>>
        %dma_start3A_953 = arith.constant 0 : i32
        %dma_start3A_954 = arith.constant 0 : i32
        %dma_start3A_955 = tpu.memref_slice %arg4[%dma_start3A_953, %dma_start3A_954] : memref<100000x128xf32, #tpu.memory_space<hbm>> -> memref<100000x128xf32, #tpu.memory_space<hbm>>
        tpu.enqueue_indirect_dma source(%dma_start3A_955 : memref<100000x128xf32, #tpu.memory_space<hbm>>) target(%dma_start3A_951 : memref<128x128xf32, #tpu.memory_space<vmem>>) offsets(%dma_start3A_952 : memref<128xi32, #tpu.memory_space<vmem>>) semaphore(%arg13 : memref<!tpu.dma_semaphore, #tpu.memory_space<semaphore_mem>>)
      } else {
      }
      %add3A_688 = arith.constant 0 : i32
      %add3A_689 = arith.addi %add3A_688, %and3A_682 : i32
      %and3A_690 = arith.constant 64 : i32
      %and3A_691 = arith.andi %and3A_680, %and3A_690 : i32
      %ne3A_692 = arith.constant 0 : i32
      %ne3A_693 = arith.cmpi ne, %and3A_691, %ne3A_692 : i32
      %convert_element_type3A_694 = arith.extui %ne3A_693 : i1 to i32
      %cond3A_695 = arith.constant 0 : i32
      %cond3A_696 = arith.cmpi ne, %convert_element_type3A_694, %cond3A_695 : i32
      scf.if %cond3A_696 {
        %add3A_946 = arith.addi %mul3A_669, %add3A_689 : i32
        %multiple_of3A = tpu.assume_multiple %add3A_946, 8 : i32
        %multiple_of3A_947 = tpu.assume_multiple %add3A_689, 8 : i32
        %dma_start3A_948 = arith.constant 0 : i32
        %dma_start3A_949 = tpu.memref_slice %arg9[%multiple_of3A_947, %dma_start3A_948] : memref<224x128xf32, #tpu.memory_space<vmem>> -> memref<64x128xf32, #tpu.memory_space<vmem>>
        %dma_start3A_950 = tpu.memref_slice %arg6[%multiple_of3A] : memref<6432xi32, #tpu.memory_space<vmem>> -> memref<64xi32, #tpu.memory_space<vmem>>
        %dma_start3A_951 = arith.constant 0 : i32
        %dma_start3A_952 = arith.constant 0 : i32
        %dma_start3A_953 = tpu.memref_slice %arg4[%dma_start3A_951, %dma_start3A_952] : memref<100000x128xf32, #tpu.memory_space<hbm>> -> memref<100000x128xf32, #tpu.memory_space<hbm>>
        tpu.enqueue_indirect_dma source(%dma_start3A_953 : memref<100000x128xf32, #tpu.memory_space<hbm>>) target(%dma_start3A_949 : memref<64x128xf32, #tpu.memory_space<vmem>>) offsets(%dma_start3A_950 : memref<64xi32, #tpu.memory_space<vmem>>) semaphore(%arg13 : memref<!tpu.dma_semaphore, #tpu.memory_space<semaphore_mem>>)
      } else {
      }
      %add3A_697 = arith.addi %add3A_689, %and3A_691 : i32
      %and3A_698 = arith.constant 32 : i32
      %and3A_699 = arith.andi %and3A_680, %and3A_698 : i32
      %ne3A_700 = arith.constant 0 : i32
      %ne3A_701 = arith.cmpi ne, %and3A_699, %ne3A_700 : i32
      %convert_element_type3A_702 = arith.extui %ne3A_701 : i1 to i32
      %cond3A_703 = arith.constant 0 : i32
      %cond3A_704 = arith.cmpi ne, %convert_element_type3A_702, %cond3A_703 : i32
      scf.if %cond3A_704 {
        %add3A_946 = arith.addi %mul3A_669, %add3A_697 : i32
        %multiple_of3A = tpu.assume_multiple %add3A_946, 8 : i32
        %multiple_of3A_947 = tpu.assume_multiple %add3A_697, 8 : i32
        %dma_start3A_948 = arith.constant 0 : i32
        %dma_start3A_949 = tpu.memref_slice %arg9[%multiple_of3A_947, %dma_start3A_948] : memref<224x128xf32, #tpu.memory_space<vmem>> -> memref<32x128xf32, #tpu.memory_space<vmem>>
        %dma_start3A_950 = tpu.memref_slice %arg6[%multiple_of3A] : memref<6432xi32, #tpu.memory_space<vmem>> -> memref<32xi32, #tpu.memory_space<vmem>>
        %dma_start3A_951 = arith.constant 0 : i32
        %dma_start3A_952 = arith.constant 0 : i32
        %dma_start3A_953 = tpu.memref_slice %arg4[%dma_start3A_951, %dma_start3A_952] : memref<100000x128xf32, #tpu.memory_space<hbm>> -> memref<100000x128xf32, #tpu.memory_space<hbm>>
        tpu.enqueue_indirect_dma source(%dma_start3A_953 : memref<100000x128xf32, #tpu.memory_space<hbm>>) target(%dma_start3A_949 : memref<32x128xf32, #tpu.memory_space<vmem>>) offsets(%dma_start3A_950 : memref<32xi32, #tpu.memory_space<vmem>>) semaphore(%arg13 : memref<!tpu.dma_semaphore, #tpu.memory_space<semaphore_mem>>)
      } else {
      }
      %add3A_705 = arith.addi %add3A_697, %and3A_699 : i32
      %add3A_706 = arith.constant 2 : i32
      %add3A_707 = arith.addi %add3A_465, %add3A_706 : i32
      %get3A_708 = arith.index_cast %add3A_707 : i32 to index
      %get3A_709 = tpu.vector_load %arg7[%get3A_708] {strides = array<i32>} : memref<48xi32, #tpu.memory_space<vmem>>, vector<16xi32>,
      %get3A_710 = vector.shape_cast %get3A_709 : vector<16xi32> to vector<16xi32>
      %slice3A_711 = vector.extract_strided_slice %get3A_710 {offsets = [0], sizes = [1], strides = [1]} : vector<16xi32> to vector<1xi32>
      %squeeze3A_712 = vector.extract %slice3A_711[0] : i32 from vector<1xi32>
      %add3A_713 = arith.constant 32 : i32
      %add3A_714 = arith.addi %squeeze3A_712, %add3A_713 : i32
      %sub3A_715 = arith.constant 1 : i32
      %sub3A_716 = arith.subi %add3A_714, %sub3A_715 : i32
      %and3A_717 = arith.constant -32 : i32
      %and3A_718 = arith.andi %sub3A_716, %and3A_717 : i32
      %and3A_719 = arith.constant 128 : i32
      %and3A_720 = arith.andi %and3A_718, %and3A_719 : i32
      %ne3A_721 = arith.constant 0 : i32
      %ne3A_722 = arith.cmpi ne, %and3A_720, %ne3A_721 : i32
      %convert_element_type3A_723 = arith.extui %ne3A_722 : i1 to i32
      %cond3A_724 = arith.constant 0 : i32
      %cond3A_725 = arith.cmpi ne, %convert_element_type3A_723, %cond3A_724 : i32
      scf.if %cond3A_725 {
        %dma_wait3A_946 = arith.constant 0 : i32
        %dma_wait3A_947 = arith.constant 0 : i32
        %dma_wait3A_948 = tpu.memref_slice %arg8[%dma_wait3A_946, %dma_wait3A_947] : memref<224x128xf32, #tpu.memory_space<vmem>> -> memref<128x128xf32, #tpu.memory_space<vmem>>
        %dma_wait3A_949 = arith.constant 0 : i32
        %dma_wait3A_950 = tpu.memref_slice %arg6[%dma_wait3A_949] : memref<6432xi32, #tpu.memory_space<vmem>> -> memref<128xi32, #tpu.memory_space<vmem>>
        %dma_wait3A_951 = arith.constant 0 : i32
        %dma_wait3A_952 = arith.constant 0 : i32
        %dma_wait3A_953 = tpu.memref_slice %arg4[%dma_wait3A_951, %dma_wait3A_952] : memref<100000x128xf32, #tpu.memory_space<hbm>> -> memref<100000x128xf32, #tpu.memory_space<hbm>>
        tpu.wait_indirect_dma semaphore(%arg12 : memref<!tpu.dma_semaphore, #tpu.memory_space<semaphore_mem>>) src(%dma_wait3A_953 : memref<100000x128xf32, #tpu.memory_space<hbm>>) dst(%dma_wait3A_948 : memref<128x128xf32, #tpu.memory_space<vmem>>)
      } else {
      }
      %and3A_726 = arith.constant 64 : i32
      %and3A_727 = arith.andi %and3A_718, %and3A_726 : i32
      %ne3A_728 = arith.constant 0 : i32
      %ne3A_729 = arith.cmpi ne, %and3A_727, %ne3A_728 : i32
      %convert_element_type3A_730 = arith.extui %ne3A_729 : i1 to i32
      %cond3A_731 = arith.constant 0 : i32
      %cond3A_732 = arith.cmpi ne, %convert_element_type3A_730, %cond3A_731 : i32
      scf.if %cond3A_732 {
        %dma_wait3A_946 = arith.constant 0 : i32
        %dma_wait3A_947 = arith.constant 0 : i32
        %dma_wait3A_948 = tpu.memref_slice %arg8[%dma_wait3A_946, %dma_wait3A_947] : memref<224x128xf32, #tpu.memory_space<vmem>> -> memref<64x128xf32, #tpu.memory_space<vmem>>
        %dma_wait3A_949 = arith.constant 0 : i32
        %dma_wait3A_950 = tpu.memref_slice %arg6[%dma_wait3A_949] : memref<6432xi32, #tpu.memory_space<vmem>> -> memref<64xi32, #tpu.memory_space<vmem>>
        %dma_wait3A_951 = arith.constant 0 : i32
        %dma_wait3A_952 = arith.constant 0 : i32
        %dma_wait3A_953 = tpu.memref_slice %arg4[%dma_wait3A_951, %dma_wait3A_952] : memref<100000x128xf32, #tpu.memory_space<hbm>> -> memref<100000x128xf32, #tpu.memory_space<hbm>>
        tpu.wait_indirect_dma semaphore(%arg12 : memref<!tpu.dma_semaphore, #tpu.memory_space<semaphore_mem>>) src(%dma_wait3A_953 : memref<100000x128xf32, #tpu.memory_space<hbm>>) dst(%dma_wait3A_948 : memref<64x128xf32, #tpu.memory_space<vmem>>)
      } else {
      }
      %and3A_733 = arith.constant 32 : i32
      %and3A_734 = arith.andi %and3A_718, %and3A_733 : i32
      %ne3A_735 = arith.constant 0 : i32
      %ne3A_736 = arith.cmpi ne, %and3A_734, %ne3A_735 : i32
      %convert_element_type3A_737 = arith.extui %ne3A_736 : i1 to i32
      %cond3A_738 = arith.constant 0 : i32
      %cond3A_739 = arith.cmpi ne, %convert_element_type3A_737, %cond3A_738 : i32
      scf.if %cond3A_739 {
        %dma_wait3A_946 = arith.constant 0 : i32
        %dma_wait3A_947 = arith.constant 0 : i32
        %dma_wait3A_948 = tpu.memref_slice %arg8[%dma_wait3A_946, %dma_wait3A_947] : memref<224x128xf32, #tpu.memory_space<vmem>> -> memref<32x128xf32, #tpu.memory_space<vmem>>
        %dma_wait3A_949 = arith.constant 0 : i32
        %dma_wait3A_950 = tpu.memref_slice %arg6[%dma_wait3A_949] : memref<6432xi32, #tpu.memory_space<vmem>> -> memref<32xi32, #tpu.memory_space<vmem>>
        %dma_wait3A_951 = arith.constant 0 : i32
        %dma_wait3A_952 = arith.constant 0 : i32
        %dma_wait3A_953 = tpu.memref_slice %arg4[%dma_wait3A_951, %dma_wait3A_952] : memref<100000x128xf32, #tpu.memory_space<hbm>> -> memref<100000x128xf32, #tpu.memory_space<hbm>>
        tpu.wait_indirect_dma semaphore(%arg12 : memref<!tpu.dma_semaphore, #tpu.memory_space<semaphore_mem>>) src(%dma_wait3A_953 : memref<100000x128xf32, #tpu.memory_space<hbm>>) dst(%dma_wait3A_948 : memref<32x128xf32, #tpu.memory_space<vmem>>)
      } else {
      }
      %get3A_740 = arith.index_cast %add3A_707 : i32 to index
      %get3A_741 = tpu.vector_load %arg7[%get3A_740] {strides = array<i32>} : memref<48xi32, #tpu.memory_space<vmem>>, vector<16xi32>,
      %get3A_742 = vector.shape_cast %get3A_741 : vector<16xi32> to vector<16xi32>
      %slice3A_743 = vector.extract_strided_slice %get3A_742 {offsets = [0], sizes = [1], strides = [1]} : vector<16xi32> to vector<1xi32>
      %squeeze3A_744 = vector.extract %slice3A_743[0] : i32 from vector<1xi32>
      %sub3A_745 = arith.constant 200 : i32
      %sub3A_746 = arith.subi %sub3A_745, %squeeze3A_744 : i32
      %sub3A_747 = arith.constant 1 : i32
      %sub3A_748 = arith.constant 1 : i32
      %sub3A_749 = arith.subi %sub3A_747, %sub3A_748 : i32
      %add3A_750 = arith.addi %sub3A_746, %sub3A_749 : i32
      %div3A_751 = arith.constant 1 : i32
      %div3A_752 = arith.divsi %add3A_750, %div3A_751 : i32
      %while3A_753 = arith.constant 1 : i32
      %while3A_754 = arith.constant 0 : i32
      %while3A_755 = arith.subi %div3A_752, %while3A_754 : i32
      %while3A_756 = arith.addi %while3A_754, %while3A_755 : i32
      %while3A_757 = arith.constant 1 : i32
      %while3A_758 = arith.divsi %while3A_755, %while3A_757 : i32
      %while3A_759 = arith.muli %while3A_758, %while3A_757 : i32
      %while3A_760 = arith.addi %while3A_754, %while3A_759 : i32
      %while3A_761 = arith.constant 1 : i32
      scf.for %while3A_946 = %while3A_754 to %while3A_760 step %while3A_761  : i32 {
        %mul3A_947 = arith.muli %while3A_946, %while3A_753 : i32
        %add3A_948 = arith.addi %squeeze3A_744, %mul3A_947 : i32
        %swap3A_949 = arith.index_cast %add3A_948 : i32 to index
        %swap3A_950 = arith.constant 0 : index
        %swap3A_951 = tpu.vector_load %arg8[%swap3A_949, %swap3A_950] {strides = array<i32>} : memref<224x128xf32, #tpu.memory_space<vmem>>, vector<1x16xf32>,
        %swap3A_952 = vector.shape_cast %swap3A_951 : vector<1x16xf32> to vector<16xf32>
        %swap3A_953 = vector.shape_cast %broadcast_in_dim3A_16 : vector<16xf32> to vector<1x16xf32>
        tpu.vector_store %arg8[%swap3A_949, %swap3A_950], %swap3A_953 {strides = array<i32>} : memref<224x128xf32, #tpu.memory_space<vmem>>, vector<1x16xf32>,
        %swap3A_954 = arith.index_cast %add3A_948 : i32 to index
        %swap3A_955 = arith.constant 16 : index
        %swap3A_956 = tpu.vector_load %arg8[%swap3A_954, %swap3A_955] {strides = array<i32>} : memref<224x128xf32, #tpu.memory_space<vmem>>, vector<1x16xf32>,
        %swap3A_957 = vector.shape_cast %swap3A_956 : vector<1x16xf32> to vector<16xf32>
        %swap3A_958 = vector.shape_cast %broadcast_in_dim3A_16 : vector<16xf32> to vector<1x16xf32>
        tpu.vector_store %arg8[%swap3A_954, %swap3A_955], %swap3A_958 {strides = array<i32>} : memref<224x128xf32, #tpu.memory_space<vmem>>, vector<1x16xf32>,
        %swap3A_959 = arith.index_cast %add3A_948 : i32 to index
        %swap3A_960 = arith.constant 32 : index
        %swap3A_961 = tpu.vector_load %arg8[%swap3A_959, %swap3A_960] {strides = array<i32>} : memref<224x128xf32, #tpu.memory_space<vmem>>, vector<1x16xf32>,
        %swap3A_962 = vector.shape_cast %swap3A_961 : vector<1x16xf32> to vector<16xf32>
        %swap3A_963 = vector.shape_cast %broadcast_in_dim3A_16 : vector<16xf32> to vector<1x16xf32>
        tpu.vector_store %arg8[%swap3A_959, %swap3A_960], %swap3A_963 {strides = array<i32>} : memref<224x128xf32, #tpu.memory_space<vmem>>, vector<1x16xf32>,
        %swap3A_964 = arith.index_cast %add3A_948 : i32 to index
        %swap3A_965 = arith.constant 48 : index
        %swap3A_966 = tpu.vector_load %arg8[%swap3A_964, %swap3A_965] {strides = array<i32>} : memref<224x128xf32, #tpu.memory_space<vmem>>, vector<1x16xf32>,
        %swap3A_967 = vector.shape_cast %swap3A_966 : vector<1x16xf32> to vector<16xf32>
        %swap3A_968 = vector.shape_cast %broadcast_in_dim3A_16 : vector<16xf32> to vector<1x16xf32>
        tpu.vector_store %arg8[%swap3A_964, %swap3A_965], %swap3A_968 {strides = array<i32>} : memref<224x128xf32, #tpu.memory_space<vmem>>, vector<1x16xf32>,
        %swap3A_969 = arith.index_cast %add3A_948 : i32 to index
        %swap3A_970 = arith.constant 64 : index
        %swap3A_971 = tpu.vector_load %arg8[%swap3A_969, %swap3A_970] {strides = array<i32>} : memref<224x128xf32, #tpu.memory_space<vmem>>, vector<1x16xf32>,
        %swap3A_972 = vector.shape_cast %swap3A_971 : vector<1x16xf32> to vector<16xf32>
        %swap3A_973 = vector.shape_cast %broadcast_in_dim3A_16 : vector<16xf32> to vector<1x16xf32>
        tpu.vector_store %arg8[%swap3A_969, %swap3A_970], %swap3A_973 {strides = array<i32>} : memref<224x128xf32, #tpu.memory_space<vmem>>, vector<1x16xf32>,
        %swap3A_974 = arith.index_cast %add3A_948 : i32 to index
        %swap3A_975 = arith.constant 80 : index
        %swap3A_976 = tpu.vector_load %arg8[%swap3A_974, %swap3A_975] {strides = array<i32>} : memref<224x128xf32, #tpu.memory_space<vmem>>, vector<1x16xf32>,
        %swap3A_977 = vector.shape_cast %swap3A_976 : vector<1x16xf32> to vector<16xf32>
        %swap3A_978 = vector.shape_cast %broadcast_in_dim3A_16 : vector<16xf32> to vector<1x16xf32>
        tpu.vector_store %arg8[%swap3A_974, %swap3A_975], %swap3A_978 {strides = array<i32>} : memref<224x128xf32, #tpu.memory_space<vmem>>, vector<1x16xf32>,
        %swap3A_979 = arith.index_cast %add3A_948 : i32 to index
        %swap3A_980 = arith.constant 96 : index
        %swap3A_981 = tpu.vector_load %arg8[%swap3A_979, %swap3A_980] {strides = array<i32>} : memref<224x128xf32, #tpu.memory_space<vmem>>, vector<1x16xf32>,
        %swap3A_982 = vector.shape_cast %swap3A_981 : vector<1x16xf32> to vector<16xf32>
        %swap3A_983 = vector.shape_cast %broadcast_in_dim3A_16 : vector<16xf32> to vector<1x16xf32>
        tpu.vector_store %arg8[%swap3A_979, %swap3A_980], %swap3A_983 {strides = array<i32>} : memref<224x128xf32, #tpu.memory_space<vmem>>, vector<1x16xf32>,
        %swap3A_984 = arith.index_cast %add3A_948 : i32 to index
        %swap3A_985 = arith.constant 112 : index
        %swap3A_986 = tpu.vector_load %arg8[%swap3A_984, %swap3A_985] {strides = array<i32>} : memref<224x128xf32, #tpu.memory_space<vmem>>, vector<1x16xf32>,
        %swap3A_987 = vector.shape_cast %swap3A_986 : vector<1x16xf32> to vector<16xf32>
        %swap3A_988 = vector.shape_cast %broadcast_in_dim3A_16 : vector<16xf32> to vector<1x16xf32>
        tpu.vector_store %arg8[%swap3A_984, %swap3A_985], %swap3A_988 {strides = array<i32>} : memref<224x128xf32, #tpu.memory_space<vmem>>, vector<1x16xf32>,
      }
      %while3A_762 = arith.constant 1 : i32
      scf.for %while3A_946 = %while3A_760 to %while3A_756 step %while3A_762  : i32 {
        %mul3A_947 = arith.muli %while3A_946, %while3A_753 : i32
        %add3A_948 = arith.addi %squeeze3A_744, %mul3A_947 : i32
        %swap3A_949 = arith.index_cast %add3A_948 : i32 to index
        %swap3A_950 = arith.constant 0 : index
        %swap3A_951 = tpu.vector_load %arg8[%swap3A_949, %swap3A_950] {strides = array<i32>} : memref<224x128xf32, #tpu.memory_space<vmem>>, vector<1x16xf32>,
        %swap3A_952 = vector.shape_cast %swap3A_951 : vector<1x16xf32> to vector<16xf32>
        %swap3A_953 = vector.shape_cast %broadcast_in_dim3A_16 : vector<16xf32> to vector<1x16xf32>
        tpu.vector_store %arg8[%swap3A_949, %swap3A_950], %swap3A_953 {strides = array<i32>} : memref<224x128xf32, #tpu.memory_space<vmem>>, vector<1x16xf32>,
        %swap3A_954 = arith.index_cast %add3A_948 : i32 to index
        %swap3A_955 = arith.constant 16 : index
        %swap3A_956 = tpu.vector_load %arg8[%swap3A_954, %swap3A_955] {strides = array<i32>} : memref<224x128xf32, #tpu.memory_space<vmem>>, vector<1x16xf32>,
        %swap3A_957 = vector.shape_cast %swap3A_956 : vector<1x16xf32> to vector<16xf32>
        %swap3A_958 = vector.shape_cast %broadcast_in_dim3A_16 : vector<16xf32> to vector<1x16xf32>
        tpu.vector_store %arg8[%swap3A_954, %swap3A_955], %swap3A_958 {strides = array<i32>} : memref<224x128xf32, #tpu.memory_space<vmem>>, vector<1x16xf32>,
        %swap3A_959 = arith.index_cast %add3A_948 : i32 to index
        %swap3A_960 = arith.constant 32 : index
        %swap3A_961 = tpu.vector_load %arg8[%swap3A_959, %swap3A_960] {strides = array<i32>} : memref<224x128xf32, #tpu.memory_space<vmem>>, vector<1x16xf32>,
        %swap3A_962 = vector.shape_cast %swap3A_961 : vector<1x16xf32> to vector<16xf32>
        %swap3A_963 = vector.shape_cast %broadcast_in_dim3A_16 : vector<16xf32> to vector<1x16xf32>
        tpu.vector_store %arg8[%swap3A_959, %swap3A_960], %swap3A_963 {strides = array<i32>} : memref<224x128xf32, #tpu.memory_space<vmem>>, vector<1x16xf32>,
        %swap3A_964 = arith.index_cast %add3A_948 : i32 to index
        %swap3A_965 = arith.constant 48 : index
        %swap3A_966 = tpu.vector_load %arg8[%swap3A_964, %swap3A_965] {strides = array<i32>} : memref<224x128xf32, #tpu.memory_space<vmem>>, vector<1x16xf32>,
        %swap3A_967 = vector.shape_cast %swap3A_966 : vector<1x16xf32> to vector<16xf32>
        %swap3A_968 = vector.shape_cast %broadcast_in_dim3A_16 : vector<16xf32> to vector<1x16xf32>
        tpu.vector_store %arg8[%swap3A_964, %swap3A_965], %swap3A_968 {strides = array<i32>} : memref<224x128xf32, #tpu.memory_space<vmem>>, vector<1x16xf32>,
        %swap3A_969 = arith.index_cast %add3A_948 : i32 to index
        %swap3A_970 = arith.constant 64 : index
        %swap3A_971 = tpu.vector_load %arg8[%swap3A_969, %swap3A_970] {strides = array<i32>} : memref<224x128xf32, #tpu.memory_space<vmem>>, vector<1x16xf32>,
        %swap3A_972 = vector.shape_cast %swap3A_971 : vector<1x16xf32> to vector<16xf32>
        %swap3A_973 = vector.shape_cast %broadcast_in_dim3A_16 : vector<16xf32> to vector<1x16xf32>
        tpu.vector_store %arg8[%swap3A_969, %swap3A_970], %swap3A_973 {strides = array<i32>} : memref<224x128xf32, #tpu.memory_space<vmem>>, vector<1x16xf32>,
        %swap3A_974 = arith.index_cast %add3A_948 : i32 to index
        %swap3A_975 = arith.constant 80 : index
        %swap3A_976 = tpu.vector_load %arg8[%swap3A_974, %swap3A_975] {strides = array<i32>} : memref<224x128xf32, #tpu.memory_space<vmem>>, vector<1x16xf32>,
        %swap3A_977 = vector.shape_cast %swap3A_976 : vector<1x16xf32> to vector<16xf32>
        %swap3A_978 = vector.shape_cast %broadcast_in_dim3A_16 : vector<16xf32> to vector<1x16xf32>
        tpu.vector_store %arg8[%swap3A_974, %swap3A_975], %swap3A_978 {strides = array<i32>} : memref<224x128xf32, #tpu.memory_space<vmem>>, vector<1x16xf32>,
        %swap3A_979 = arith.index_cast %add3A_948 : i32 to index
        %swap3A_980 = arith.constant 96 : index
        %swap3A_981 = tpu.vector_load %arg8[%swap3A_979, %swap3A_980] {strides = array<i32>} : memref<224x128xf32, #tpu.memory_space<vmem>>, vector<1x16xf32>,
        %swap3A_982 = vector.shape_cast %swap3A_981 : vector<1x16xf32> to vector<16xf32>
        %swap3A_983 = vector.shape_cast %broadcast_in_dim3A_16 : vector<16xf32> to vector<1x16xf32>
        tpu.vector_store %arg8[%swap3A_979, %swap3A_980], %swap3A_983 {strides = array<i32>} : memref<224x128xf32, #tpu.memory_space<vmem>>, vector<1x16xf32>,
        %swap3A_984 = arith.index_cast %add3A_948 : i32 to index
        %swap3A_985 = arith.constant 112 : index
        %swap3A_986 = tpu.vector_load %arg8[%swap3A_984, %swap3A_985] {strides = array<i32>} : memref<224x128xf32, #tpu.memory_space<vmem>>, vector<1x16xf32>,
        %swap3A_987 = vector.shape_cast %swap3A_986 : vector<1x16xf32> to vector<16xf32>
        %swap3A_988 = vector.shape_cast %broadcast_in_dim3A_16 : vector<16xf32> to vector<1x16xf32>
        tpu.vector_store %arg8[%swap3A_984, %swap3A_985], %swap3A_988 {strides = array<i32>} : memref<224x128xf32, #tpu.memory_space<vmem>>, vector<1x16xf32>,
      }
      %mul3A_763 = arith.constant 200 : i32
      %mul3A_764 = arith.muli %add3A_707, %mul3A_763 : i32
      %add3A_765 = arith.addi %mul3A_2, %mul3A_764 : i32
      %dma_start3A_766 = arith.constant 0 : i32
      %dma_start3A_767 = arith.constant 0 : i32
      %dma_start3A_768 = tpu.memref_slice %arg8[%dma_start3A_766, %dma_start3A_767] : memref<224x128xf32, #tpu.memory_space<vmem>> -> memref<200x128xf32, #tpu.memory_space<vmem>>
      %dma_start3A_769 = arith.constant 0 : i32
      %dma_start3A_770 = tpu.memref_slice %arg5[%add3A_765, %dma_start3A_769] : memref<204800x128xf32, #tpu.memory_space<hbm>> -> memref<200x128xf32, #tpu.memory_space<hbm>>
      %dma_start3A_771 = arith.constant 0 : i32
      %dma_start3A_772 = tpu.memref_slice %arg5[%add3A_765, %dma_start3A_771] : memref<204800x128xf32, #tpu.memory_space<hbm>> -> memref<200x128xf32, #tpu.memory_space<hbm>>
      %dma_start3A_773 = arith.constant 0 : i32
      %dma_start3A_774 = arith.constant 0 : i32
      %dma_start3A_775 = tpu.memref_slice %arg8[%dma_start3A_773, %dma_start3A_774] : memref<224x128xf32, #tpu.memory_space<vmem>> -> memref<200x128xf32, #tpu.memory_space<vmem>>
      tpu.enqueue_dma source(%dma_start3A_775 : memref<200x128xf32, #tpu.memory_space<vmem>>) target(%dma_start3A_772 : memref<200x128xf32, #tpu.memory_space<hbm>>) target_semaphore(%arg16 : memref<!tpu.dma_semaphore, #tpu.memory_space<semaphore_mem>>)
      %dma_wait3A_776 = arith.constant 0 : i32
      %dma_wait3A_777 = arith.constant 0 : i32
      %dma_wait3A_778 = tpu.memref_slice %arg10[%dma_wait3A_776, %dma_wait3A_777] : memref<224x128xf32, #tpu.memory_space<vmem>> -> memref<200x128xf32, #tpu.memory_space<vmem>>
      %dma_wait3A_779 = arith.constant 0 : i32
      %dma_wait3A_780 = tpu.memref_slice %arg5[%mul3A_2, %dma_wait3A_779] : memref<204800x128xf32, #tpu.memory_space<hbm>> -> memref<200x128xf32, #tpu.memory_space<hbm>>
      %dma_wait3A_781 = arith.constant 0 : i32
      %dma_wait3A_782 = tpu.memref_slice %arg5[%mul3A_2, %dma_wait3A_781] : memref<204800x128xf32, #tpu.memory_space<hbm>> -> memref<200x128xf32, #tpu.memory_space<hbm>>
      %dma_wait3A_783 = arith.constant 0 : i32
      %dma_wait3A_784 = arith.constant 0 : i32
      %dma_wait3A_785 = tpu.memref_slice %arg10[%dma_wait3A_783, %dma_wait3A_784] : memref<224x128xf32, #tpu.memory_space<vmem>> -> memref<200x128xf32, #tpu.memory_space<vmem>>
      tpu.wait_dma2 semaphore(%arg18 : memref<!tpu.dma_semaphore, #tpu.memory_space<semaphore_mem>>) src(%dma_wait3A_785 : memref<200x128xf32, #tpu.memory_space<vmem>>) dst(%dma_wait3A_782 : memref<200x128xf32, #tpu.memory_space<hbm>>)
      %add3A_786 = arith.constant 2 : i32
      %add3A_787 = arith.addi %add3A_707, %add3A_786 : i32
      %mul3A_788 = arith.constant 200 : i32
      %mul3A_789 = arith.muli %add3A_787, %mul3A_788 : i32
      %get3A_790 = arith.index_cast %add3A_787 : i32 to index
      %get3A_791 = tpu.vector_load %arg7[%get3A_790] {strides = array<i32>} : memref<48xi32, #tpu.memory_space<vmem>>, vector<16xi32>,
      %get3A_792 = vector.shape_cast %get3A_791 : vector<16xi32> to vector<16xi32>
      %slice3A_793 = vector.extract_strided_slice %get3A_792 {offsets = [0], sizes = [1], strides = [1]} : vector<16xi32> to vector<1xi32>
      %squeeze3A_794 = vector.extract %slice3A_793[0] : i32 from vector<1xi32>
      %add3A_795 = arith.constant 32 : i32
      %add3A_796 = arith.addi %squeeze3A_794, %add3A_795 : i32
      %sub3A_797 = arith.constant 1 : i32
      %sub3A_798 = arith.subi %add3A_796, %sub3A_797 : i32
      %and3A_799 = arith.constant -32 : i32
      %and3A_800 = arith.andi %sub3A_798, %and3A_799 : i32
      %and3A_801 = arith.constant 128 : i32
      %and3A_802 = arith.andi %and3A_800, %and3A_801 : i32
      %ne3A_803 = arith.constant 0 : i32
      %ne3A_804 = arith.cmpi ne, %and3A_802, %ne3A_803 : i32
      %convert_element_type3A_805 = arith.extui %ne3A_804 : i1 to i32
      %cond3A_806 = arith.constant 0 : i32
      %cond3A_807 = arith.cmpi ne, %convert_element_type3A_805, %cond3A_806 : i32
      scf.if %cond3A_807 {
        %add3A_946 = arith.constant 0 : i32
        %add3A_947 = arith.addi %mul3A_789, %add3A_946 : i32
        %multiple_of3A = tpu.assume_multiple %add3A_947, 8 : i32
        %multiple_of3A_948 = arith.constant 0 : i32
        %multiple_of3A_949 = tpu.assume_multiple %multiple_of3A_948, 8 : i32
        %dma_start3A_950 = arith.constant 0 : i32
        %dma_start3A_951 = tpu.memref_slice %arg10[%multiple_of3A_949, %dma_start3A_950] : memref<224x128xf32, #tpu.memory_space<vmem>> -> memref<128x128xf32, #tpu.memory_space<vmem>>
        %dma_start3A_952 = tpu.memref_slice %arg6[%multiple_of3A] : memref<6432xi32, #tpu.memory_space<vmem>> -> memref<128xi32, #tpu.memory_space<vmem>>
        %dma_start3A_953 = arith.constant 0 : i32
        %dma_start3A_954 = arith.constant 0 : i32
        %dma_start3A_955 = tpu.memref_slice %arg4[%dma_start3A_953, %dma_start3A_954] : memref<100000x128xf32, #tpu.memory_space<hbm>> -> memref<100000x128xf32, #tpu.memory_space<hbm>>
        tpu.enqueue_indirect_dma source(%dma_start3A_955 : memref<100000x128xf32, #tpu.memory_space<hbm>>) target(%dma_start3A_951 : memref<128x128xf32, #tpu.memory_space<vmem>>) offsets(%dma_start3A_952 : memref<128xi32, #tpu.memory_space<vmem>>) semaphore(%arg14 : memref<!tpu.dma_semaphore, #tpu.memory_space<semaphore_mem>>)
      } else {
      }
      %add3A_808 = arith.constant 0 : i32
      %add3A_809 = arith.addi %add3A_808, %and3A_802 : i32
      %and3A_810 = arith.constant 64 : i32
      %and3A_811 = arith.andi %and3A_800, %and3A_810 : i32
      %ne3A_812 = arith.constant 0 : i32
      %ne3A_813 = arith.cmpi ne, %and3A_811, %ne3A_812 : i32
      %convert_element_type3A_814 = arith.extui %ne3A_813 : i1 to i32
      %cond3A_815 = arith.constant 0 : i32
      %cond3A_816 = arith.cmpi ne, %convert_element_type3A_814, %cond3A_815 : i32
      scf.if %cond3A_816 {
        %add3A_946 = arith.addi %mul3A_789, %add3A_809 : i32
        %multiple_of3A = tpu.assume_multiple %add3A_946, 8 : i32
        %multiple_of3A_947 = tpu.assume_multiple %add3A_809, 8 : i32
        %dma_start3A_948 = arith.constant 0 : i32
        %dma_start3A_949 = tpu.memref_slice %arg10[%multiple_of3A_947, %dma_start3A_948] : memref<224x128xf32, #tpu.memory_space<vmem>> -> memref<64x128xf32, #tpu.memory_space<vmem>>
        %dma_start3A_950 = tpu.memref_slice %arg6[%multiple_of3A] : memref<6432xi32, #tpu.memory_space<vmem>> -> memref<64xi32, #tpu.memory_space<vmem>>
        %dma_start3A_951 = arith.constant 0 : i32
        %dma_start3A_952 = arith.constant 0 : i32
        %dma_start3A_953 = tpu.memref_slice %arg4[%dma_start3A_951, %dma_start3A_952] : memref<100000x128xf32, #tpu.memory_space<hbm>> -> memref<100000x128xf32, #tpu.memory_space<hbm>>
        tpu.enqueue_indirect_dma source(%dma_start3A_953 : memref<100000x128xf32, #tpu.memory_space<hbm>>) target(%dma_start3A_949 : memref<64x128xf32, #tpu.memory_space<vmem>>) offsets(%dma_start3A_950 : memref<64xi32, #tpu.memory_space<vmem>>) semaphore(%arg14 : memref<!tpu.dma_semaphore, #tpu.memory_space<semaphore_mem>>)
      } else {
      }
      %add3A_817 = arith.addi %add3A_809, %and3A_811 : i32
      %and3A_818 = arith.constant 32 : i32
      %and3A_819 = arith.andi %and3A_800, %and3A_818 : i32
      %ne3A_820 = arith.constant 0 : i32
      %ne3A_821 = arith.cmpi ne, %and3A_819, %ne3A_820 : i32
      %convert_element_type3A_822 = arith.extui %ne3A_821 : i1 to i32
      %cond3A_823 = arith.constant 0 : i32
      %cond3A_824 = arith.cmpi ne, %convert_element_type3A_822, %cond3A_823 : i32
      scf.if %cond3A_824 {
        %add3A_946 = arith.addi %mul3A_789, %add3A_817 : i32
        %multiple_of3A = tpu.assume_multiple %add3A_946, 8 : i32
        %multiple_of3A_947 = tpu.assume_multiple %add3A_817, 8 : i32
        %dma_start3A_948 = arith.constant 0 : i32
        %dma_start3A_949 = tpu.memref_slice %arg10[%multiple_of3A_947, %dma_start3A_948] : memref<224x128xf32, #tpu.memory_space<vmem>> -> memref<32x128xf32, #tpu.memory_space<vmem>>
        %dma_start3A_950 = tpu.memref_slice %arg6[%multiple_of3A] : memref<6432xi32, #tpu.memory_space<vmem>> -> memref<32xi32, #tpu.memory_space<vmem>>
        %dma_start3A_951 = arith.constant 0 : i32
        %dma_start3A_952 = arith.constant 0 : i32
        %dma_start3A_953 = tpu.memref_slice %arg4[%dma_start3A_951, %dma_start3A_952] : memref<100000x128xf32, #tpu.memory_space<hbm>> -> memref<100000x128xf32, #tpu.memory_space<hbm>>
        tpu.enqueue_indirect_dma source(%dma_start3A_953 : memref<100000x128xf32, #tpu.memory_space<hbm>>) target(%dma_start3A_949 : memref<32x128xf32, #tpu.memory_space<vmem>>) offsets(%dma_start3A_950 : memref<32xi32, #tpu.memory_space<vmem>>) semaphore(%arg14 : memref<!tpu.dma_semaphore, #tpu.memory_space<semaphore_mem>>)
      } else {
      }
      %add3A_825 = arith.addi %add3A_817, %and3A_819 : i32
      %add3A_826 = arith.constant 3 : i32
      %add3A_827 = arith.addi %add3A_465, %add3A_826 : i32
      %get3A_828 = arith.index_cast %add3A_827 : i32 to index
      %get3A_829 = tpu.vector_load %arg7[%get3A_828] {strides = array<i32>} : memref<48xi32, #tpu.memory_space<vmem>>, vector<16xi32>,
      %get3A_830 = vector.shape_cast %get3A_829 : vector<16xi32> to vector<16xi32>
      %slice3A_831 = vector.extract_strided_slice %get3A_830 {offsets = [0], sizes = [1], strides = [1]} : vector<16xi32> to vector<1xi32>
      %squeeze3A_832 = vector.extract %slice3A_831[0] : i32 from vector<1xi32>
      %add3A_833 = arith.constant 32 : i32
      %add3A_834 = arith.addi %squeeze3A_832, %add3A_833 : i32
      %sub3A_835 = arith.constant 1 : i32
      %sub3A_836 = arith.subi %add3A_834, %sub3A_835 : i32
      %and3A_837 = arith.constant -32 : i32
      %and3A_838 = arith.andi %sub3A_836, %and3A_837 : i32
      %and3A_839 = arith.constant 128 : i32
      %and3A_840 = arith.andi %and3A_838, %and3A_839 : i32
      %ne3A_841 = arith.constant 0 : i32
      %ne3A_842 = arith.cmpi ne, %and3A_840, %ne3A_841 : i32
      %convert_element_type3A_843 = arith.extui %ne3A_842 : i1 to i32
      %cond3A_844 = arith.constant 0 : i32
      %cond3A_845 = arith.cmpi ne, %convert_element_type3A_843, %cond3A_844 : i32
      scf.if %cond3A_845 {
        %dma_wait3A_946 = arith.constant 0 : i32
        %dma_wait3A_947 = arith.constant 0 : i32
        %dma_wait3A_948 = tpu.memref_slice %arg9[%dma_wait3A_946, %dma_wait3A_947] : memref<224x128xf32, #tpu.memory_space<vmem>> -> memref<128x128xf32, #tpu.memory_space<vmem>>
        %dma_wait3A_949 = arith.constant 0 : i32
        %dma_wait3A_950 = tpu.memref_slice %arg6[%dma_wait3A_949] : memref<6432xi32, #tpu.memory_space<vmem>> -> memref<128xi32, #tpu.memory_space<vmem>>
        %dma_wait3A_951 = arith.constant 0 : i32
        %dma_wait3A_952 = arith.constant 0 : i32
        %dma_wait3A_953 = tpu.memref_slice %arg4[%dma_wait3A_951, %dma_wait3A_952] : memref<100000x128xf32, #tpu.memory_space<hbm>> -> memref<100000x128xf32, #tpu.memory_space<hbm>>
        tpu.wait_indirect_dma semaphore(%arg13 : memref<!tpu.dma_semaphore, #tpu.memory_space<semaphore_mem>>) src(%dma_wait3A_953 : memref<100000x128xf32, #tpu.memory_space<hbm>>) dst(%dma_wait3A_948 : memref<128x128xf32, #tpu.memory_space<vmem>>)
      } else {
      }
      %and3A_846 = arith.constant 64 : i32
      %and3A_847 = arith.andi %and3A_838, %and3A_846 : i32
      %ne3A_848 = arith.constant 0 : i32
      %ne3A_849 = arith.cmpi ne, %and3A_847, %ne3A_848 : i32
      %convert_element_type3A_850 = arith.extui %ne3A_849 : i1 to i32
      %cond3A_851 = arith.constant 0 : i32
      %cond3A_852 = arith.cmpi ne, %convert_element_type3A_850, %cond3A_851 : i32
      scf.if %cond3A_852 {
        %dma_wait3A_946 = arith.constant 0 : i32
        %dma_wait3A_947 = arith.constant 0 : i32
        %dma_wait3A_948 = tpu.memref_slice %arg9[%dma_wait3A_946, %dma_wait3A_947] : memref<224x128xf32, #tpu.memory_space<vmem>> -> memref<64x128xf32, #tpu.memory_space<vmem>>
        %dma_wait3A_949 = arith.constant 0 : i32
        %dma_wait3A_950 = tpu.memref_slice %arg6[%dma_wait3A_949] : memref<6432xi32, #tpu.memory_space<vmem>> -> memref<64xi32, #tpu.memory_space<vmem>>
        %dma_wait3A_951 = arith.constant 0 : i32
        %dma_wait3A_952 = arith.constant 0 : i32
        %dma_wait3A_953 = tpu.memref_slice %arg4[%dma_wait3A_951, %dma_wait3A_952] : memref<100000x128xf32, #tpu.memory_space<hbm>> -> memref<100000x128xf32, #tpu.memory_space<hbm>>
        tpu.wait_indirect_dma semaphore(%arg13 : memref<!tpu.dma_semaphore, #tpu.memory_space<semaphore_mem>>) src(%dma_wait3A_953 : memref<100000x128xf32, #tpu.memory_space<hbm>>) dst(%dma_wait3A_948 : memref<64x128xf32, #tpu.memory_space<vmem>>)
      } else {
      }
      %and3A_853 = arith.constant 32 : i32
      %and3A_854 = arith.andi %and3A_838, %and3A_853 : i32
      %ne3A_855 = arith.constant 0 : i32
      %ne3A_856 = arith.cmpi ne, %and3A_854, %ne3A_855 : i32
      %convert_element_type3A_857 = arith.extui %ne3A_856 : i1 to i32
      %cond3A_858 = arith.constant 0 : i32
      %cond3A_859 = arith.cmpi ne, %convert_element_type3A_857, %cond3A_858 : i32
      scf.if %cond3A_859 {
        %dma_wait3A_946 = arith.constant 0 : i32
        %dma_wait3A_947 = arith.constant 0 : i32
        %dma_wait3A_948 = tpu.memref_slice %arg9[%dma_wait3A_946, %dma_wait3A_947] : memref<224x128xf32, #tpu.memory_space<vmem>> -> memref<32x128xf32, #tpu.memory_space<vmem>>
        %dma_wait3A_949 = arith.constant 0 : i32
        %dma_wait3A_950 = tpu.memref_slice %arg6[%dma_wait3A_949] : memref<6432xi32, #tpu.memory_space<vmem>> -> memref<32xi32, #tpu.memory_space<vmem>>
        %dma_wait3A_951 = arith.constant 0 : i32
        %dma_wait3A_952 = arith.constant 0 : i32
        %dma_wait3A_953 = tpu.memref_slice %arg4[%dma_wait3A_951, %dma_wait3A_952] : memref<100000x128xf32, #tpu.memory_space<hbm>> -> memref<100000x128xf32, #tpu.memory_space<hbm>>
        tpu.wait_indirect_dma semaphore(%arg13 : memref<!tpu.dma_semaphore, #tpu.memory_space<semaphore_mem>>) src(%dma_wait3A_953 : memref<100000x128xf32, #tpu.memory_space<hbm>>) dst(%dma_wait3A_948 : memref<32x128xf32, #tpu.memory_space<vmem>>)
      } else {
      }
      %get3A_860 = arith.index_cast %add3A_827 : i32 to index
      %get3A_861 = tpu.vector_load %arg7[%get3A_860] {strides = array<i32>} : memref<48xi32, #tpu.memory_space<vmem>>, vector<16xi32>,
      %get3A_862 = vector.shape_cast %get3A_861 : vector<16xi32> to vector<16xi32>
      %slice3A_863 = vector.extract_strided_slice %get3A_862 {offsets = [0], sizes = [1], strides = [1]} : vector<16xi32> to vector<1xi32>
      %squeeze3A_864 = vector.extract %slice3A_863[0] : i32 from vector<1xi32>
      %sub3A_865 = arith.constant 200 : i32
      %sub3A_866 = arith.subi %sub3A_865, %squeeze3A_864 : i32
      %sub3A_867 = arith.constant 1 : i32
      %sub3A_868 = arith.constant 1 : i32
      %sub3A_869 = arith.subi %sub3A_867, %sub3A_868 : i32
      %add3A_870 = arith.addi %sub3A_866, %sub3A_869 : i32
      %div3A_871 = arith.constant 1 : i32
      %div3A_872 = arith.divsi %add3A_870, %div3A_871 : i32
      %while3A_873 = arith.constant 1 : i32
      %while3A_874 = arith.constant 0 : i32
      %while3A_875 = arith.subi %div3A_872, %while3A_874 : i32
      %while3A_876 = arith.addi %while3A_874, %while3A_875 : i32
      %while3A_877 = arith.constant 1 : i32
      %while3A_878 = arith.divsi %while3A_875, %while3A_877 : i32
      %while3A_879 = arith.muli %while3A_878, %while3A_877 : i32
      %while3A_880 = arith.addi %while3A_874, %while3A_879 : i32
      %while3A_881 = arith.constant 1 : i32
      scf.for %while3A_946 = %while3A_874 to %while3A_880 step %while3A_881  : i32 {
        %mul3A_947 = arith.muli %while3A_946, %while3A_873 : i32
        %add3A_948 = arith.addi %squeeze3A_864, %mul3A_947 : i32
        %swap3A_949 = arith.index_cast %add3A_948 : i32 to index
        %swap3A_950 = arith.constant 0 : index
        %swap3A_951 = tpu.vector_load %arg9[%swap3A_949, %swap3A_950] {strides = array<i32>} : memref<224x128xf32, #tpu.memory_space<vmem>>, vector<1x16xf32>,
        %swap3A_952 = vector.shape_cast %swap3A_951 : vector<1x16xf32> to vector<16xf32>
        %swap3A_953 = vector.shape_cast %broadcast_in_dim3A_16 : vector<16xf32> to vector<1x16xf32>
        tpu.vector_store %arg9[%swap3A_949, %swap3A_950], %swap3A_953 {strides = array<i32>} : memref<224x128xf32, #tpu.memory_space<vmem>>, vector<1x16xf32>,
        %swap3A_954 = arith.index_cast %add3A_948 : i32 to index
        %swap3A_955 = arith.constant 16 : index
        %swap3A_956 = tpu.vector_load %arg9[%swap3A_954, %swap3A_955] {strides = array<i32>} : memref<224x128xf32, #tpu.memory_space<vmem>>, vector<1x16xf32>,
        %swap3A_957 = vector.shape_cast %swap3A_956 : vector<1x16xf32> to vector<16xf32>
        %swap3A_958 = vector.shape_cast %broadcast_in_dim3A_16 : vector<16xf32> to vector<1x16xf32>
        tpu.vector_store %arg9[%swap3A_954, %swap3A_955], %swap3A_958 {strides = array<i32>} : memref<224x128xf32, #tpu.memory_space<vmem>>, vector<1x16xf32>,
        %swap3A_959 = arith.index_cast %add3A_948 : i32 to index
        %swap3A_960 = arith.constant 32 : index
        %swap3A_961 = tpu.vector_load %arg9[%swap3A_959, %swap3A_960] {strides = array<i32>} : memref<224x128xf32, #tpu.memory_space<vmem>>, vector<1x16xf32>,
        %swap3A_962 = vector.shape_cast %swap3A_961 : vector<1x16xf32> to vector<16xf32>
        %swap3A_963 = vector.shape_cast %broadcast_in_dim3A_16 : vector<16xf32> to vector<1x16xf32>
        tpu.vector_store %arg9[%swap3A_959, %swap3A_960], %swap3A_963 {strides = array<i32>} : memref<224x128xf32, #tpu.memory_space<vmem>>, vector<1x16xf32>,
        %swap3A_964 = arith.index_cast %add3A_948 : i32 to index
        %swap3A_965 = arith.constant 48 : index
        %swap3A_966 = tpu.vector_load %arg9[%swap3A_964, %swap3A_965] {strides = array<i32>} : memref<224x128xf32, #tpu.memory_space<vmem>>, vector<1x16xf32>,
        %swap3A_967 = vector.shape_cast %swap3A_966 : vector<1x16xf32> to vector<16xf32>
        %swap3A_968 = vector.shape_cast %broadcast_in_dim3A_16 : vector<16xf32> to vector<1x16xf32>
        tpu.vector_store %arg9[%swap3A_964, %swap3A_965], %swap3A_968 {strides = array<i32>} : memref<224x128xf32, #tpu.memory_space<vmem>>, vector<1x16xf32>,
        %swap3A_969 = arith.index_cast %add3A_948 : i32 to index
        %swap3A_970 = arith.constant 64 : index
        %swap3A_971 = tpu.vector_load %arg9[%swap3A_969, %swap3A_970] {strides = array<i32>} : memref<224x128xf32, #tpu.memory_space<vmem>>, vector<1x16xf32>,
        %swap3A_972 = vector.shape_cast %swap3A_971 : vector<1x16xf32> to vector<16xf32>
        %swap3A_973 = vector.shape_cast %broadcast_in_dim3A_16 : vector<16xf32> to vector<1x16xf32>
        tpu.vector_store %arg9[%swap3A_969, %swap3A_970], %swap3A_973 {strides = array<i32>} : memref<224x128xf32, #tpu.memory_space<vmem>>, vector<1x16xf32>,
        %swap3A_974 = arith.index_cast %add3A_948 : i32 to index
        %swap3A_975 = arith.constant 80 : index
        %swap3A_976 = tpu.vector_load %arg9[%swap3A_974, %swap3A_975] {strides = array<i32>} : memref<224x128xf32, #tpu.memory_space<vmem>>, vector<1x16xf32>,
        %swap3A_977 = vector.shape_cast %swap3A_976 : vector<1x16xf32> to vector<16xf32>
        %swap3A_978 = vector.shape_cast %broadcast_in_dim3A_16 : vector<16xf32> to vector<1x16xf32>
        tpu.vector_store %arg9[%swap3A_974, %swap3A_975], %swap3A_978 {strides = array<i32>} : memref<224x128xf32, #tpu.memory_space<vmem>>, vector<1x16xf32>,
        %swap3A_979 = arith.index_cast %add3A_948 : i32 to index
        %swap3A_980 = arith.constant 96 : index
        %swap3A_981 = tpu.vector_load %arg9[%swap3A_979, %swap3A_980] {strides = array<i32>} : memref<224x128xf32, #tpu.memory_space<vmem>>, vector<1x16xf32>,
        %swap3A_982 = vector.shape_cast %swap3A_981 : vector<1x16xf32> to vector<16xf32>
        %swap3A_983 = vector.shape_cast %broadcast_in_dim3A_16 : vector<16xf32> to vector<1x16xf32>
        tpu.vector_store %arg9[%swap3A_979, %swap3A_980], %swap3A_983 {strides = array<i32>} : memref<224x128xf32, #tpu.memory_space<vmem>>, vector<1x16xf32>,
        %swap3A_984 = arith.index_cast %add3A_948 : i32 to index
        %swap3A_985 = arith.constant 112 : index
        %swap3A_986 = tpu.vector_load %arg9[%swap3A_984, %swap3A_985] {strides = array<i32>} : memref<224x128xf32, #tpu.memory_space<vmem>>, vector<1x16xf32>,
        %swap3A_987 = vector.shape_cast %swap3A_986 : vector<1x16xf32> to vector<16xf32>
        %swap3A_988 = vector.shape_cast %broadcast_in_dim3A_16 : vector<16xf32> to vector<1x16xf32>
        tpu.vector_store %arg9[%swap3A_984, %swap3A_985], %swap3A_988 {strides = array<i32>} : memref<224x128xf32, #tpu.memory_space<vmem>>, vector<1x16xf32>,
      }
      %while3A_882 = arith.constant 1 : i32
      scf.for %while3A_946 = %while3A_880 to %while3A_876 step %while3A_882  : i32 {
        %mul3A_947 = arith.muli %while3A_946, %while3A_873 : i32
        %add3A_948 = arith.addi %squeeze3A_864, %mul3A_947 : i32
        %swap3A_949 = arith.index_cast %add3A_948 : i32 to index
        %swap3A_950 = arith.constant 0 : index
        %swap3A_951 = tpu.vector_load %arg9[%swap3A_949, %swap3A_950] {strides = array<i32>} : memref<224x128xf32, #tpu.memory_space<vmem>>, vector<1x16xf32>,
        %swap3A_952 = vector.shape_cast %swap3A_951 : vector<1x16xf32> to vector<16xf32>
        %swap3A_953 = vector.shape_cast %broadcast_in_dim3A_16 : vector<16xf32> to vector<1x16xf32>
        tpu.vector_store %arg9[%swap3A_949, %swap3A_950], %swap3A_953 {strides = array<i32>} : memref<224x128xf32, #tpu.memory_space<vmem>>, vector<1x16xf32>,
        %swap3A_954 = arith.index_cast %add3A_948 : i32 to index
        %swap3A_955 = arith.constant 16 : index
        %swap3A_956 = tpu.vector_load %arg9[%swap3A_954, %swap3A_955] {strides = array<i32>} : memref<224x128xf32, #tpu.memory_space<vmem>>, vector<1x16xf32>,
        %swap3A_957 = vector.shape_cast %swap3A_956 : vector<1x16xf32> to vector<16xf32>
        %swap3A_958 = vector.shape_cast %broadcast_in_dim3A_16 : vector<16xf32> to vector<1x16xf32>
        tpu.vector_store %arg9[%swap3A_954, %swap3A_955], %swap3A_958 {strides = array<i32>} : memref<224x128xf32, #tpu.memory_space<vmem>>, vector<1x16xf32>,
        %swap3A_959 = arith.index_cast %add3A_948 : i32 to index
        %swap3A_960 = arith.constant 32 : index
        %swap3A_961 = tpu.vector_load %arg9[%swap3A_959, %swap3A_960] {strides = array<i32>} : memref<224x128xf32, #tpu.memory_space<vmem>>, vector<1x16xf32>,
        %swap3A_962 = vector.shape_cast %swap3A_961 : vector<1x16xf32> to vector<16xf32>
        %swap3A_963 = vector.shape_cast %broadcast_in_dim3A_16 : vector<16xf32> to vector<1x16xf32>
        tpu.vector_store %arg9[%swap3A_959, %swap3A_960], %swap3A_963 {strides = array<i32>} : memref<224x128xf32, #tpu.memory_space<vmem>>, vector<1x16xf32>,
        %swap3A_964 = arith.index_cast %add3A_948 : i32 to index
        %swap3A_965 = arith.constant 48 : index
        %swap3A_966 = tpu.vector_load %arg9[%swap3A_964, %swap3A_965] {strides = array<i32>} : memref<224x128xf32, #tpu.memory_space<vmem>>, vector<1x16xf32>,
        %swap3A_967 = vector.shape_cast %swap3A_966 : vector<1x16xf32> to vector<16xf32>
        %swap3A_968 = vector.shape_cast %broadcast_in_dim3A_16 : vector<16xf32> to vector<1x16xf32>
        tpu.vector_store %arg9[%swap3A_964, %swap3A_965], %swap3A_968 {strides = array<i32>} : memref<224x128xf32, #tpu.memory_space<vmem>>, vector<1x16xf32>,
        %swap3A_969 = arith.index_cast %add3A_948 : i32 to index
        %swap3A_970 = arith.constant 64 : index
        %swap3A_971 = tpu.vector_load %arg9[%swap3A_969, %swap3A_970] {strides = array<i32>} : memref<224x128xf32, #tpu.memory_space<vmem>>, vector<1x16xf32>,
        %swap3A_972 = vector.shape_cast %swap3A_971 : vector<1x16xf32> to vector<16xf32>
        %swap3A_973 = vector.shape_cast %broadcast_in_dim3A_16 : vector<16xf32> to vector<1x16xf32>
        tpu.vector_store %arg9[%swap3A_969, %swap3A_970], %swap3A_973 {strides = array<i32>} : memref<224x128xf32, #tpu.memory_space<vmem>>, vector<1x16xf32>,
        %swap3A_974 = arith.index_cast %add3A_948 : i32 to index
        %swap3A_975 = arith.constant 80 : index
        %swap3A_976 = tpu.vector_load %arg9[%swap3A_974, %swap3A_975] {strides = array<i32>} : memref<224x128xf32, #tpu.memory_space<vmem>>, vector<1x16xf32>,
        %swap3A_977 = vector.shape_cast %swap3A_976 : vector<1x16xf32> to vector<16xf32>
        %swap3A_978 = vector.shape_cast %broadcast_in_dim3A_16 : vector<16xf32> to vector<1x16xf32>
        tpu.vector_store %arg9[%swap3A_974, %swap3A_975], %swap3A_978 {strides = array<i32>} : memref<224x128xf32, #tpu.memory_space<vmem>>, vector<1x16xf32>,
        %swap3A_979 = arith.index_cast %add3A_948 : i32 to index
        %swap3A_980 = arith.constant 96 : index
        %swap3A_981 = tpu.vector_load %arg9[%swap3A_979, %swap3A_980] {strides = array<i32>} : memref<224x128xf32, #tpu.memory_space<vmem>>, vector<1x16xf32>,
        %swap3A_982 = vector.shape_cast %swap3A_981 : vector<1x16xf32> to vector<16xf32>
        %swap3A_983 = vector.shape_cast %broadcast_in_dim3A_16 : vector<16xf32> to vector<1x16xf32>
        tpu.vector_store %arg9[%swap3A_979, %swap3A_980], %swap3A_983 {strides = array<i32>} : memref<224x128xf32, #tpu.memory_space<vmem>>, vector<1x16xf32>,
        %swap3A_984 = arith.index_cast %add3A_948 : i32 to index
        %swap3A_985 = arith.constant 112 : index
        %swap3A_986 = tpu.vector_load %arg9[%swap3A_984, %swap3A_985] {strides = array<i32>} : memref<224x128xf32, #tpu.memory_space<vmem>>, vector<1x16xf32>,
        %swap3A_987 = vector.shape_cast %swap3A_986 : vector<1x16xf32> to vector<16xf32>
        %swap3A_988 = vector.shape_cast %broadcast_in_dim3A_16 : vector<16xf32> to vector<1x16xf32>
        tpu.vector_store %arg9[%swap3A_984, %swap3A_985], %swap3A_988 {strides = array<i32>} : memref<224x128xf32, #tpu.memory_space<vmem>>, vector<1x16xf32>,
      }
      %mul3A_883 = arith.constant 200 : i32
      %mul3A_884 = arith.muli %add3A_827, %mul3A_883 : i32
      %add3A_885 = arith.addi %mul3A_2, %mul3A_884 : i32
      %dma_start3A_886 = arith.constant 0 : i32
      %dma_start3A_887 = arith.constant 0 : i32
      %dma_start3A_888 = tpu.memref_slice %arg9[%dma_start3A_886, %dma_start3A_887] : memref<224x128xf32, #tpu.memory_space<vmem>> -> memref<200x128xf32, #tpu.memory_space<vmem>>
      %dma_start3A_889 = arith.constant 0 : i32
      %dma_start3A_890 = tpu.memref_slice %arg5[%add3A_885, %dma_start3A_889] : memref<204800x128xf32, #tpu.memory_space<hbm>> -> memref<200x128xf32, #tpu.memory_space<hbm>>
      %dma_start3A_891 = arith.constant 0 : i32
      %dma_start3A_892 = tpu.memref_slice %arg5[%add3A_885, %dma_start3A_891] : memref<204800x128xf32, #tpu.memory_space<hbm>> -> memref<200x128xf32, #tpu.memory_space<hbm>>
      %dma_start3A_893 = arith.constant 0 : i32
      %dma_start3A_894 = arith.constant 0 : i32
      %dma_start3A_895 = tpu.memref_slice %arg9[%dma_start3A_893, %dma_start3A_894] : memref<224x128xf32, #tpu.memory_space<vmem>> -> memref<200x128xf32, #tpu.memory_space<vmem>>
      tpu.enqueue_dma source(%dma_start3A_895 : memref<200x128xf32, #tpu.memory_space<vmem>>) target(%dma_start3A_892 : memref<200x128xf32, #tpu.memory_space<hbm>>) target_semaphore(%arg17 : memref<!tpu.dma_semaphore, #tpu.memory_space<semaphore_mem>>)
      %dma_wait3A_896 = arith.constant 0 : i32
      %dma_wait3A_897 = arith.constant 0 : i32
      %dma_wait3A_898 = tpu.memref_slice %arg11[%dma_wait3A_896, %dma_wait3A_897] : memref<224x128xf32, #tpu.memory_space<vmem>> -> memref<200x128xf32, #tpu.memory_space<vmem>>
      %dma_wait3A_899 = arith.constant 0 : i32
      %dma_wait3A_900 = tpu.memref_slice %arg5[%mul3A_2, %dma_wait3A_899] : memref<204800x128xf32, #tpu.memory_space<hbm>> -> memref<200x128xf32, #tpu.memory_space<hbm>>
      %dma_wait3A_901 = arith.constant 0 : i32
      %dma_wait3A_902 = tpu.memref_slice %arg5[%mul3A_2, %dma_wait3A_901] : memref<204800x128xf32, #tpu.memory_space<hbm>> -> memref<200x128xf32, #tpu.memory_space<hbm>>
      %dma_wait3A_903 = arith.constant 0 : i32
      %dma_wait3A_904 = arith.constant 0 : i32
      %dma_wait3A_905 = tpu.memref_slice %arg11[%dma_wait3A_903, %dma_wait3A_904] : memref<224x128xf32, #tpu.memory_space<vmem>> -> memref<200x128xf32, #tpu.memory_space<vmem>>
      tpu.wait_dma2 semaphore(%arg19 : memref<!tpu.dma_semaphore, #tpu.memory_space<semaphore_mem>>) src(%dma_wait3A_905 : memref<200x128xf32, #tpu.memory_space<vmem>>) dst(%dma_wait3A_902 : memref<200x128xf32, #tpu.memory_space<hbm>>)
      %add3A_906 = arith.constant 2 : i32
      %add3A_907 = arith.addi %add3A_827, %add3A_906 : i32
      %mul3A_908 = arith.constant 200 : i32
      %mul3A_909 = arith.muli %add3A_907, %mul3A_908 : i32
      %get3A_910 = arith.index_cast %add3A_907 : i32 to index
      %get3A_911 = tpu.vector_load %arg7[%get3A_910] {strides = array<i32>} : memref<48xi32, #tpu.memory_space<vmem>>, vector<16xi32>,
      %get3A_912 = vector.shape_cast %get3A_911 : vector<16xi32> to vector<16xi32>
      %slice3A_913 = vector.extract_strided_slice %get3A_912 {offsets = [0], sizes = [1], strides = [1]} : vector<16xi32> to vector<1xi32>
      %squeeze3A_914 = vector.extract %slice3A_913[0] : i32 from vector<1xi32>
      %add3A_915 = arith.constant 32 : i32
      %add3A_916 = arith.addi %squeeze3A_914, %add3A_915 : i32
      %sub3A_917 = arith.constant 1 : i32
      %sub3A_918 = arith.subi %add3A_916, %sub3A_917 : i32
      %and3A_919 = arith.constant -32 : i32
      %and3A_920 = arith.andi %sub3A_918, %and3A_919 : i32
      %and3A_921 = arith.constant 128 : i32
      %and3A_922 = arith.andi %and3A_920, %and3A_921 : i32
      %ne3A_923 = arith.constant 0 : i32
      %ne3A_924 = arith.cmpi ne, %and3A_922, %ne3A_923 : i32
      %convert_element_type3A_925 = arith.extui %ne3A_924 : i1 to i32
      %cond3A_926 = arith.constant 0 : i32
      %cond3A_927 = arith.cmpi ne, %convert_element_type3A_925, %cond3A_926 : i32
      scf.if %cond3A_927 {
        %add3A_946 = arith.constant 0 : i32
        %add3A_947 = arith.addi %mul3A_909, %add3A_946 : i32
        %multiple_of3A = tpu.assume_multiple %add3A_947, 8 : i32
        %multiple_of3A_948 = arith.constant 0 : i32
        %multiple_of3A_949 = tpu.assume_multiple %multiple_of3A_948, 8 : i32
        %dma_start3A_950 = arith.constant 0 : i32
        %dma_start3A_951 = tpu.memref_slice %arg11[%multiple_of3A_949, %dma_start3A_950] : memref<224x128xf32, #tpu.memory_space<vmem>> -> memref<128x128xf32, #tpu.memory_space<vmem>>
        %dma_start3A_952 = tpu.memref_slice %arg6[%multiple_of3A] : memref<6432xi32, #tpu.memory_space<vmem>> -> memref<128xi32, #tpu.memory_space<vmem>>
        %dma_start3A_953 = arith.constant 0 : i32
        %dma_start3A_954 = arith.constant 0 : i32
        %dma_start3A_955 = tpu.memref_slice %arg4[%dma_start3A_953, %dma_start3A_954] : memref<100000x128xf32, #tpu.memory_space<hbm>> -> memref<100000x128xf32, #tpu.memory_space<hbm>>
        tpu.enqueue_indirect_dma source(%dma_start3A_955 : memref<100000x128xf32, #tpu.memory_space<hbm>>) target(%dma_start3A_951 : memref<128x128xf32, #tpu.memory_space<vmem>>) offsets(%dma_start3A_952 : memref<128xi32, #tpu.memory_space<vmem>>) semaphore(%arg15 : memref<!tpu.dma_semaphore, #tpu.memory_space<semaphore_mem>>)
      } else {
      }
      %add3A_928 = arith.constant 0 : i32
      %add3A_929 = arith.addi %add3A_928, %and3A_922 : i32
      %and3A_930 = arith.constant 64 : i32
      %and3A_931 = arith.andi %and3A_920, %and3A_930 : i32
      %ne3A_932 = arith.constant 0 : i32
      %ne3A_933 = arith.cmpi ne, %and3A_931, %ne3A_932 : i32
      %convert_element_type3A_934 = arith.extui %ne3A_933 : i1 to i32
      %cond3A_935 = arith.constant 0 : i32
      %cond3A_936 = arith.cmpi ne, %convert_element_type3A_934, %cond3A_935 : i32
      scf.if %cond3A_936 {
        %add3A_946 = arith.addi %mul3A_909, %add3A_929 : i32
        %multiple_of3A = tpu.assume_multiple %add3A_946, 8 : i32
        %multiple_of3A_947 = tpu.assume_multiple %add3A_929, 8 : i32
        %dma_start3A_948 = arith.constant 0 : i32
        %dma_start3A_949 = tpu.memref_slice %arg11[%multiple_of3A_947, %dma_start3A_948] : memref<224x128xf32, #tpu.memory_space<vmem>> -> memref<64x128xf32, #tpu.memory_space<vmem>>
        %dma_start3A_950 = tpu.memref_slice %arg6[%multiple_of3A] : memref<6432xi32, #tpu.memory_space<vmem>> -> memref<64xi32, #tpu.memory_space<vmem>>
        %dma_start3A_951 = arith.constant 0 : i32
        %dma_start3A_952 = arith.constant 0 : i32
        %dma_start3A_953 = tpu.memref_slice %arg4[%dma_start3A_951, %dma_start3A_952] : memref<100000x128xf32, #tpu.memory_space<hbm>> -> memref<100000x128xf32, #tpu.memory_space<hbm>>
        tpu.enqueue_indirect_dma source(%dma_start3A_953 : memref<100000x128xf32, #tpu.memory_space<hbm>>) target(%dma_start3A_949 : memref<64x128xf32, #tpu.memory_space<vmem>>) offsets(%dma_start3A_950 : memref<64xi32, #tpu.memory_space<vmem>>) semaphore(%arg15 : memref<!tpu.dma_semaphore, #tpu.memory_space<semaphore_mem>>)
      } else {
      }
      %add3A_937 = arith.addi %add3A_929, %and3A_931 : i32
      %and3A_938 = arith.constant 32 : i32
      %and3A_939 = arith.andi %and3A_920, %and3A_938 : i32
      %ne3A_940 = arith.constant 0 : i32
      %ne3A_941 = arith.cmpi ne, %and3A_939, %ne3A_940 : i32
      %convert_element_type3A_942 = arith.extui %ne3A_941 : i1 to i32
      %cond3A_943 = arith.constant 0 : i32
      %cond3A_944 = arith.cmpi ne, %convert_element_type3A_942, %cond3A_943 : i32
      scf.if %cond3A_944 {
        %add3A_946 = arith.addi %mul3A_909, %add3A_937 : i32
        %multiple_of3A = tpu.assume_multiple %add3A_946, 8 : i32
        %multiple_of3A_947 = tpu.assume_multiple %add3A_937, 8 : i32
        %dma_start3A_948 = arith.constant 0 : i32
        %dma_start3A_949 = tpu.memref_slice %arg11[%multiple_of3A_947, %dma_start3A_948] : memref<224x128xf32, #tpu.memory_space<vmem>> -> memref<32x128xf32, #tpu.memory_space<vmem>>
        %dma_start3A_950 = tpu.memref_slice %arg6[%multiple_of3A] : memref<6432xi32, #tpu.memory_space<vmem>> -> memref<32xi32, #tpu.memory_space<vmem>>
        %dma_start3A_951 = arith.constant 0 : i32
        %dma_start3A_952 = arith.constant 0 : i32
        %dma_start3A_953 = tpu.memref_slice %arg4[%dma_start3A_951, %dma_start3A_952] : memref<100000x128xf32, #tpu.memory_space<hbm>> -> memref<100000x128xf32, #tpu.memory_space<hbm>>
        tpu.enqueue_indirect_dma source(%dma_start3A_953 : memref<100000x128xf32, #tpu.memory_space<hbm>>) target(%dma_start3A_949 : memref<32x128xf32, #tpu.memory_space<vmem>>) offsets(%dma_start3A_950 : memref<32xi32, #tpu.memory_space<vmem>>) semaphore(%arg15 : memref<!tpu.dma_semaphore, #tpu.memory_space<semaphore_mem>>)
      } else {
      }
      %add3A_945 = arith.addi %add3A_937, %and3A_939 : i32
    }
    %scan3A_287 = arith.constant 7 : i32
    %get3A_288 = arith.constant 30 : index
    %get3A_289 = tpu.vector_load %arg7[%get3A_288] {strides = array<i32>} : memref<48xi32, #tpu.memory_space<vmem>>, vector<16xi32>,
    %get3A_290 = vector.shape_cast %get3A_289 : vector<16xi32> to vector<16xi32>
    %slice3A_291 = vector.extract_strided_slice %get3A_290 {offsets = [0], sizes = [1], strides = [1]} : vector<16xi32> to vector<1xi32>
    %squeeze3A_292 = vector.extract %slice3A_291[0] : i32 from vector<1xi32>
    %add3A_293 = arith.constant 32 : i32
    %add3A_294 = arith.addi %squeeze3A_292, %add3A_293 : i32
    %sub3A_295 = arith.constant 1 : i32
    %sub3A_296 = arith.subi %add3A_294, %sub3A_295 : i32
    %and3A_297 = arith.constant -32 : i32
    %and3A_298 = arith.andi %sub3A_296, %and3A_297 : i32
    %and3A_299 = arith.constant 128 : i32
    %and3A_300 = arith.andi %and3A_298, %and3A_299 : i32
    %ne3A_301 = arith.constant 0 : i32
    %ne3A_302 = arith.cmpi ne, %and3A_300, %ne3A_301 : i32
    %convert_element_type3A_303 = arith.extui %ne3A_302 : i1 to i32
    %cond3A_304 = arith.constant 0 : i32
    %cond3A_305 = arith.cmpi ne, %convert_element_type3A_303, %cond3A_304 : i32
    scf.if %cond3A_305 {
      %dma_wait3A_461 = arith.constant 0 : i32
      %dma_wait3A_462 = arith.constant 0 : i32
      %dma_wait3A_463 = tpu.memref_slice %arg10[%dma_wait3A_461, %dma_wait3A_462] : memref<224x128xf32, #tpu.memory_space<vmem>> -> memref<128x128xf32, #tpu.memory_space<vmem>>
      %dma_wait3A_464 = arith.constant 0 : i32
      %dma_wait3A_465 = tpu.memref_slice %arg6[%dma_wait3A_464] : memref<6432xi32, #tpu.memory_space<vmem>> -> memref<128xi32, #tpu.memory_space<vmem>>
      %dma_wait3A_466 = arith.constant 0 : i32
      %dma_wait3A_467 = arith.constant 0 : i32
      %dma_wait3A_468 = tpu.memref_slice %arg4[%dma_wait3A_466, %dma_wait3A_467] : memref<100000x128xf32, #tpu.memory_space<hbm>> -> memref<100000x128xf32, #tpu.memory_space<hbm>>
      tpu.wait_indirect_dma semaphore(%arg14 : memref<!tpu.dma_semaphore, #tpu.memory_space<semaphore_mem>>) src(%dma_wait3A_468 : memref<100000x128xf32, #tpu.memory_space<hbm>>) dst(%dma_wait3A_463 : memref<128x128xf32, #tpu.memory_space<vmem>>)
    } else {
    }
    %and3A_306 = arith.constant 64 : i32
    %and3A_307 = arith.andi %and3A_298, %and3A_306 : i32
    %ne3A_308 = arith.constant 0 : i32
    %ne3A_309 = arith.cmpi ne, %and3A_307, %ne3A_308 : i32
    %convert_element_type3A_310 = arith.extui %ne3A_309 : i1 to i32
    %cond3A_311 = arith.constant 0 : i32
    %cond3A_312 = arith.cmpi ne, %convert_element_type3A_310, %cond3A_311 : i32
    scf.if %cond3A_312 {
      %dma_wait3A_461 = arith.constant 0 : i32
      %dma_wait3A_462 = arith.constant 0 : i32
      %dma_wait3A_463 = tpu.memref_slice %arg10[%dma_wait3A_461, %dma_wait3A_462] : memref<224x128xf32, #tpu.memory_space<vmem>> -> memref<64x128xf32, #tpu.memory_space<vmem>>
      %dma_wait3A_464 = arith.constant 0 : i32
      %dma_wait3A_465 = tpu.memref_slice %arg6[%dma_wait3A_464] : memref<6432xi32, #tpu.memory_space<vmem>> -> memref<64xi32, #tpu.memory_space<vmem>>
      %dma_wait3A_466 = arith.constant 0 : i32
      %dma_wait3A_467 = arith.constant 0 : i32
      %dma_wait3A_468 = tpu.memref_slice %arg4[%dma_wait3A_466, %dma_wait3A_467] : memref<100000x128xf32, #tpu.memory_space<hbm>> -> memref<100000x128xf32, #tpu.memory_space<hbm>>
      tpu.wait_indirect_dma semaphore(%arg14 : memref<!tpu.dma_semaphore, #tpu.memory_space<semaphore_mem>>) src(%dma_wait3A_468 : memref<100000x128xf32, #tpu.memory_space<hbm>>) dst(%dma_wait3A_463 : memref<64x128xf32, #tpu.memory_space<vmem>>)
    } else {
    }
    %and3A_313 = arith.constant 32 : i32
    %and3A_314 = arith.andi %and3A_298, %and3A_313 : i32
    %ne3A_315 = arith.constant 0 : i32
    %ne3A_316 = arith.cmpi ne, %and3A_314, %ne3A_315 : i32
    %convert_element_type3A_317 = arith.extui %ne3A_316 : i1 to i32
    %cond3A_318 = arith.constant 0 : i32
    %cond3A_319 = arith.cmpi ne, %convert_element_type3A_317, %cond3A_318 : i32
    scf.if %cond3A_319 {
      %dma_wait3A_461 = arith.constant 0 : i32
      %dma_wait3A_462 = arith.constant 0 : i32
      %dma_wait3A_463 = tpu.memref_slice %arg10[%dma_wait3A_461, %dma_wait3A_462] : memref<224x128xf32, #tpu.memory_space<vmem>> -> memref<32x128xf32, #tpu.memory_space<vmem>>
      %dma_wait3A_464 = arith.constant 0 : i32
      %dma_wait3A_465 = tpu.memref_slice %arg6[%dma_wait3A_464] : memref<6432xi32, #tpu.memory_space<vmem>> -> memref<32xi32, #tpu.memory_space<vmem>>
      %dma_wait3A_466 = arith.constant 0 : i32
      %dma_wait3A_467 = arith.constant 0 : i32
      %dma_wait3A_468 = tpu.memref_slice %arg4[%dma_wait3A_466, %dma_wait3A_467] : memref<100000x128xf32, #tpu.memory_space<hbm>> -> memref<100000x128xf32, #tpu.memory_space<hbm>>
      tpu.wait_indirect_dma semaphore(%arg14 : memref<!tpu.dma_semaphore, #tpu.memory_space<semaphore_mem>>) src(%dma_wait3A_468 : memref<100000x128xf32, #tpu.memory_space<hbm>>) dst(%dma_wait3A_463 : memref<32x128xf32, #tpu.memory_space<vmem>>)
    } else {
    }
    %get3A_320 = arith.constant 30 : index
    %get3A_321 = tpu.vector_load %arg7[%get3A_320] {strides = array<i32>} : memref<48xi32, #tpu.memory_space<vmem>>, vector<16xi32>,
    %get3A_322 = vector.shape_cast %get3A_321 : vector<16xi32> to vector<16xi32>
    %slice3A_323 = vector.extract_strided_slice %get3A_322 {offsets = [0], sizes = [1], strides = [1]} : vector<16xi32> to vector<1xi32>
    %squeeze3A_324 = vector.extract %slice3A_323[0] : i32 from vector<1xi32>
    %sub3A_325 = arith.constant 200 : i32
    %sub3A_326 = arith.subi %sub3A_325, %squeeze3A_324 : i32
    %sub3A_327 = arith.constant 1 : i32
    %sub3A_328 = arith.constant 1 : i32
    %sub3A_329 = arith.subi %sub3A_327, %sub3A_328 : i32
    %add3A_330 = arith.addi %sub3A_326, %sub3A_329 : i32
    %div3A_331 = arith.constant 1 : i32
    %div3A_332 = arith.divsi %add3A_330, %div3A_331 : i32
    %while3A_333 = arith.constant 1 : i32
    %while3A_334 = arith.constant 0 : i32
    %while3A_335 = arith.subi %div3A_332, %while3A_334 : i32
    %while3A_336 = arith.addi %while3A_334, %while3A_335 : i32
    %while3A_337 = arith.constant 1 : i32
    %while3A_338 = arith.divsi %while3A_335, %while3A_337 : i32
    %while3A_339 = arith.muli %while3A_338, %while3A_337 : i32
    %while3A_340 = arith.addi %while3A_334, %while3A_339 : i32
    %while3A_341 = arith.constant 1 : i32
    scf.for %while3A_461 = %while3A_334 to %while3A_340 step %while3A_341  : i32 {
      %mul3A_462 = arith.muli %while3A_461, %while3A_333 : i32
      %add3A_463 = arith.addi %squeeze3A_324, %mul3A_462 : i32
      %swap3A_464 = arith.index_cast %add3A_463 : i32 to index
      %swap3A_465 = arith.constant 0 : index
      %swap3A_466 = tpu.vector_load %arg10[%swap3A_464, %swap3A_465] {strides = array<i32>} : memref<224x128xf32, #tpu.memory_space<vmem>>, vector<1x16xf32>,
      %swap3A_467 = vector.shape_cast %swap3A_466 : vector<1x16xf32> to vector<16xf32>
      %swap3A_468 = vector.shape_cast %broadcast_in_dim3A_16 : vector<16xf32> to vector<1x16xf32>
      tpu.vector_store %arg10[%swap3A_464, %swap3A_465], %swap3A_468 {strides = array<i32>} : memref<224x128xf32, #tpu.memory_space<vmem>>, vector<1x16xf32>,
      %swap3A_469 = arith.index_cast %add3A_463 : i32 to index
      %swap3A_470 = arith.constant 16 : index
      %swap3A_471 = tpu.vector_load %arg10[%swap3A_469, %swap3A_470] {strides = array<i32>} : memref<224x128xf32, #tpu.memory_space<vmem>>, vector<1x16xf32>,
      %swap3A_472 = vector.shape_cast %swap3A_471 : vector<1x16xf32> to vector<16xf32>
      %swap3A_473 = vector.shape_cast %broadcast_in_dim3A_16 : vector<16xf32> to vector<1x16xf32>
      tpu.vector_store %arg10[%swap3A_469, %swap3A_470], %swap3A_473 {strides = array<i32>} : memref<224x128xf32, #tpu.memory_space<vmem>>, vector<1x16xf32>,
      %swap3A_474 = arith.index_cast %add3A_463 : i32 to index
      %swap3A_475 = arith.constant 32 : index
      %swap3A_476 = tpu.vector_load %arg10[%swap3A_474, %swap3A_475] {strides = array<i32>} : memref<224x128xf32, #tpu.memory_space<vmem>>, vector<1x16xf32>,
      %swap3A_477 = vector.shape_cast %swap3A_476 : vector<1x16xf32> to vector<16xf32>
      %swap3A_478 = vector.shape_cast %broadcast_in_dim3A_16 : vector<16xf32> to vector<1x16xf32>
      tpu.vector_store %arg10[%swap3A_474, %swap3A_475], %swap3A_478 {strides = array<i32>} : memref<224x128xf32, #tpu.memory_space<vmem>>, vector<1x16xf32>,
      %swap3A_479 = arith.index_cast %add3A_463 : i32 to index
      %swap3A_480 = arith.constant 48 : index
      %swap3A_481 = tpu.vector_load %arg10[%swap3A_479, %swap3A_480] {strides = array<i32>} : memref<224x128xf32, #tpu.memory_space<vmem>>, vector<1x16xf32>,
      %swap3A_482 = vector.shape_cast %swap3A_481 : vector<1x16xf32> to vector<16xf32>
      %swap3A_483 = vector.shape_cast %broadcast_in_dim3A_16 : vector<16xf32> to vector<1x16xf32>
      tpu.vector_store %arg10[%swap3A_479, %swap3A_480], %swap3A_483 {strides = array<i32>} : memref<224x128xf32, #tpu.memory_space<vmem>>, vector<1x16xf32>,
      %swap3A_484 = arith.index_cast %add3A_463 : i32 to index
      %swap3A_485 = arith.constant 64 : index
      %swap3A_486 = tpu.vector_load %arg10[%swap3A_484, %swap3A_485] {strides = array<i32>} : memref<224x128xf32, #tpu.memory_space<vmem>>, vector<1x16xf32>,
      %swap3A_487 = vector.shape_cast %swap3A_486 : vector<1x16xf32> to vector<16xf32>
      %swap3A_488 = vector.shape_cast %broadcast_in_dim3A_16 : vector<16xf32> to vector<1x16xf32>
      tpu.vector_store %arg10[%swap3A_484, %swap3A_485], %swap3A_488 {strides = array<i32>} : memref<224x128xf32, #tpu.memory_space<vmem>>, vector<1x16xf32>,
      %swap3A_489 = arith.index_cast %add3A_463 : i32 to index
      %swap3A_490 = arith.constant 80 : index
      %swap3A_491 = tpu.vector_load %arg10[%swap3A_489, %swap3A_490] {strides = array<i32>} : memref<224x128xf32, #tpu.memory_space<vmem>>, vector<1x16xf32>,
      %swap3A_492 = vector.shape_cast %swap3A_491 : vector<1x16xf32> to vector<16xf32>
      %swap3A_493 = vector.shape_cast %broadcast_in_dim3A_16 : vector<16xf32> to vector<1x16xf32>
      tpu.vector_store %arg10[%swap3A_489, %swap3A_490], %swap3A_493 {strides = array<i32>} : memref<224x128xf32, #tpu.memory_space<vmem>>, vector<1x16xf32>,
      %swap3A_494 = arith.index_cast %add3A_463 : i32 to index
      %swap3A_495 = arith.constant 96 : index
      %swap3A_496 = tpu.vector_load %arg10[%swap3A_494, %swap3A_495] {strides = array<i32>} : memref<224x128xf32, #tpu.memory_space<vmem>>, vector<1x16xf32>,
      %swap3A_497 = vector.shape_cast %swap3A_496 : vector<1x16xf32> to vector<16xf32>
      %swap3A_498 = vector.shape_cast %broadcast_in_dim3A_16 : vector<16xf32> to vector<1x16xf32>
      tpu.vector_store %arg10[%swap3A_494, %swap3A_495], %swap3A_498 {strides = array<i32>} : memref<224x128xf32, #tpu.memory_space<vmem>>, vector<1x16xf32>,
      %swap3A_499 = arith.index_cast %add3A_463 : i32 to index
      %swap3A_500 = arith.constant 112 : index
      %swap3A_501 = tpu.vector_load %arg10[%swap3A_499, %swap3A_500] {strides = array<i32>} : memref<224x128xf32, #tpu.memory_space<vmem>>, vector<1x16xf32>,
      %swap3A_502 = vector.shape_cast %swap3A_501 : vector<1x16xf32> to vector<16xf32>
      %swap3A_503 = vector.shape_cast %broadcast_in_dim3A_16 : vector<16xf32> to vector<1x16xf32>
      tpu.vector_store %arg10[%swap3A_499, %swap3A_500], %swap3A_503 {strides = array<i32>} : memref<224x128xf32, #tpu.memory_space<vmem>>, vector<1x16xf32>,
    }
    %while3A_342 = arith.constant 1 : i32
    scf.for %while3A_461 = %while3A_340 to %while3A_336 step %while3A_342  : i32 {
      %mul3A_462 = arith.muli %while3A_461, %while3A_333 : i32
      %add3A_463 = arith.addi %squeeze3A_324, %mul3A_462 : i32
      %swap3A_464 = arith.index_cast %add3A_463 : i32 to index
      %swap3A_465 = arith.constant 0 : index
      %swap3A_466 = tpu.vector_load %arg10[%swap3A_464, %swap3A_465] {strides = array<i32>} : memref<224x128xf32, #tpu.memory_space<vmem>>, vector<1x16xf32>,
      %swap3A_467 = vector.shape_cast %swap3A_466 : vector<1x16xf32> to vector<16xf32>
      %swap3A_468 = vector.shape_cast %broadcast_in_dim3A_16 : vector<16xf32> to vector<1x16xf32>
      tpu.vector_store %arg10[%swap3A_464, %swap3A_465], %swap3A_468 {strides = array<i32>} : memref<224x128xf32, #tpu.memory_space<vmem>>, vector<1x16xf32>,
      %swap3A_469 = arith.index_cast %add3A_463 : i32 to index
      %swap3A_470 = arith.constant 16 : index
      %swap3A_471 = tpu.vector_load %arg10[%swap3A_469, %swap3A_470] {strides = array<i32>} : memref<224x128xf32, #tpu.memory_space<vmem>>, vector<1x16xf32>,
      %swap3A_472 = vector.shape_cast %swap3A_471 : vector<1x16xf32> to vector<16xf32>
      %swap3A_473 = vector.shape_cast %broadcast_in_dim3A_16 : vector<16xf32> to vector<1x16xf32>
      tpu.vector_store %arg10[%swap3A_469, %swap3A_470], %swap3A_473 {strides = array<i32>} : memref<224x128xf32, #tpu.memory_space<vmem>>, vector<1x16xf32>,
      %swap3A_474 = arith.index_cast %add3A_463 : i32 to index
      %swap3A_475 = arith.constant 32 : index
      %swap3A_476 = tpu.vector_load %arg10[%swap3A_474, %swap3A_475] {strides = array<i32>} : memref<224x128xf32, #tpu.memory_space<vmem>>, vector<1x16xf32>,
      %swap3A_477 = vector.shape_cast %swap3A_476 : vector<1x16xf32> to vector<16xf32>
      %swap3A_478 = vector.shape_cast %broadcast_in_dim3A_16 : vector<16xf32> to vector<1x16xf32>
      tpu.vector_store %arg10[%swap3A_474, %swap3A_475], %swap3A_478 {strides = array<i32>} : memref<224x128xf32, #tpu.memory_space<vmem>>, vector<1x16xf32>,
      %swap3A_479 = arith.index_cast %add3A_463 : i32 to index
      %swap3A_480 = arith.constant 48 : index
      %swap3A_481 = tpu.vector_load %arg10[%swap3A_479, %swap3A_480] {strides = array<i32>} : memref<224x128xf32, #tpu.memory_space<vmem>>, vector<1x16xf32>,
      %swap3A_482 = vector.shape_cast %swap3A_481 : vector<1x16xf32> to vector<16xf32>
      %swap3A_483 = vector.shape_cast %broadcast_in_dim3A_16 : vector<16xf32> to vector<1x16xf32>
      tpu.vector_store %arg10[%swap3A_479, %swap3A_480], %swap3A_483 {strides = array<i32>} : memref<224x128xf32, #tpu.memory_space<vmem>>, vector<1x16xf32>,
      %swap3A_484 = arith.index_cast %add3A_463 : i32 to index
      %swap3A_485 = arith.constant 64 : index
      %swap3A_486 = tpu.vector_load %arg10[%swap3A_484, %swap3A_485] {strides = array<i32>} : memref<224x128xf32, #tpu.memory_space<vmem>>, vector<1x16xf32>,
      %swap3A_487 = vector.shape_cast %swap3A_486 : vector<1x16xf32> to vector<16xf32>
      %swap3A_488 = vector.shape_cast %broadcast_in_dim3A_16 : vector<16xf32> to vector<1x16xf32>
      tpu.vector_store %arg10[%swap3A_484, %swap3A_485], %swap3A_488 {strides = array<i32>} : memref<224x128xf32, #tpu.memory_space<vmem>>, vector<1x16xf32>,
      %swap3A_489 = arith.index_cast %add3A_463 : i32 to index
      %swap3A_490 = arith.constant 80 : index
      %swap3A_491 = tpu.vector_load %arg10[%swap3A_489, %swap3A_490] {strides = array<i32>} : memref<224x128xf32, #tpu.memory_space<vmem>>, vector<1x16xf32>,
      %swap3A_492 = vector.shape_cast %swap3A_491 : vector<1x16xf32> to vector<16xf32>
      %swap3A_493 = vector.shape_cast %broadcast_in_dim3A_16 : vector<16xf32> to vector<1x16xf32>
      tpu.vector_store %arg10[%swap3A_489, %swap3A_490], %swap3A_493 {strides = array<i32>} : memref<224x128xf32, #tpu.memory_space<vmem>>, vector<1x16xf32>,
      %swap3A_494 = arith.index_cast %add3A_463 : i32 to index
      %swap3A_495 = arith.constant 96 : index
      %swap3A_496 = tpu.vector_load %arg10[%swap3A_494, %swap3A_495] {strides = array<i32>} : memref<224x128xf32, #tpu.memory_space<vmem>>, vector<1x16xf32>,
      %swap3A_497 = vector.shape_cast %swap3A_496 : vector<1x16xf32> to vector<16xf32>
      %swap3A_498 = vector.shape_cast %broadcast_in_dim3A_16 : vector<16xf32> to vector<1x16xf32>
      tpu.vector_store %arg10[%swap3A_494, %swap3A_495], %swap3A_498 {strides = array<i32>} : memref<224x128xf32, #tpu.memory_space<vmem>>, vector<1x16xf32>,
      %swap3A_499 = arith.index_cast %add3A_463 : i32 to index
      %swap3A_500 = arith.constant 112 : index
      %swap3A_501 = tpu.vector_load %arg10[%swap3A_499, %swap3A_500] {strides = array<i32>} : memref<224x128xf32, #tpu.memory_space<vmem>>, vector<1x16xf32>,
      %swap3A_502 = vector.shape_cast %swap3A_501 : vector<1x16xf32> to vector<16xf32>
      %swap3A_503 = vector.shape_cast %broadcast_in_dim3A_16 : vector<16xf32> to vector<1x16xf32>
      tpu.vector_store %arg10[%swap3A_499, %swap3A_500], %swap3A_503 {strides = array<i32>} : memref<224x128xf32, #tpu.memory_space<vmem>>, vector<1x16xf32>,
    }
    %add3A_343 = arith.constant 6000 : i32
    %add3A_344 = arith.addi %mul3A_2, %add3A_343 : i32
    %dma_start3A_345 = arith.constant 0 : i32
    %dma_start3A_346 = arith.constant 0 : i32
    %dma_start3A_347 = tpu.memref_slice %arg10[%dma_start3A_345, %dma_start3A_346] : memref<224x128xf32, #tpu.memory_space<vmem>> -> memref<200x128xf32, #tpu.memory_space<vmem>>
    %dma_start3A_348 = arith.constant 0 : i32
    %dma_start3A_349 = tpu.memref_slice %arg5[%add3A_344, %dma_start3A_348] : memref<204800x128xf32, #tpu.memory_space<hbm>> -> memref<200x128xf32, #tpu.memory_space<hbm>>
    %dma_start3A_350 = arith.constant 0 : i32
    %dma_start3A_351 = tpu.memref_slice %arg5[%add3A_344, %dma_start3A_350] : memref<204800x128xf32, #tpu.memory_space<hbm>> -> memref<200x128xf32, #tpu.memory_space<hbm>>
    %dma_start3A_352 = arith.constant 0 : i32
    %dma_start3A_353 = arith.constant 0 : i32
    %dma_start3A_354 = tpu.memref_slice %arg10[%dma_start3A_352, %dma_start3A_353] : memref<224x128xf32, #tpu.memory_space<vmem>> -> memref<200x128xf32, #tpu.memory_space<vmem>>
    tpu.enqueue_dma source(%dma_start3A_354 : memref<200x128xf32, #tpu.memory_space<vmem>>) target(%dma_start3A_351 : memref<200x128xf32, #tpu.memory_space<hbm>>) target_semaphore(%arg18 : memref<!tpu.dma_semaphore, #tpu.memory_space<semaphore_mem>>)
    %dma_wait3A = arith.constant 0 : i32
    %dma_wait3A_355 = arith.constant 0 : i32
    %dma_wait3A_356 = tpu.memref_slice %arg8[%dma_wait3A, %dma_wait3A_355] : memref<224x128xf32, #tpu.memory_space<vmem>> -> memref<200x128xf32, #tpu.memory_space<vmem>>
    %dma_wait3A_357 = arith.constant 0 : i32
    %dma_wait3A_358 = tpu.memref_slice %arg5[%mul3A_2, %dma_wait3A_357] : memref<204800x128xf32, #tpu.memory_space<hbm>> -> memref<200x128xf32, #tpu.memory_space<hbm>>
    %dma_wait3A_359 = arith.constant 0 : i32
    %dma_wait3A_360 = tpu.memref_slice %arg5[%mul3A_2, %dma_wait3A_359] : memref<204800x128xf32, #tpu.memory_space<hbm>> -> memref<200x128xf32, #tpu.memory_space<hbm>>
    %dma_wait3A_361 = arith.constant 0 : i32
    %dma_wait3A_362 = arith.constant 0 : i32
    %dma_wait3A_363 = tpu.memref_slice %arg8[%dma_wait3A_361, %dma_wait3A_362] : memref<224x128xf32, #tpu.memory_space<vmem>> -> memref<200x128xf32, #tpu.memory_space<vmem>>
    tpu.wait_dma2 semaphore(%arg16 : memref<!tpu.dma_semaphore, #tpu.memory_space<semaphore_mem>>) src(%dma_wait3A_363 : memref<200x128xf32, #tpu.memory_space<vmem>>) dst(%dma_wait3A_360 : memref<200x128xf32, #tpu.memory_space<hbm>>)
    %get3A_364 = arith.constant 31 : index
    %get3A_365 = tpu.vector_load %arg7[%get3A_364] {strides = array<i32>} : memref<48xi32, #tpu.memory_space<vmem>>, vector<16xi32>,
    %get3A_366 = vector.shape_cast %get3A_365 : vector<16xi32> to vector<16xi32>
    %slice3A_367 = vector.extract_strided_slice %get3A_366 {offsets = [0], sizes = [1], strides = [1]} : vector<16xi32> to vector<1xi32>
    %squeeze3A_368 = vector.extract %slice3A_367[0] : i32 from vector<1xi32>
    %add3A_369 = arith.constant 32 : i32
    %add3A_370 = arith.addi %squeeze3A_368, %add3A_369 : i32
    %sub3A_371 = arith.constant 1 : i32
    %sub3A_372 = arith.subi %add3A_370, %sub3A_371 : i32
    %and3A_373 = arith.constant -32 : i32
    %and3A_374 = arith.andi %sub3A_372, %and3A_373 : i32
    %and3A_375 = arith.constant 128 : i32
    %and3A_376 = arith.andi %and3A_374, %and3A_375 : i32
    %ne3A_377 = arith.constant 0 : i32
    %ne3A_378 = arith.cmpi ne, %and3A_376, %ne3A_377 : i32
    %convert_element_type3A_379 = arith.extui %ne3A_378 : i1 to i32
    %cond3A_380 = arith.constant 0 : i32
    %cond3A_381 = arith.cmpi ne, %convert_element_type3A_379, %cond3A_380 : i32
    scf.if %cond3A_381 {
      %dma_wait3A_461 = arith.constant 0 : i32
      %dma_wait3A_462 = arith.constant 0 : i32
      %dma_wait3A_463 = tpu.memref_slice %arg11[%dma_wait3A_461, %dma_wait3A_462] : memref<224x128xf32, #tpu.memory_space<vmem>> -> memref<128x128xf32, #tpu.memory_space<vmem>>
      %dma_wait3A_464 = arith.constant 0 : i32
      %dma_wait3A_465 = tpu.memref_slice %arg6[%dma_wait3A_464] : memref<6432xi32, #tpu.memory_space<vmem>> -> memref<128xi32, #tpu.memory_space<vmem>>
      %dma_wait3A_466 = arith.constant 0 : i32
      %dma_wait3A_467 = arith.constant 0 : i32
      %dma_wait3A_468 = tpu.memref_slice %arg4[%dma_wait3A_466, %dma_wait3A_467] : memref<100000x128xf32, #tpu.memory_space<hbm>> -> memref<100000x128xf32, #tpu.memory_space<hbm>>
      tpu.wait_indirect_dma semaphore(%arg15 : memref<!tpu.dma_semaphore, #tpu.memory_space<semaphore_mem>>) src(%dma_wait3A_468 : memref<100000x128xf32, #tpu.memory_space<hbm>>) dst(%dma_wait3A_463 : memref<128x128xf32, #tpu.memory_space<vmem>>)
    } else {
    }
    %and3A_382 = arith.constant 64 : i32
    %and3A_383 = arith.andi %and3A_374, %and3A_382 : i32
    %ne3A_384 = arith.constant 0 : i32
    %ne3A_385 = arith.cmpi ne, %and3A_383, %ne3A_384 : i32
    %convert_element_type3A_386 = arith.extui %ne3A_385 : i1 to i32
    %cond3A_387 = arith.constant 0 : i32
    %cond3A_388 = arith.cmpi ne, %convert_element_type3A_386, %cond3A_387 : i32
    scf.if %cond3A_388 {
      %dma_wait3A_461 = arith.constant 0 : i32
      %dma_wait3A_462 = arith.constant 0 : i32
      %dma_wait3A_463 = tpu.memref_slice %arg11[%dma_wait3A_461, %dma_wait3A_462] : memref<224x128xf32, #tpu.memory_space<vmem>> -> memref<64x128xf32, #tpu.memory_space<vmem>>
      %dma_wait3A_464 = arith.constant 0 : i32
      %dma_wait3A_465 = tpu.memref_slice %arg6[%dma_wait3A_464] : memref<6432xi32, #tpu.memory_space<vmem>> -> memref<64xi32, #tpu.memory_space<vmem>>
      %dma_wait3A_466 = arith.constant 0 : i32
      %dma_wait3A_467 = arith.constant 0 : i32
      %dma_wait3A_468 = tpu.memref_slice %arg4[%dma_wait3A_466, %dma_wait3A_467] : memref<100000x128xf32, #tpu.memory_space<hbm>> -> memref<100000x128xf32, #tpu.memory_space<hbm>>
      tpu.wait_indirect_dma semaphore(%arg15 : memref<!tpu.dma_semaphore, #tpu.memory_space<semaphore_mem>>) src(%dma_wait3A_468 : memref<100000x128xf32, #tpu.memory_space<hbm>>) dst(%dma_wait3A_463 : memref<64x128xf32, #tpu.memory_space<vmem>>)
    } else {
    }
    %and3A_389 = arith.constant 32 : i32
    %and3A_390 = arith.andi %and3A_374, %and3A_389 : i32
    %ne3A_391 = arith.constant 0 : i32
    %ne3A_392 = arith.cmpi ne, %and3A_390, %ne3A_391 : i32
    %convert_element_type3A_393 = arith.extui %ne3A_392 : i1 to i32
    %cond3A_394 = arith.constant 0 : i32
    %cond3A_395 = arith.cmpi ne, %convert_element_type3A_393, %cond3A_394 : i32
    scf.if %cond3A_395 {
      %dma_wait3A_461 = arith.constant 0 : i32
      %dma_wait3A_462 = arith.constant 0 : i32
      %dma_wait3A_463 = tpu.memref_slice %arg11[%dma_wait3A_461, %dma_wait3A_462] : memref<224x128xf32, #tpu.memory_space<vmem>> -> memref<32x128xf32, #tpu.memory_space<vmem>>
      %dma_wait3A_464 = arith.constant 0 : i32
      %dma_wait3A_465 = tpu.memref_slice %arg6[%dma_wait3A_464] : memref<6432xi32, #tpu.memory_space<vmem>> -> memref<32xi32, #tpu.memory_space<vmem>>
      %dma_wait3A_466 = arith.constant 0 : i32
      %dma_wait3A_467 = arith.constant 0 : i32
      %dma_wait3A_468 = tpu.memref_slice %arg4[%dma_wait3A_466, %dma_wait3A_467] : memref<100000x128xf32, #tpu.memory_space<hbm>> -> memref<100000x128xf32, #tpu.memory_space<hbm>>
      tpu.wait_indirect_dma semaphore(%arg15 : memref<!tpu.dma_semaphore, #tpu.memory_space<semaphore_mem>>) src(%dma_wait3A_468 : memref<100000x128xf32, #tpu.memory_space<hbm>>) dst(%dma_wait3A_463 : memref<32x128xf32, #tpu.memory_space<vmem>>)
    } else {
    }
    %get3A_396 = arith.constant 31 : index
    %get3A_397 = tpu.vector_load %arg7[%get3A_396] {strides = array<i32>} : memref<48xi32, #tpu.memory_space<vmem>>, vector<16xi32>,
    %get3A_398 = vector.shape_cast %get3A_397 : vector<16xi32> to vector<16xi32>
    %slice3A_399 = vector.extract_strided_slice %get3A_398 {offsets = [0], sizes = [1], strides = [1]} : vector<16xi32> to vector<1xi32>
    %squeeze3A_400 = vector.extract %slice3A_399[0] : i32 from vector<1xi32>
    %sub3A_401 = arith.constant 200 : i32
    %sub3A_402 = arith.subi %sub3A_401, %squeeze3A_400 : i32
    %sub3A_403 = arith.constant 1 : i32
    %sub3A_404 = arith.constant 1 : i32
    %sub3A_405 = arith.subi %sub3A_403, %sub3A_404 : i32
    %add3A_406 = arith.addi %sub3A_402, %sub3A_405 : i32
    %div3A_407 = arith.constant 1 : i32
    %div3A_408 = arith.divsi %add3A_406, %div3A_407 : i32
    %while3A_409 = arith.constant 1 : i32
    %while3A_410 = arith.constant 0 : i32
    %while3A_411 = arith.subi %div3A_408, %while3A_410 : i32
    %while3A_412 = arith.addi %while3A_410, %while3A_411 : i32
    %while3A_413 = arith.constant 1 : i32
    %while3A_414 = arith.divsi %while3A_411, %while3A_413 : i32
    %while3A_415 = arith.muli %while3A_414, %while3A_413 : i32
    %while3A_416 = arith.addi %while3A_410, %while3A_415 : i32
    %while3A_417 = arith.constant 1 : i32
    scf.for %while3A_461 = %while3A_410 to %while3A_416 step %while3A_417  : i32 {
      %mul3A_462 = arith.muli %while3A_461, %while3A_409 : i32
      %add3A_463 = arith.addi %squeeze3A_400, %mul3A_462 : i32
      %swap3A_464 = arith.index_cast %add3A_463 : i32 to index
      %swap3A_465 = arith.constant 0 : index
      %swap3A_466 = tpu.vector_load %arg11[%swap3A_464, %swap3A_465] {strides = array<i32>} : memref<224x128xf32, #tpu.memory_space<vmem>>, vector<1x16xf32>,
      %swap3A_467 = vector.shape_cast %swap3A_466 : vector<1x16xf32> to vector<16xf32>
      %swap3A_468 = vector.shape_cast %broadcast_in_dim3A_16 : vector<16xf32> to vector<1x16xf32>
      tpu.vector_store %arg11[%swap3A_464, %swap3A_465], %swap3A_468 {strides = array<i32>} : memref<224x128xf32, #tpu.memory_space<vmem>>, vector<1x16xf32>,
      %swap3A_469 = arith.index_cast %add3A_463 : i32 to index
      %swap3A_470 = arith.constant 16 : index
      %swap3A_471 = tpu.vector_load %arg11[%swap3A_469, %swap3A_470] {strides = array<i32>} : memref<224x128xf32, #tpu.memory_space<vmem>>, vector<1x16xf32>,
      %swap3A_472 = vector.shape_cast %swap3A_471 : vector<1x16xf32> to vector<16xf32>
      %swap3A_473 = vector.shape_cast %broadcast_in_dim3A_16 : vector<16xf32> to vector<1x16xf32>
      tpu.vector_store %arg11[%swap3A_469, %swap3A_470], %swap3A_473 {strides = array<i32>} : memref<224x128xf32, #tpu.memory_space<vmem>>, vector<1x16xf32>,
      %swap3A_474 = arith.index_cast %add3A_463 : i32 to index
      %swap3A_475 = arith.constant 32 : index
      %swap3A_476 = tpu.vector_load %arg11[%swap3A_474, %swap3A_475] {strides = array<i32>} : memref<224x128xf32, #tpu.memory_space<vmem>>, vector<1x16xf32>,
      %swap3A_477 = vector.shape_cast %swap3A_476 : vector<1x16xf32> to vector<16xf32>
      %swap3A_478 = vector.shape_cast %broadcast_in_dim3A_16 : vector<16xf32> to vector<1x16xf32>
      tpu.vector_store %arg11[%swap3A_474, %swap3A_475], %swap3A_478 {strides = array<i32>} : memref<224x128xf32, #tpu.memory_space<vmem>>, vector<1x16xf32>,
      %swap3A_479 = arith.index_cast %add3A_463 : i32 to index
      %swap3A_480 = arith.constant 48 : index
      %swap3A_481 = tpu.vector_load %arg11[%swap3A_479, %swap3A_480] {strides = array<i32>} : memref<224x128xf32, #tpu.memory_space<vmem>>, vector<1x16xf32>,
      %swap3A_482 = vector.shape_cast %swap3A_481 : vector<1x16xf32> to vector<16xf32>
      %swap3A_483 = vector.shape_cast %broadcast_in_dim3A_16 : vector<16xf32> to vector<1x16xf32>
      tpu.vector_store %arg11[%swap3A_479, %swap3A_480], %swap3A_483 {strides = array<i32>} : memref<224x128xf32, #tpu.memory_space<vmem>>, vector<1x16xf32>,
      %swap3A_484 = arith.index_cast %add3A_463 : i32 to index
      %swap3A_485 = arith.constant 64 : index
      %swap3A_486 = tpu.vector_load %arg11[%swap3A_484, %swap3A_485] {strides = array<i32>} : memref<224x128xf32, #tpu.memory_space<vmem>>, vector<1x16xf32>,
      %swap3A_487 = vector.shape_cast %swap3A_486 : vector<1x16xf32> to vector<16xf32>
      %swap3A_488 = vector.shape_cast %broadcast_in_dim3A_16 : vector<16xf32> to vector<1x16xf32>
      tpu.vector_store %arg11[%swap3A_484, %swap3A_485], %swap3A_488 {strides = array<i32>} : memref<224x128xf32, #tpu.memory_space<vmem>>, vector<1x16xf32>,
      %swap3A_489 = arith.index_cast %add3A_463 : i32 to index
      %swap3A_490 = arith.constant 80 : index
      %swap3A_491 = tpu.vector_load %arg11[%swap3A_489, %swap3A_490] {strides = array<i32>} : memref<224x128xf32, #tpu.memory_space<vmem>>, vector<1x16xf32>,
      %swap3A_492 = vector.shape_cast %swap3A_491 : vector<1x16xf32> to vector<16xf32>
      %swap3A_493 = vector.shape_cast %broadcast_in_dim3A_16 : vector<16xf32> to vector<1x16xf32>
      tpu.vector_store %arg11[%swap3A_489, %swap3A_490], %swap3A_493 {strides = array<i32>} : memref<224x128xf32, #tpu.memory_space<vmem>>, vector<1x16xf32>,
      %swap3A_494 = arith.index_cast %add3A_463 : i32 to index
      %swap3A_495 = arith.constant 96 : index
      %swap3A_496 = tpu.vector_load %arg11[%swap3A_494, %swap3A_495] {strides = array<i32>} : memref<224x128xf32, #tpu.memory_space<vmem>>, vector<1x16xf32>,
      %swap3A_497 = vector.shape_cast %swap3A_496 : vector<1x16xf32> to vector<16xf32>
      %swap3A_498 = vector.shape_cast %broadcast_in_dim3A_16 : vector<16xf32> to vector<1x16xf32>
      tpu.vector_store %arg11[%swap3A_494, %swap3A_495], %swap3A_498 {strides = array<i32>} : memref<224x128xf32, #tpu.memory_space<vmem>>, vector<1x16xf32>,
      %swap3A_499 = arith.index_cast %add3A_463 : i32 to index
      %swap3A_500 = arith.constant 112 : index
      %swap3A_501 = tpu.vector_load %arg11[%swap3A_499, %swap3A_500] {strides = array<i32>} : memref<224x128xf32, #tpu.memory_space<vmem>>, vector<1x16xf32>,
      %swap3A_502 = vector.shape_cast %swap3A_501 : vector<1x16xf32> to vector<16xf32>
      %swap3A_503 = vector.shape_cast %broadcast_in_dim3A_16 : vector<16xf32> to vector<1x16xf32>
      tpu.vector_store %arg11[%swap3A_499, %swap3A_500], %swap3A_503 {strides = array<i32>} : memref<224x128xf32, #tpu.memory_space<vmem>>, vector<1x16xf32>,
    }
    %while3A_418 = arith.constant 1 : i32
    scf.for %while3A_461 = %while3A_416 to %while3A_412 step %while3A_418  : i32 {
      %mul3A_462 = arith.muli %while3A_461, %while3A_409 : i32
      %add3A_463 = arith.addi %squeeze3A_400, %mul3A_462 : i32
      %swap3A_464 = arith.index_cast %add3A_463 : i32 to index
      %swap3A_465 = arith.constant 0 : index
      %swap3A_466 = tpu.vector_load %arg11[%swap3A_464, %swap3A_465] {strides = array<i32>} : memref<224x128xf32, #tpu.memory_space<vmem>>, vector<1x16xf32>,
      %swap3A_467 = vector.shape_cast %swap3A_466 : vector<1x16xf32> to vector<16xf32>
      %swap3A_468 = vector.shape_cast %broadcast_in_dim3A_16 : vector<16xf32> to vector<1x16xf32>
      tpu.vector_store %arg11[%swap3A_464, %swap3A_465], %swap3A_468 {strides = array<i32>} : memref<224x128xf32, #tpu.memory_space<vmem>>, vector<1x16xf32>,
      %swap3A_469 = arith.index_cast %add3A_463 : i32 to index
      %swap3A_470 = arith.constant 16 : index
      %swap3A_471 = tpu.vector_load %arg11[%swap3A_469, %swap3A_470] {strides = array<i32>} : memref<224x128xf32, #tpu.memory_space<vmem>>, vector<1x16xf32>,
      %swap3A_472 = vector.shape_cast %swap3A_471 : vector<1x16xf32> to vector<16xf32>
      %swap3A_473 = vector.shape_cast %broadcast_in_dim3A_16 : vector<16xf32> to vector<1x16xf32>
      tpu.vector_store %arg11[%swap3A_469, %swap3A_470], %swap3A_473 {strides = array<i32>} : memref<224x128xf32, #tpu.memory_space<vmem>>, vector<1x16xf32>,
      %swap3A_474 = arith.index_cast %add3A_463 : i32 to index
      %swap3A_475 = arith.constant 32 : index
      %swap3A_476 = tpu.vector_load %arg11[%swap3A_474, %swap3A_475] {strides = array<i32>} : memref<224x128xf32, #tpu.memory_space<vmem>>, vector<1x16xf32>,
      %swap3A_477 = vector.shape_cast %swap3A_476 : vector<1x16xf32> to vector<16xf32>
      %swap3A_478 = vector.shape_cast %broadcast_in_dim3A_16 : vector<16xf32> to vector<1x16xf32>
      tpu.vector_store %arg11[%swap3A_474, %swap3A_475], %swap3A_478 {strides = array<i32>} : memref<224x128xf32, #tpu.memory_space<vmem>>, vector<1x16xf32>,
      %swap3A_479 = arith.index_cast %add3A_463 : i32 to index
      %swap3A_480 = arith.constant 48 : index
      %swap3A_481 = tpu.vector_load %arg11[%swap3A_479, %swap3A_480] {strides = array<i32>} : memref<224x128xf32, #tpu.memory_space<vmem>>, vector<1x16xf32>,
      %swap3A_482 = vector.shape_cast %swap3A_481 : vector<1x16xf32> to vector<16xf32>
      %swap3A_483 = vector.shape_cast %broadcast_in_dim3A_16 : vector<16xf32> to vector<1x16xf32>
      tpu.vector_store %arg11[%swap3A_479, %swap3A_480], %swap3A_483 {strides = array<i32>} : memref<224x128xf32, #tpu.memory_space<vmem>>, vector<1x16xf32>,
      %swap3A_484 = arith.index_cast %add3A_463 : i32 to index
      %swap3A_485 = arith.constant 64 : index
      %swap3A_486 = tpu.vector_load %arg11[%swap3A_484, %swap3A_485] {strides = array<i32>} : memref<224x128xf32, #tpu.memory_space<vmem>>, vector<1x16xf32>,
      %swap3A_487 = vector.shape_cast %swap3A_486 : vector<1x16xf32> to vector<16xf32>
      %swap3A_488 = vector.shape_cast %broadcast_in_dim3A_16 : vector<16xf32> to vector<1x16xf32>
      tpu.vector_store %arg11[%swap3A_484, %swap3A_485], %swap3A_488 {strides = array<i32>} : memref<224x128xf32, #tpu.memory_space<vmem>>, vector<1x16xf32>,
      %swap3A_489 = arith.index_cast %add3A_463 : i32 to index
      %swap3A_490 = arith.constant 80 : index
      %swap3A_491 = tpu.vector_load %arg11[%swap3A_489, %swap3A_490] {strides = array<i32>} : memref<224x128xf32, #tpu.memory_space<vmem>>, vector<1x16xf32>,
      %swap3A_492 = vector.shape_cast %swap3A_491 : vector<1x16xf32> to vector<16xf32>
      %swap3A_493 = vector.shape_cast %broadcast_in_dim3A_16 : vector<16xf32> to vector<1x16xf32>
      tpu.vector_store %arg11[%swap3A_489, %swap3A_490], %swap3A_493 {strides = array<i32>} : memref<224x128xf32, #tpu.memory_space<vmem>>, vector<1x16xf32>,
      %swap3A_494 = arith.index_cast %add3A_463 : i32 to index
      %swap3A_495 = arith.constant 96 : index
      %swap3A_496 = tpu.vector_load %arg11[%swap3A_494, %swap3A_495] {strides = array<i32>} : memref<224x128xf32, #tpu.memory_space<vmem>>, vector<1x16xf32>,
      %swap3A_497 = vector.shape_cast %swap3A_496 : vector<1x16xf32> to vector<16xf32>
      %swap3A_498 = vector.shape_cast %broadcast_in_dim3A_16 : vector<16xf32> to vector<1x16xf32>
      tpu.vector_store %arg11[%swap3A_494, %swap3A_495], %swap3A_498 {strides = array<i32>} : memref<224x128xf32, #tpu.memory_space<vmem>>, vector<1x16xf32>,
      %swap3A_499 = arith.index_cast %add3A_463 : i32 to index
      %swap3A_500 = arith.constant 112 : index
      %swap3A_501 = tpu.vector_load %arg11[%swap3A_499, %swap3A_500] {strides = array<i32>} : memref<224x128xf32, #tpu.memory_space<vmem>>, vector<1x16xf32>,
      %swap3A_502 = vector.shape_cast %swap3A_501 : vector<1x16xf32> to vector<16xf32>
      %swap3A_503 = vector.shape_cast %broadcast_in_dim3A_16 : vector<16xf32> to vector<1x16xf32>
      tpu.vector_store %arg11[%swap3A_499, %swap3A_500], %swap3A_503 {strides = array<i32>} : memref<224x128xf32, #tpu.memory_space<vmem>>, vector<1x16xf32>,
    }
    %add3A_419 = arith.constant 6200 : i32
    %add3A_420 = arith.addi %mul3A_2, %add3A_419 : i32
    %dma_start3A_421 = arith.constant 0 : i32
    %dma_start3A_422 = arith.constant 0 : i32
    %dma_start3A_423 = tpu.memref_slice %arg11[%dma_start3A_421, %dma_start3A_422] : memref<224x128xf32, #tpu.memory_space<vmem>> -> memref<200x128xf32, #tpu.memory_space<vmem>>
    %dma_start3A_424 = arith.constant 0 : i32
    %dma_start3A_425 = tpu.memref_slice %arg5[%add3A_420, %dma_start3A_424] : memref<204800x128xf32, #tpu.memory_space<hbm>> -> memref<200x128xf32, #tpu.memory_space<hbm>>
    %dma_start3A_426 = arith.constant 0 : i32
    %dma_start3A_427 = tpu.memref_slice %arg5[%add3A_420, %dma_start3A_426] : memref<204800x128xf32, #tpu.memory_space<hbm>> -> memref<200x128xf32, #tpu.memory_space<hbm>>
    %dma_start3A_428 = arith.constant 0 : i32
    %dma_start3A_429 = arith.constant 0 : i32
    %dma_start3A_430 = tpu.memref_slice %arg11[%dma_start3A_428, %dma_start3A_429] : memref<224x128xf32, #tpu.memory_space<vmem>> -> memref<200x128xf32, #tpu.memory_space<vmem>>
    tpu.enqueue_dma source(%dma_start3A_430 : memref<200x128xf32, #tpu.memory_space<vmem>>) target(%dma_start3A_427 : memref<200x128xf32, #tpu.memory_space<hbm>>) target_semaphore(%arg19 : memref<!tpu.dma_semaphore, #tpu.memory_space<semaphore_mem>>)
    %dma_wait3A_431 = arith.constant 0 : i32
    %dma_wait3A_432 = arith.constant 0 : i32
    %dma_wait3A_433 = tpu.memref_slice %arg9[%dma_wait3A_431, %dma_wait3A_432] : memref<224x128xf32, #tpu.memory_space<vmem>> -> memref<200x128xf32, #tpu.memory_space<vmem>>
    %dma_wait3A_434 = arith.constant 0 : i32
    %dma_wait3A_435 = tpu.memref_slice %arg5[%mul3A_2, %dma_wait3A_434] : memref<204800x128xf32, #tpu.memory_space<hbm>> -> memref<200x128xf32, #tpu.memory_space<hbm>>
    %dma_wait3A_436 = arith.constant 0 : i32
    %dma_wait3A_437 = tpu.memref_slice %arg5[%mul3A_2, %dma_wait3A_436] : memref<204800x128xf32, #tpu.memory_space<hbm>> -> memref<200x128xf32, #tpu.memory_space<hbm>>
    %dma_wait3A_438 = arith.constant 0 : i32
    %dma_wait3A_439 = arith.constant 0 : i32
    %dma_wait3A_440 = tpu.memref_slice %arg9[%dma_wait3A_438, %dma_wait3A_439] : memref<224x128xf32, #tpu.memory_space<vmem>> -> memref<200x128xf32, #tpu.memory_space<vmem>>
    tpu.wait_dma2 semaphore(%arg17 : memref<!tpu.dma_semaphore, #tpu.memory_space<semaphore_mem>>) src(%dma_wait3A_440 : memref<200x128xf32, #tpu.memory_space<vmem>>) dst(%dma_wait3A_437 : memref<200x128xf32, #tpu.memory_space<hbm>>)
    %dma_wait3A_441 = arith.constant 0 : i32
    %dma_wait3A_442 = arith.constant 0 : i32
    %dma_wait3A_443 = tpu.memref_slice %arg10[%dma_wait3A_441, %dma_wait3A_442] : memref<224x128xf32, #tpu.memory_space<vmem>> -> memref<200x128xf32, #tpu.memory_space<vmem>>
    %dma_wait3A_444 = arith.constant 0 : i32
    %dma_wait3A_445 = tpu.memref_slice %arg5[%mul3A_2, %dma_wait3A_444] : memref<204800x128xf32, #tpu.memory_space<hbm>> -> memref<200x128xf32, #tpu.memory_space<hbm>>
    %dma_wait3A_446 = arith.constant 0 : i32
    %dma_wait3A_447 = tpu.memref_slice %arg5[%mul3A_2, %dma_wait3A_446] : memref<204800x128xf32, #tpu.memory_space<hbm>> -> memref<200x128xf32, #tpu.memory_space<hbm>>
    %dma_wait3A_448 = arith.constant 0 : i32
    %dma_wait3A_449 = arith.constant 0 : i32
    %dma_wait3A_450 = tpu.memref_slice %arg10[%dma_wait3A_448, %dma_wait3A_449] : memref<224x128xf32, #tpu.memory_space<vmem>> -> memref<200x128xf32, #tpu.memory_space<vmem>>
    tpu.wait_dma2 semaphore(%arg18 : memref<!tpu.dma_semaphore, #tpu.memory_space<semaphore_mem>>) src(%dma_wait3A_450 : memref<200x128xf32, #tpu.memory_space<vmem>>) dst(%dma_wait3A_447 : memref<200x128xf32, #tpu.memory_space<hbm>>)
    %dma_wait3A_451 = arith.constant 0 : i32
    %dma_wait3A_452 = arith.constant 0 : i32
    %dma_wait3A_453 = tpu.memref_slice %arg11[%dma_wait3A_451, %dma_wait3A_452] : memref<224x128xf32, #tpu.memory_space<vmem>> -> memref<200x128xf32, #tpu.memory_space<vmem>>
    %dma_wait3A_454 = arith.constant 0 : i32
    %dma_wait3A_455 = tpu.memref_slice %arg5[%mul3A_2, %dma_wait3A_454] : memref<204800x128xf32, #tpu.memory_space<hbm>> -> memref<200x128xf32, #tpu.memory_space<hbm>>
    %dma_wait3A_456 = arith.constant 0 : i32
    %dma_wait3A_457 = tpu.memref_slice %arg5[%mul3A_2, %dma_wait3A_456] : memref<204800x128xf32, #tpu.memory_space<hbm>> -> memref<200x128xf32, #tpu.memory_space<hbm>>
    %dma_wait3A_458 = arith.constant 0 : i32
    %dma_wait3A_459 = arith.constant 0 : i32
    %dma_wait3A_460 = tpu.memref_slice %arg11[%dma_wait3A_458, %dma_wait3A_459] : memref<224x128xf32, #tpu.memory_space<vmem>> -> memref<200x128xf32, #tpu.memory_space<vmem>>
    tpu.wait_dma2 semaphore(%arg19 : memref<!tpu.dma_semaphore, #tpu.memory_space<semaphore_mem>>) src(%dma_wait3A_460 : memref<200x128xf32, #tpu.memory_space<vmem>>) dst(%dma_wait3A_457 : memref<200x128xf32, #tpu.memory_space<hbm>>)
    return
  }
}

</mosaic_0001>

<sc_bundles>
// kernel: kernel.3.cloned.1.call-start
scs
__scs_entry_jumppad:
0x0: {  	(pc) =	sbr.rel $0x88, $3  }
0x1: {  	(tag) =	ssettag $0x0;
	lr =	simm.s32 $0x1  }
0x2: {  	[smem:$0x3F9E] =	sst lr;
	_ =	strace $0xD0000000  }
0x3: {  	_ = 	snop  }
0x4: {  	_ = 	snop  }
0x5: {  	_ = 	snop  }
0x6: {  	_ = 	snop  }
0x7: {  	_ = 	snop  }
__scs_overlays_trampoline_lowered:
0x8: {  	[smem:$0x3FAD] =	sst s0  }
0x9: {  	[smem:$0x3FAE] =	sst s1  }
0xa: {  	[smem:$0x3FAF] =	sst s2  }
0xb: {  	[smem:$0x3FB0] =	sst s3  }
0xc: {  	[smem:$0x3FB1] =	sst s4  }
0xd: {  	[smem:$0x3FB2] =	sst s5  }
0xe: {  	[smem:$0x3FB3] =	sst s6  }
0xf: {  	[smem:$0x3FB4] =	sst s7  }
0x10: {  	[smem:$0x3FB5] =	sst s8  }
0x11: {  	[smem:$0x3FB6] =	sst s9;
	s0 =	simm.s32 @!p0 $0x0  }
0x12: {  	s1 =	sld [smem:$0x3F9C];
	s0 =	simm.s32 @p0 $0x1  }
0x13: {  	[smem:$0x3FB7] =	sst s0;
	s0 =	simm.s32 @!p1 $0x0  }
0x14: {  	s2 =	sld [smem:$0x3F9B];
	s0 =	simm.s32 @p1 $0x1  }
0x15: {  	[smem:$0x3FB8] =	sst s0;
	s0 =	simm.s32 @!p2 $0x0  }
0x16: {  	s3 =	sld [smem:$0x3FDB];
	s0 =	simm.s32 @p2 $0x1  }
0x17: {  	s4 =	simm.s32 $0x1BF5;
	[smem:$0x3FBA] =	sst s0  }
0x18: {  	s0 =	sld [smem:$0x3F9D];
	_ =	swait.ge [sflag:s4], $0x0  }
0x19: {  	s7 =	sld [smem:$0x3F9E]  }
0x1a: {  	s8 =	sadd.s32 $0xFFFFE003, lr  }
0x1b: {  	s9 =	sadd.s32 $0xFFFFFEF7, lr;
	s5 =	simm.s32 $0xFFFFFFFF;
	p2 =	slt.u32 s8, $0xFFFFF086  }
0x1c: {  	p1 =	slt.u32 s9, $0xF7A;
	s5 =	simm.s32 @!p2 $0x0  }
0x1d: {  	s5 =	simm.s32 @p1 $0x1;
	p0 =	seq.s32 s7, s2  }
0x1e: {  	s7 =	smul.u32 @!p0 $0xF7A, s2;
	p2 =	seq.s32 @!p0 s5, $0x0  }
0x1f: {  	s9 =	smul.u32 $0xF7A, s1;
	s8 =	simm.s32 @!p0 $0x1BF5;
	p2 =	por !p2, p0  }
0x20: {  	[sflag:s8] =	ssyncset.s32 @!p0 $0xFFFFF086;
	s6 =	sadd.s32 @!p0 s3, s7;
	s7 =	simm.s32 @!p0 $0x108  }
0x21: {  	s3 =	sadd.s32 s3, s9;
	s6 =	sadd.s32 @!p0 $0x88, s6;
	s7 =	simm.s32 @p2 $0x1082  }
0x22: {  	[simem:s7], [sflag:s8] =	dma.local @!p0 [hbm:s6], $0xF7A  }
0x23: {  	s9 =	sor.u32 $0xD0000000, s2;
	s6 =	simm.s32 $0x108;
	_ =	swait.ge @!p0 [sflag:s8], $0x0  }
0x24: {  	s3 =	sadd.s32 $0x88, s3;
	s6 =	simm.s32 @!p1 $0x1082;
	[sflag:s4] =	ssyncset.s32 $0xFFFFF086  }
0x25: {  	[simem:s6], [sflag:s4] =	dma.local [hbm:s3], $0xF7A  }
0x26: {  	[smem:$0x3F9E] =	sst s1;
	(tag) =	ssettag s2;
	_ =	strace s9  }
0x27: {  	s1 =	sld [smem:$0x3FAE]  }
0x28: {  	s2 =	sld [smem:$0x3FAF]  }
0x29: {  	s4 =	sld [smem:$0x3FB1]  }
0x2a: {  	p0 =	seq.s32 s5, $0x0;
	s5 =	sld [smem:$0x3FB2]  }
0x2b: {  	s6 =	sld [smem:$0x3FB3]  }
0x2c: {  	s7 =	sld [smem:$0x3FB4]  }
0x2d: {  	s3 =	simm.s32 $0x108;
	s8 =	sld [smem:$0x3FB5]  }
0x2e: {  	s3 =	simm.s32 @!p0 $0x1082;
	s9 =	sld [smem:$0x3FB6]  }
0x2f: {  	lr =	sadd.s32 s0, s3;
	s0 =	sld [smem:$0x3FAD]  }
0x30: {  	s3 =	sld [smem:$0x3FB0]  }
0x31: {  	[smem:$0x3FB9] =	sst s10  }
0x32: {  	s10 =	sld [smem:$0x3FB7];
	_ =	sdelay $0x3  }
0x33: {  	p0 =	seq.s32 s10, $0x1;
	s10 =	sld [smem:$0x3FB9];
	_ =	sdelay $0x3  }
0x34: {  	[smem:$0x3FB9] =	sst s10  }
0x35: {  	s10 =	sld [smem:$0x3FB8];
	_ =	sdelay $0x3  }
0x36: {  	p1 =	seq.s32 s10, $0x1;
	s10 =	sld [smem:$0x3FB9];
	_ =	sdelay $0x3  }
0x37: {  	[smem:$0x3FB9] =	sst s10  }
0x38: {  	s10 =	sld [smem:$0x3FBA]  }
0x39: {  	_ = 	snop;
	(pc) =	sbr.ind lr, $3  }
0x3a: {  	_ = 	snop  }
0x3b: {  	_ = 	snop  }
0x3c: {  	p2 =	seq.s32 s10, $0x1;
	s10 =	sld [smem:$0x3FB9]  }
0x3d: {  	_ =	shalt  }
0x3e: {  	_ =	shalt  }
0x3f: {  	_ =	shalt  }
0x40: {  	_ =	shalt  }
0x41: {  	_ =	shalt  }
0x42: {  	_ =	shalt  }
0x43: {  	_ =	shalt  }
0x44: {  	_ =	shalt  }
0x45: {  	_ =	shalt  }
0x46: {  	_ =	shalt  }
0x47: {  	_ =	shalt  }
0x48: {  	_ =	shalt  }
0x49: {  	_ =	shalt  }
0x4a: {  	_ =	shalt  }
0x4b: {  	_ =	shalt  }
0x4c: {  	_ =	shalt  }
0x4d: {  	_ =	shalt  }
0x4e: {  	_ =	shalt  }
0x4f: {  	_ =	shalt  }
0x50: {  	_ =	shalt  }
0x51: {  	_ =	shalt  }
0x52: {  	_ =	shalt  }
0x53: {  	_ =	shalt  }
0x54: {  	_ =	shalt  }
0x55: {  	_ =	shalt  }
0x56: {  	_ =	shalt  }
0x57: {  	_ =	shalt  }
0x58: {  	_ =	shalt  }
0x59: {  	_ =	shalt  }
0x5a: {  	_ =	shalt  }
0x5b: {  	_ =	shalt  }
0x5c: {  	_ =	shalt  }
0x5d: {  	_ =	shalt  }
0x5e: {  	_ =	shalt  }
0x5f: {  	_ =	shalt  }
0x60: {  	_ =	shalt  }
0x61: {  	_ =	shalt  }
0x62: {  	_ =	shalt  }
0x63: {  	_ =	shalt  }
0x64: {  	_ =	shalt  }
0x65: {  	_ =	shalt  }
0x66: {  	_ =	shalt  }
0x67: {  	_ =	shalt  }
0x68: {  	_ =	shalt  }
0x69: {  	_ =	shalt  }
0x6a: {  	_ =	shalt  }
0x6b: {  	_ =	shalt  }
0x6c: {  	_ =	shalt  }
0x6d: {  	_ =	shalt  }
0x6e: {  	_ =	shalt  }
0x6f: {  	_ =	shalt  }
0x70: {  	_ =	shalt  }
0x71: {  	_ =	shalt  }
0x72: {  	_ =	shalt  }
0x73: {  	_ =	shalt  }
0x74: {  	_ =	shalt  }
0x75: {  	_ =	shalt  }
0x76: {  	_ =	shalt  }
0x77: {  	_ =	shalt  }
0x78: {  	_ =	shalt  }
0x79: {  	_ =	shalt  }
0x7a: {  	_ =	shalt  }
0x7b: {  	_ =	shalt  }
0x7c: {  	_ =	shalt  }
0x7d: {  	_ =	shalt  }
0x7e: {  	_ =	shalt  }
0x7f: {  	_ =	shalt  }
0x80: {  	_ =	shalt  }
0x81: {  	_ =	shalt  }
0x82: {  	_ =	shalt  }
0x83: {  	_ =	shalt  }
0x84: {  	_ =	shalt  }
0x85: {  	_ =	shalt  }
0x86: {  	_ =	shalt  }
0x87: {  	_ =	shalt  }
.Lfunc_end0:
.L_simem_size_0:
called_computation_lowered:
.L_overlay_start_0:
0x88: {  	s2 =	sld [smem:$0x3FD9]  }
0x89: {  	s3 =	sld [smem:$0x3FFE];
	_ =	sdelay $0x1  }
0x8a: {  	s1 =	srdreg.scid  }
0x8b: {  	s0 =	sand.u32 $0x1, s1  }
0x8c: {  	s17 =	sshll.u32 s0, $0xA;
	s2 =	sadd.s32 s3, s2  }
0x8d: {  	s2 =	sadd.s32 s2, s17  }
0x8e: {  	[smem:$0x3FC5] =	sst s2  }
0x8f: {  	_ = 	snop  }
0x90: {  	s2 =	sld [smem:$0x3FC8]  }
0x91: {  	s18 =	sld [smem:$0x3FC7]  }
0x92: {  	s4 =	sld [smem:$0x3FD0];
	(tm) =	ssettm $0x1  }
0x93: {  	s5 =	sld [smem:$0x3FFB];
	_ =	sdelay $0x3  }
0x94: {  	_ =	strace s5  }
0x95: {  	s5 =	sld [smem:$0x3FFC];
	_ =	sdelay $0x3  }
0x96: {  	_ =	strace s5  }
0x97: {  	s5 =	sld [smem:$0x3FFD];
	_ =	sdelay $0x3  }
0x98: {  	_ =	strace s5  }
0x99: {  	_ =	strace $0x8FFFFFFF  }
0x9a: {  	s19 =	sld [smem:$0x3FDB];
	_ =	sdelay $0x1  }
0x9b: {  	s6 =	simm.s32 $_scs_section_size  }
0x9c: {  	s7 =	simm.s32 $_size__tile_overlayer_lowered;
	s8 =	simm.s32 $_tile_overlayer_lowered  }
0x9d: {  	s22 =	simm.s32 $0x1BFF;
	s21 =	sshll.u32 s8, $0x1;
	s5 =	sadd.s32 s6, s19  }
0x9e: {  	s9 =	simm.s32 $0x0;
	s20 =	sshll.u32 s7, $0x1;
	s7 =	sadd.s32 s21, s5  }
0x9f: {  	[timem:s9], [sflag:s22] =	dma.local [hbm:s7], s20  }
0xa0: {  	_ =	swait.ge [sflag:s22], s20  }
0xa1: {  	s6 =	ssub.s32 $0x0, s20;
	[sflag:s22] =	ssyncset.done $0x0  }
0xa2: {  	[sflag:s22] =	ssyncadd.s32 s6;
	_ =	sdelay $0x1  }
0xa3: {  	s23 =	simm.s32 $0x1B8B  }
0xa4: {  	_ =	swait.ge [sflag:s23], $0x1  }
0xa5: {  	[sflag:s23] =	ssyncset.done $0x0  }
0xa6: {  	s25 =	simm.s32 $0x1B8E;
	s24 =	sld [smem:$0x3FFE];
	[sflag:s23] =	ssyncadd.s32 $0xFFFFFFFF  }
0xa7: {  	s26 =	simm.s32 $execute0_lowered;
	[smem:$0x3FD2] =	sst s25  }
0xa8: {  	s7 =	sshll.u32 s26, $0x1;
	_ =	strace $0x80000046;
	[dreg:$0x1] =	wrdreg $0xFFFFFFFF  }
0xa9: {  	s28 =	simm.s32 $_size_execute0_lowered;
	s5 =	sadd.s32 s5, s7;
	[dreg:$0x0] =	wrdreg $0x0  }
0xaa: {  	s7 =	sshll.u32 s28, $0x1;
	[dreg:$0x2] =	wrdreg s5  }
0xab: {  	[dreg:$0x3] =	wrdreg s7  }
0xac: {  	[dreg:$0x4] =	wrdreg $0xC0  }
0xad: {  	_ =	task [dreg:s9], $0x5FFFF  }
0xae: {  	[dreg:$0x1] =	wrdreg $0xFFFFFFFF  }
0xaf: {  	[dreg:$0x0] =	wrdreg $0x60  }
0xb0: {  	[dreg:$0x2] =	wrdreg s24  }
0xb1: {  	[dreg:$0x3] =	wrdreg s2  }
0xb2: {  	[dreg:$0x4] =	wrdreg s18  }
0xb3: {  	[dreg:$0x5] =	wrdreg s4  }
0xb4: {  	[dreg:$0x6] =	wrdreg $0x9  }
0xb5: {  	_ =	task.clear_ibuf [dreg:s9], $0x7FFFF;
	_ =	strace $0x90000046  }
0xb6: {  	s29 =	simm.s32 $0x9;
	_ =	strace $0x80000048  }
0xb7: {  	_ =	swait.ge [sflag:s29], $0x1  }
0xb8: {  	[sflag:s29] =	ssyncadd.s32 $0xFFFFFFFF  }
0xb9: {  	_ =	strace $0x90000048  }
0xba: {  	_ =	sfence  }
0xbb: {  	s30 =	sld [smem:$0x0];
	_ =	sdelay $0x2  }
0xbc: {  	s31 =	sshll.u32 s1, $0xD;
	s1 =	sshrl.u32 s1, $0x2  }
0xbd: {  	s3 =	sand.u32 $0x4000, s31;
	s1 =	sadd.s32 s1, s30  }
0xbe: {  	s0 =	sor.u32 s3, s0;
	s1 =	sshll.u32 s1, $0x11  }
0xbf: {  	s0 =	sor.u32 s1, s0  }
0xc0: {  	s0 =	sadd.s32 $0x8F2B, s0  }
0xc1: {  	[sflag:s0] =	ssyncadd.remote.s32 $0x1  }
0xc2: {  	_ =	sfence.sel $0xFFFF  }
0xc3: {  	[dreg:$0x0] =	wrdreg $0xFFFFFFFF;
	(pc) =	sbr.abs _section_cstart, $3  }
0xc4: {  	[dreg:$0x1] =	wrdreg $0xFFFFFFFF  }
0xc5: {  	_ =	task.clear_ibuf [dreg:s9], $0x2FFFF;
	_ =	strace $0x9FFFFFFF  }
0xc6: {  	(tm) =	ssettm $0x7FFFFFFF  }
0xc7: {  	_ =	shalt  }
tec
execute0_lowered:
.L_overlay_start_1:
0x0: {  	(tag) =	ssettag $0x1  }
0x1: {  	s0 =	rddreg [dreg:$0x0]  }
0x2: {  	s1 =	rddreg [dreg:$0x1]  }
0x3: {  	s3 =	srdreg.scid;
	s4 =	stileid.u32  }
0x4: {  	s2 =	rddreg [dreg:$0x2];
	s14 =	simm.s32 $0x9;
	s16 =	simm.s32 $0x1A00  }
0x5: {  	s17 =	simm.s32 $0x8A00;
	s18 =	simm.s32 $0xFA00;
	s19 =	simm.s32 $0x5  }
0x6: {  	s20 =	simm.s32 $0x16A00;
	s21 =	simm.s32 $0x6;
	s22 =	simm.s32 $0x7  }
0x7: {  	s23 =	simm.s32 $0x8;
	s6 =	sand.u32 $0x1, s3;
	s4 =	sshll.u32 s4, $0x1  }
0x8: {  	s24 =	simm.s32 $0x0;
	s3 =	rddreg [dreg:$0x3];
	s7 =	sor.u32 s6, s4  }
0x9: {  	s4 =	simm.s32 $0x0;
	s6 =	ssub.s32 $0x2, s6;
	s5 =	smul.u32 $0x1900, s7  }
0xa: {  	[smem:$0x7FF] =	sst s4;
	s9 =	smul.u32 $0x19000, s7;
	s29 =	sshrl.u32 s6, $0x1  }
0xb: {  	s10 =	smul.u32 $0xC8000, s7;
	s30 =	sshll.u32 s7, $0x2;
	_ =	strace $0x80000047  }
.Ltmp0:
0xc: {  	s13 =	ssub.s32 s6, s29;
	s8 =	sshrl.u32 s5, $0x3;
	(pc) =	sbr.rel .LBB2_1-.Ltmp0, $4  }
0xd: {  	s7 =	sadd.s32 s3, s9;
	s10 =	sshrl.u32 s10, $0x3;
	s13 =	smax.u32 s13, $0x1  }
0xe: {  	s0 =	sadd.s32 s8, s0;
	s8 =	sadd.s32 s1, s30;
	s9 =	sadd.s32 $0xC80, s7  }
0xf: {  	s31 =	sadd.s32 s3, s10;
	s10 =	sadd.s32 $0x258, s5;
	s0 =	sadd.s32 $0x400, s0  }
0x10: {  	v0 =	vimm.s32 $0x0;
	v1 =	vimm.f32 $0.0e+00;
	s11 =	sadd.s32 $0x17700, s31;
	s12 =	sadd.s32 $0x18380, s31;
	[dreg:$0x5] =	wrdreg s0  }
.LBB2_34:
0x11: {  	[tilespmem:s25+$0xFFFFFFD0] =	vst v1  }
.LBB2_35:
0x12: {  	[hbm4b:s12+s4] =	stream.linear.scatter [tilespmem:s20], [sflag:$0x8], $0x6400, $0x38;
	[tilespmem:$0x1DA00] =	vst v63  }
0x13: {  	_ =	swait.ge [sflag:s21], $0x6400  }
0x14: {  	[sflag:s21] =	ssyncset.done $0x0  }
0x15: {  	s24 =	sadd.s32 $0x1, s24;
	[sflag:s21] =	ssyncadd.s32 $0xFFFF9C00  }
0x16: {  	p0 =	sne.s32 s24, s13;
	_ =	swait.ge [sflag:s22], $0x6400  }
.Ltmp1:
0x17: {  	[sflag:s22] =	ssyncset.done $0x0;
	(pc) =	sbr.rel @!p0 .LBB2_36-.Ltmp1, $4  }
0x18: {  	[sflag:s22] =	ssyncadd.s32 $0xFFFF9C00  }
0x19: {  	_ =	swait.ge [sflag:s23], $0x6400  }
0x1a: {  	[sflag:s23] =	ssyncset.done $0x0  }
0x1b: {  	[sflag:s23] =	ssyncadd.s32 $0xFFFF9C00  }
.LBB2_1:
0x1c: {  	s0 =	rddreg [dreg:$0x5]  }
0x1d: {  	[tilespmem:s4], [sflag:$0x9] =	stream.linear.gather [hbm4b:s0+s4], $0x1900, $0x38;
	[tilespmem:$0x1DA00] =	vst v63  }
0x1e: {  	_ =	swait.ge [sflag:s14], $0x1900  }
0x1f: {  	[sflag:s14] =	ssyncset.done $0x0  }
0x20: {  	[sflag:s14] =	ssyncadd.s32 $0xFFFFE700  }
0x21: {  	[tilespmem:$0x1900] =	vst v0  }
0x22: {  	s31 =	simm.s32 $0x1980;
	[tilespmem:$0x1910] =	vst v0  }
0x23: {  	[tilespmem:s31], [sflag:$0x9] =	stream.linear.gather [hbm4b:s8+s4], $0x20, $0x38;
	[tilespmem:$0x1DA00] =	vst v63  }
0x24: {  	_ =	swait.ge [sflag:s14], $0x20  }
0x25: {  	[sflag:s14] =	ssyncset.done $0x0  }
0x26: {  	[sflag:s14] =	ssyncadd.s32 $0xFFFFFFE0  }
0x27: {  	v2 =	vld [tilespmem:$0x1980];
	_ =	sdelay $0x4  }
0x28: {  	(v2sf) =	vpush v2, $0x0;
	_ =	sdelay $0xe  }
0x29: {  	s1 =	spop (v2sf)  }
0x2a: {  	s0 =	sadd.s32 $0x1F, s1  }
0x2b: {  	s1 =	sand.u32 $0x80, s0  }
0x2c: {  	s6 =	sand.u32 $0x40, s0;
	p0 =	seq.s32 s1, $0x0  }
0x2d: {  	s25 =	simm.s32 @!p0 $0x80;
	s26 =	simm.s32 @!p0 $0x0;
	s28 =	simm.s32 @!p0 $0x1A00  }
0x2e: {  	[tilespmem:s28], [sflag:$0x1] =	stream.indirect.gather @!p0 [hbm4b:s2+s25], $0x80, s26, s25, $0xb8;
	[tilespmem:$0x1DA00] =	vst v63  }
0x2f: {  	p0 =	seq.s32 s6, $0x0  }
0x30: {  	s25 =	sshll.u32 @!p0 s1, $0x7  }
0x31: {  	s15 =	sand.u32 $0x20, s0;
	s26 =	simm.s32 @!p0 $0x40;
	s25 =	sadd.s32 @!p0 $0x1A00, s25  }
0x32: {  	[tilespmem:s25], [sflag:$0x1] =	stream.indirect.gather @!p0 [hbm4b:s2+s26], $0x80, s1, s26, $0xb8;
	[tilespmem:$0x1DA00] =	vst v63  }
0x33: {  	p0 =	seq.s32 s15, $0x0  }
0x34: {  	s0 =	sand.u32 @!p0 $0xC0, s0  }
0x35: {  	s1 =	sshll.u32 @!p0 s0, $0x7  }
0x36: {  	s25 =	simm.s32 @!p0 $0x20;
	s1 =	sor.u32 @!p0 $0x1A00, s1  }
0x37: {  	[tilespmem:s1], [sflag:$0x1] =	stream.indirect.gather @!p0 [hbm4b:s2+s25], $0x80, s0, s25, $0xb8;
	[tilespmem:$0x1DA00] =	vst v63  }
0x38: {  	v2 =	vld [tilespmem:$0x1981];
	_ =	sdelay $0x4  }
0x39: {  	(v2sf) =	vpush v2, $0x0;
	_ =	sdelay $0xe  }
0x3a: {  	s25 =	spop (v2sf)  }
0x3b: {  	s0 =	sadd.s32 $0x1F, s25  }
0x3c: {  	s1 =	sand.u32 $0x80, s0  }
0x3d: {  	p0 =	seq.s32 s1, $0x0  }
0x3e: {  	s25 =	simm.s32 @!p0 $0x80;
	s26 =	simm.s32 @!p0 $0xC8;
	s28 =	simm.s32 @!p0 $0x8A00  }
0x3f: {  	[tilespmem:s28], [sflag:$0x2] =	stream.indirect.gather @!p0 [hbm4b:s2+s25], $0x80, s26, s25, $0xb8;
	[tilespmem:$0x1DA00] =	vst v63  }
0x40: {  	s26 =	sand.u32 $0x40, s0  }
0x41: {  	p0 =	seq.s32 s26, $0x0  }
0x42: {  	s28 =	sand.u32 $0x20, s0;
	s25 =	sshll.u32 @!p0 s1, $0x7  }
0x43: {  	s1 =	sadd.s32 @!p0 $0xC8, s1;
	s26 =	simm.s32 @!p0 $0x40;
	s25 =	sadd.s32 @!p0 $0x8A00, s25  }
0x44: {  	[tilespmem:s25], [sflag:$0x2] =	stream.indirect.gather @!p0 [hbm4b:s2+s26], $0x80, s1, s26, $0xb8;
	[tilespmem:$0x1DA00] =	vst v63  }
0x45: {  	p0 =	seq.s32 s28, $0x0  }
0x46: {  	s0 =	sand.u32 @!p0 $0xC0, s0  }
0x47: {  	s1 =	sshll.u32 @!p0 s0, $0x7  }
0x48: {  	s25 =	simm.s32 @!p0 $0x20;
	s0 =	sadd.s32 @!p0 $0xC8, s0;
	s1 =	sor.u32 @!p0 $0x8A00, s1  }
0x49: {  	[tilespmem:s1], [sflag:$0x2] =	stream.indirect.gather @!p0 [hbm4b:s2+s25], $0x80, s0, s25, $0xb8;
	[tilespmem:$0x1DA00] =	vst v63  }
0x4a: {  	v2 =	vld [tilespmem:$0x1980];
	_ =	sdelay $0x4  }
0x4b: {  	(v2sf) =	vpush v2, $0x0;
	_ =	sdelay $0xe  }
0x4c: {  	s1 =	spop (v2sf)  }
0x4d: {  	s29 =	sadd.s32 $0x1F, s1  }
0x4e: {  	s30 =	sand.u32 $0x80, s29  }
0x4f: {  	p0 =	seq.s32 s30, $0x0  }
0x50: {  	s25 =	simm.s32 @!p0 $0x1  }
0x51: {  	s31 =	sand.u32 $0x40, s29;
	_ =	swait.ge @!p0 [sflag:s25], $0x4000  }
0x52: {  	p1 =	seq.s32 s31, $0x0;
	[sflag:s25] =	ssyncset.done @!p0 $0x0  }
0x53: {  	[sflag:s25] =	ssyncadd.s32 @!p0 $0xFFFFC000;
	s25 =	simm.s32 @!p1 $0x1  }
0x54: {  	_ =	swait.ge @!p1 [sflag:s25], $0x2000  }
0x55: {  	s26 =	ssub.s32 $0xC8, s1;
	[sflag:s25] =	ssyncset.done @!p1 $0x0  }
0x56: {  	s0 =	sand.u32 $0x20, s29;
	[sflag:s25] =	ssyncadd.s32 @!p1 $0xFFFFE000;
	p1 =	slt.s32 s26, $0x1  }
.Ltmp2:
0x57: {  	p0 =	seq.s32 s0, $0x0;
	(pc) =	sbr.rel @p1 .LBB2_5-.Ltmp2, $4  }
0x58: {  	s0 =	simm.s32 @!p0 $0x1  }
0x59: {  	_ =	swait.ge @!p0 [sflag:s0], $0x1000  }
0x5a: {  	[sflag:s0] =	ssyncset.done @!p0 $0x0  }
0x5b: {  	[sflag:s0] =	ssyncadd.s32 @!p0 $0xFFFFF000  }
0x5c: {  	s0 =	sshll.u32 s1, $0x9  }
0x5d: {  	s0 =	sshra.s32 s0, $0x2  }
0x5e: {  	s25 =	sadd.s32 $0x1A40, s0  }
0x5f: {  	[tilespmem:s25+$0xFFFFFFC0] =	vst v1  }
0x60: {  	p0 =	sne.s32 s26, $0x1;
	[tilespmem:s25+$0x30] =	vst v1  }
.Ltmp3:
0x61: {  	[tilespmem:s25+$0x20] =	vst v1;
	(pc) =	sbr.rel @!p0 .LBB2_4-.Ltmp3, $4  }
0x62: {  	[tilespmem:s25+$0x10] =	vst v1  }
0x63: {  	[tilespmem:s25+$0x0] =	vst v1  }
0x64: {  	[tilespmem:s25+$0xFFFFFFF0] =	vst v1  }
0x65: {  	s26 =	sadd.s32 $0xFFFFFFFF, s26;
	[tilespmem:s25+$0xFFFFFFE0] =	vst v1  }
.LBB2_3:
0x66: {  	p0 =	sne.s32 s26, $0x1;
	s26 =	sadd.s32 $0xFFFFFFFF, s26;
	[tilespmem:s25+$0xFFFFFFD0] =	vst v1;
	s25 =	sadd.s32 $0x80, s25  }
0x67: {  	[tilespmem:s25+$0xFFFFFFC0] =	vst v1  }
0x68: {  	[tilespmem:s25+$0x30] =	vst v1  }
.Ltmp4:
0x69: {  	[tilespmem:s25+$0x20] =	vst v1;
	(pc) =	sbr.rel @p0 .LBB2_3-.Ltmp4, $4  }
0x6a: {  	[tilespmem:s25+$0x10] =	vst v1  }
0x6b: {  	[tilespmem:s25+$0x0] =	vst v1  }
0x6c: {  	[tilespmem:s25+$0xFFFFFFF0] =	vst v1  }
0x6d: {  	[tilespmem:s25+$0xFFFFFFE0] =	vst v1  }
.LBB2_4:
0x6e: {  	[tilespmem:s25+$0xFFFFFFD0] =	vst v1  }
.LBB2_5:
0x6f: {  	[hbm4b:s7+s4] =	stream.linear.scatter [tilespmem:s16], [sflag:$0x5], $0x6400, $0x38;
	[tilespmem:$0x1DA00] =	vst v63  }
0x70: {  	v2 =	vld [tilespmem:$0x1982];
	_ =	sdelay $0x4  }
0x71: {  	(v2sf) =	vpush v2, $0x0;
	_ =	sdelay $0xe  }
0x72: {  	s0 =	spop (v2sf)  }
0x73: {  	s0 =	sadd.s32 $0x1F, s0  }
0x74: {  	s1 =	sand.u32 $0x80, s0  }
0x75: {  	p0 =	seq.s32 s1, $0x0  }
0x76: {  	s25 =	simm.s32 @!p0 $0x80;
	s26 =	simm.s32 @!p0 $0x190;
	s28 =	simm.s32 @!p0 $0xFA00  }
0x77: {  	[tilespmem:s28], [sflag:$0x3] =	stream.indirect.gather @!p0 [hbm4b:s2+s25], $0x80, s26, s25, $0xb8;
	[tilespmem:$0x1DA00] =	vst v63  }
0x78: {  	s26 =	sand.u32 $0x40, s0  }
0x79: {  	p0 =	seq.s32 s26, $0x0  }
0x7a: {  	s28 =	sand.u32 $0x20, s0;
	s25 =	sshll.u32 @!p0 s1, $0x7  }
0x7b: {  	s1 =	sadd.s32 @!p0 $0x190, s1;
	s26 =	simm.s32 @!p0 $0x40;
	s25 =	sadd.s32 @!p0 $0xFA00, s25  }
0x7c: {  	[tilespmem:s25], [sflag:$0x3] =	stream.indirect.gather @!p0 [hbm4b:s2+s26], $0x80, s1, s26, $0xb8;
	[tilespmem:$0x1DA00] =	vst v63  }
0x7d: {  	p0 =	seq.s32 s28, $0x0  }
0x7e: {  	s0 =	sand.u32 @!p0 $0xC0, s0  }
0x7f: {  	s1 =	sshll.u32 @!p0 s0, $0x7  }
0x80: {  	s25 =	simm.s32 @!p0 $0x20;
	s0 =	sadd.s32 @!p0 $0x190, s0;
	s1 =	sadd.s32 @!p0 $0xFA00, s1  }
0x81: {  	[tilespmem:s1], [sflag:$0x3] =	stream.indirect.gather @!p0 [hbm4b:s2+s25], $0x80, s0, s25, $0xb8;
	[tilespmem:$0x1DA00] =	vst v63  }
0x82: {  	v2 =	vld [tilespmem:$0x1981];
	_ =	sdelay $0x4  }
0x83: {  	(v2sf) =	vpush v2, $0x0;
	_ =	sdelay $0xe  }
0x84: {  	s1 =	spop (v2sf)  }
0x85: {  	s29 =	sadd.s32 $0x1F, s1  }
0x86: {  	s30 =	sand.u32 $0x80, s29  }
0x87: {  	p0 =	seq.s32 s30, $0x0  }
0x88: {  	s25 =	simm.s32 @!p0 $0x2  }
0x89: {  	s31 =	sand.u32 $0x40, s29;
	_ =	swait.ge @!p0 [sflag:s25], $0x4000  }
0x8a: {  	p1 =	seq.s32 s31, $0x0;
	[sflag:s25] =	ssyncset.done @!p0 $0x0  }
0x8b: {  	[sflag:s25] =	ssyncadd.s32 @!p0 $0xFFFFC000;
	s25 =	simm.s32 @!p1 $0x2  }
0x8c: {  	_ =	swait.ge @!p1 [sflag:s25], $0x2000  }
0x8d: {  	s26 =	ssub.s32 $0xC8, s1;
	[sflag:s25] =	ssyncset.done @!p1 $0x0  }
0x8e: {  	s0 =	sand.u32 $0x20, s29;
	[sflag:s25] =	ssyncadd.s32 @!p1 $0xFFFFE000;
	p1 =	slt.s32 s26, $0x1  }
.Ltmp5:
0x8f: {  	p0 =	seq.s32 s0, $0x0;
	(pc) =	sbr.rel @p1 .LBB2_9-.Ltmp5, $4  }
0x90: {  	s0 =	simm.s32 @!p0 $0x2  }
0x91: {  	_ =	swait.ge @!p0 [sflag:s0], $0x1000  }
0x92: {  	[sflag:s0] =	ssyncset.done @!p0 $0x0  }
0x93: {  	[sflag:s0] =	ssyncadd.s32 @!p0 $0xFFFFF000  }
0x94: {  	s0 =	sshll.u32 s1, $0x9  }
0x95: {  	s0 =	sshra.s32 s0, $0x2  }
0x96: {  	s25 =	sadd.s32 $0x8A40, s0  }
0x97: {  	[tilespmem:s25+$0xFFFFFFC0] =	vst v1  }
0x98: {  	p0 =	sne.s32 s26, $0x1;
	[tilespmem:s25+$0x30] =	vst v1  }
.Ltmp6:
0x99: {  	[tilespmem:s25+$0x20] =	vst v1;
	(pc) =	sbr.rel @!p0 .LBB2_8-.Ltmp6, $4  }
0x9a: {  	[tilespmem:s25+$0x10] =	vst v1  }
0x9b: {  	[tilespmem:s25+$0x0] =	vst v1  }
0x9c: {  	[tilespmem:s25+$0xFFFFFFF0] =	vst v1  }
0x9d: {  	s26 =	sadd.s32 $0xFFFFFFFF, s26;
	[tilespmem:s25+$0xFFFFFFE0] =	vst v1  }
.LBB2_7:
0x9e: {  	p0 =	sne.s32 s26, $0x1;
	s26 =	sadd.s32 $0xFFFFFFFF, s26;
	[tilespmem:s25+$0xFFFFFFD0] =	vst v1;
	s25 =	sadd.s32 $0x80, s25  }
0x9f: {  	[tilespmem:s25+$0xFFFFFFC0] =	vst v1  }
0xa0: {  	[tilespmem:s25+$0x30] =	vst v1  }
.Ltmp7:
0xa1: {  	[tilespmem:s25+$0x20] =	vst v1;
	(pc) =	sbr.rel @p0 .LBB2_7-.Ltmp7, $4  }
0xa2: {  	[tilespmem:s25+$0x10] =	vst v1  }
0xa3: {  	[tilespmem:s25+$0x0] =	vst v1  }
0xa4: {  	[tilespmem:s25+$0xFFFFFFF0] =	vst v1  }
0xa5: {  	[tilespmem:s25+$0xFFFFFFE0] =	vst v1  }
.LBB2_8:
0xa6: {  	[tilespmem:s25+$0xFFFFFFD0] =	vst v1  }
.LBB2_9:
0xa7: {  	[hbm4b:s9+s4] =	stream.linear.scatter [tilespmem:s17], [sflag:$0x6], $0x6400, $0x38;
	[tilespmem:$0x1DA00] =	vst v63  }
0xa8: {  	v2 =	vld [tilespmem:$0x1983];
	_ =	sdelay $0x4  }
0xa9: {  	(v2sf) =	vpush v2, $0x0;
	_ =	sdelay $0xe  }
0xaa: {  	s0 =	spop (v2sf)  }
0xab: {  	s0 =	sadd.s32 $0x1F, s0  }
0xac: {  	s1 =	sand.u32 $0x80, s0  }
0xad: {  	s30 =	sand.u32 $0x40, s0;
	p0 =	seq.s32 s1, $0x0  }
0xae: {  	s25 =	simm.s32 @!p0 $0x80;
	s26 =	simm.s32 @!p0 $0x258;
	s28 =	simm.s32 @!p0 $0x16A00  }
0xaf: {  	[tilespmem:s28], [sflag:$0x4] =	stream.indirect.gather @!p0 [hbm4b:s2+s25], $0x80, s26, s25, $0xb8;
	[tilespmem:$0x1DA00] =	vst v63  }
0xb0: {  	p0 =	seq.s32 s30, $0x0  }
0xb1: {  	s31 =	sand.u32 $0x20, s0;
	s25 =	sshll.u32 @!p0 s1, $0x7  }
0xb2: {  	s1 =	sadd.s32 @!p0 $0x258, s1;
	s26 =	simm.s32 @!p0 $0x40;
	s25 =	sadd.s32 @!p0 $0x16A00, s25  }
0xb3: {  	[tilespmem:s25], [sflag:$0x4] =	stream.indirect.gather @!p0 [hbm4b:s2+s26], $0x80, s1, s26, $0xb8;
	[tilespmem:$0x1DA00] =	vst v63  }
0xb4: {  	p0 =	seq.s32 s31, $0x0  }
.Ltmp8:
0xb5: {  	s0 =	sand.u32 @!p0 $0xC0, s0;
	(pc) =	sbr.rel .LBB2_10-.Ltmp8, $4  }
0xb6: {  	s1 =	sshll.u32 @!p0 s0, $0x7  }
0xb7: {  	s25 =	simm.s32 @!p0 $0x20;
	s0 =	sadd.s32 @!p0 $0x258, s0;
	s1 =	sadd.s32 @!p0 $0x16A00, s1  }
0xb8: {  	[tilespmem:s1], [sflag:$0x4] =	stream.indirect.gather @!p0 [hbm4b:s2+s25], $0x80, s0, s25, $0xb8;
	[tilespmem:$0x1DA00] =	vst v63  }
0xb9: {  	s25 =	simm.s32 $0x0  }
.LBB2_25:
0xba: {  	[tilespmem:s30+$0xFFFFFFD0] =	vst v1  }
.LBB2_26:
0xbb: {  	s0 =	sadd.s32 s5, s29  }
0xbc: {  	s0 =	sshll.u32 s0, $0x4  }
0xbd: {  	s0 =	sadd.s32 s3, s0  }
0xbe: {  	[hbm4b:s0+s4] =	stream.linear.scatter [tilespmem:s17], [sflag:$0x6], $0x6400, $0x38;
	[tilespmem:$0x1DA00] =	vst v63  }
0xbf: {  	_ =	swait.ge [sflag:s23], $0x6400  }
0xc0: {  	[sflag:s23] =	ssyncset.done $0x0  }
0xc1: {  	[sflag:s23] =	ssyncadd.s32 $0xFFFF9C00  }
0xc2: {  	v2 =	vld [tilespmem:s26+$0x1987];
	_ =	sdelay $0x4  }
0xc3: {  	(v2sf) =	vpush v2, $0x0;
	_ =	sdelay $0xe  }
0xc4: {  	s29 =	spop (v2sf)  }
0xc5: {  	s0 =	sadd.s32 $0x1F, s29  }
0xc6: {  	s1 =	sand.u32 $0x80, s0  }
0xc7: {  	s6 =	sadd.s32 $0x578, s28;
	p0 =	seq.s32 s1, $0x0  }
0xc8: {  	s30 =	sand.u32 $0x40, s0;
	s15 =	simm.s32 @!p0 $0x80;
	s26 =	simm.s32 @!p0 $0x16A00  }
0xc9: {  	[tilespmem:s26], [sflag:$0x4] =	stream.indirect.gather @!p0 [hbm4b:s2+s15], $0x80, s6, s15, $0xb8;
	[tilespmem:$0x1DA00] =	vst v63  }
0xca: {  	p0 =	seq.s32 s30, $0x0  }
0xcb: {  	s31 =	sand.u32 $0x20, s0;
	s15 =	sshll.u32 @!p0 s1, $0x7  }
0xcc: {  	s1 =	sadd.s32 @!p0 s1, s6;
	s26 =	simm.s32 @!p0 $0x40;
	s15 =	sadd.s32 @!p0 $0x16A00, s15  }
0xcd: {  	[tilespmem:s15], [sflag:$0x4] =	stream.indirect.gather @!p0 [hbm4b:s2+s26], $0x80, s1, s26, $0xb8;
	[tilespmem:$0x1DA00] =	vst v63  }
0xce: {  	p0 =	seq.s32 s31, $0x0  }
0xcf: {  	s0 =	sand.u32 @!p0 $0xC0, s0  }
0xd0: {  	s25 =	sadd.s32 $0x1, s25;
	s1 =	sshll.u32 @!p0 s0, $0x7  }
0xd1: {  	s0 =	sadd.s32 @!p0 s0, s6;
	s6 =	simm.s32 @!p0 $0x20;
	s1 =	sadd.s32 @!p0 $0x16A00, s1  }
0xd2: {  	[tilespmem:s1], [sflag:$0x4] =	stream.indirect.gather @!p0 [hbm4b:s2+s6], $0x80, s0, s6, $0xb8;
	[tilespmem:$0x1DA00] =	vst v63  }
0xd3: {  	p0 =	sne.s32 s25, $0x7  }
.Ltmp9:
0xd4: {  	_ = 	snop;
	(pc) =	sbr.rel @!p0 .LBB2_27-.Ltmp9, $1  }
0xd5: {  	_ =	sdelay $0x3  }
.LBB2_10:
0xd6: {  	s26 =	sshll.u32 s25, $0x2  }
0xd7: {  	v2 =	vld [tilespmem:s26+$0x1982];
	_ =	sdelay $0x4  }
0xd8: {  	(v2sf) =	vpush v2, $0x0;
	_ =	sdelay $0xe  }
0xd9: {  	s1 =	spop (v2sf)  }
0xda: {  	s0 =	sadd.s32 $0x1F, s1  }
0xdb: {  	s28 =	sand.u32 $0x80, s0  }
0xdc: {  	p0 =	seq.s32 s28, $0x0  }
0xdd: {  	s28 =	simm.s32 @!p0 $0x3  }
0xde: {  	s29 =	sand.u32 $0x40, s0;
	_ =	swait.ge @!p0 [sflag:s28], $0x4000  }
0xdf: {  	p1 =	seq.s32 s29, $0x0;
	[sflag:s28] =	ssyncset.done @!p0 $0x0  }
0xe0: {  	[sflag:s28] =	ssyncadd.s32 @!p0 $0xFFFFC000;
	s28 =	simm.s32 @!p1 $0x3  }
0xe1: {  	_ =	swait.ge @!p1 [sflag:s28], $0x2000  }
0xe2: {  	s29 =	ssub.s32 $0xC8, s1;
	[sflag:s28] =	ssyncset.done @!p1 $0x0  }
0xe3: {  	s0 =	sand.u32 $0x20, s0;
	[sflag:s28] =	ssyncadd.s32 @!p1 $0xFFFFE000;
	p1 =	slt.s32 s29, $0x1  }
.Ltmp10:
0xe4: {  	p0 =	seq.s32 s0, $0x0;
	(pc) =	sbr.rel @p1 .LBB2_14-.Ltmp10, $4  }
0xe5: {  	s0 =	simm.s32 @!p0 $0x3  }
0xe6: {  	_ =	swait.ge @!p0 [sflag:s0], $0x1000  }
0xe7: {  	[sflag:s0] =	ssyncset.done @!p0 $0x0  }
0xe8: {  	[sflag:s0] =	ssyncadd.s32 @!p0 $0xFFFFF000  }
0xe9: {  	s0 =	sshll.u32 s1, $0x9  }
0xea: {  	s0 =	sshra.s32 s0, $0x2  }
0xeb: {  	s28 =	sadd.s32 $0xFA40, s0  }
0xec: {  	[tilespmem:s28+$0xFFFFFFC0] =	vst v1  }
0xed: {  	p0 =	sne.s32 s29, $0x1;
	[tilespmem:s28+$0x30] =	vst v1  }
.Ltmp11:
0xee: {  	[tilespmem:s28+$0x20] =	vst v1;
	(pc) =	sbr.rel @!p0 .LBB2_13-.Ltmp11, $4  }
0xef: {  	[tilespmem:s28+$0x10] =	vst v1  }
0xf0: {  	[tilespmem:s28+$0x0] =	vst v1  }
0xf1: {  	[tilespmem:s28+$0xFFFFFFF0] =	vst v1  }
0xf2: {  	s29 =	sadd.s32 $0xFFFFFFFF, s29;
	[tilespmem:s28+$0xFFFFFFE0] =	vst v1  }
.LBB2_12:
0xf3: {  	p0 =	sne.s32 s29, $0x1;
	s29 =	sadd.s32 $0xFFFFFFFF, s29;
	[tilespmem:s28+$0xFFFFFFD0] =	vst v1;
	s28 =	sadd.s32 $0x80, s28  }
0xf4: {  	[tilespmem:s28+$0xFFFFFFC0] =	vst v1  }
0xf5: {  	[tilespmem:s28+$0x30] =	vst v1  }
.Ltmp12:
0xf6: {  	[tilespmem:s28+$0x20] =	vst v1;
	(pc) =	sbr.rel @p0 .LBB2_12-.Ltmp12, $4  }
0xf7: {  	[tilespmem:s28+$0x10] =	vst v1  }
0xf8: {  	[tilespmem:s28+$0x0] =	vst v1  }
0xf9: {  	[tilespmem:s28+$0xFFFFFFF0] =	vst v1  }
0xfa: {  	[tilespmem:s28+$0xFFFFFFE0] =	vst v1  }
.LBB2_13:
0xfb: {  	[tilespmem:s28+$0xFFFFFFD0] =	vst v1  }
.LBB2_14:
0xfc: {  	s0 =	sor.u32 $0x2, s26  }
0xfd: {  	s0 =	smul.u32 $0xC8, s0;
	_ =	sdelay $0x1  }
0xfe: {  	s0 =	sadd.s32 s5, s0  }
0xff: {  	s0 =	sshll.u32 s0, $0x4  }
0x100: {  	s0 =	sadd.s32 s3, s0  }
0x101: {  	[hbm4b:s0+s4] =	stream.linear.scatter [tilespmem:s18], [sflag:$0x7], $0x6400, $0x38;
	[tilespmem:$0x1DA00] =	vst v63  }
0x102: {  	_ =	swait.ge [sflag:s19], $0x6400  }
0x103: {  	[sflag:s19] =	ssyncset.done $0x0  }
0x104: {  	[sflag:s19] =	ssyncadd.s32 $0xFFFF9C00  }
0x105: {  	v2 =	vld [tilespmem:s26+$0x1984];
	_ =	sdelay $0x4  }
0x106: {  	(v2sf) =	vpush v2, $0x0;
	_ =	sdelay $0xe  }
0x107: {  	s6 =	spop (v2sf)  }
0x108: {  	s0 =	sadd.s32 $0x1F, s6  }
0x109: {  	s30 =	sadd.s32 $0x4, s26;
	s1 =	sand.u32 $0x80, s0  }
0x10a: {  	s28 =	smul.u32 $0xC8, s30;
	p0 =	seq.s32 s1, $0x0  }
0x10b: {  	s15 =	sand.u32 $0x40, s0;
	s29 =	simm.s32 @!p0 $0x80;
	s31 =	simm.s32 @!p0 $0x1A00  }
0x10c: {  	[tilespmem:s31], [sflag:$0x1] =	stream.indirect.gather @!p0 [hbm4b:s2+s29], $0x80, s28, s29, $0xb8;
	[tilespmem:$0x1DA00] =	vst v63  }
0x10d: {  	p0 =	seq.s32 s15, $0x0  }
0x10e: {  	s29 =	sshll.u32 @!p0 s1, $0x7  }
0x10f: {  	s1 =	sadd.s32 @!p0 s1, s28;
	s31 =	simm.s32 @!p0 $0x40;
	s29 =	sadd.s32 @!p0 $0x1A00, s29  }
0x110: {  	[tilespmem:s29], [sflag:$0x1] =	stream.indirect.gather @!p0 [hbm4b:s2+s31], $0x80, s1, s31, $0xb8;
	[tilespmem:$0x1DA00] =	vst v63  }
0x111: {  	s29 =	sand.u32 $0x20, s0  }
0x112: {  	p0 =	seq.s32 s29, $0x0  }
0x113: {  	s0 =	sand.u32 @!p0 $0xC0, s0  }
0x114: {  	s1 =	sshll.u32 @!p0 s0, $0x7  }
0x115: {  	s29 =	simm.s32 @!p0 $0x20;
	s0 =	sadd.s32 @!p0 s0, s28;
	s1 =	sor.u32 @!p0 $0x1A00, s1  }
0x116: {  	[tilespmem:s1], [sflag:$0x1] =	stream.indirect.gather @!p0 [hbm4b:s2+s29], $0x80, s0, s29, $0xb8;
	[tilespmem:$0x1DA00] =	vst v63  }
0x117: {  	v2 =	vld [tilespmem:s26+$0x1983];
	_ =	sdelay $0x4  }
0x118: {  	(v2sf) =	vpush v2, $0x0;
	_ =	sdelay $0xe  }
0x119: {  	s1 =	spop (v2sf)  }
0x11a: {  	s6 =	sadd.s32 $0x1F, s1  }
0x11b: {  	s15 =	sand.u32 $0x80, s6  }
0x11c: {  	p0 =	seq.s32 s15, $0x0  }
0x11d: {  	s29 =	simm.s32 @!p0 $0x4  }
0x11e: {  	s31 =	sand.u32 $0x40, s6;
	_ =	swait.ge @!p0 [sflag:s29], $0x4000  }
0x11f: {  	p1 =	seq.s32 s31, $0x0;
	[sflag:s29] =	ssyncset.done @!p0 $0x0  }
0x120: {  	[sflag:s29] =	ssyncadd.s32 @!p0 $0xFFFFC000;
	s29 =	simm.s32 @!p1 $0x4  }
0x121: {  	_ =	swait.ge @!p1 [sflag:s29], $0x2000  }
0x122: {  	s31 =	ssub.s32 $0xC8, s1;
	[sflag:s29] =	ssyncset.done @!p1 $0x0  }
0x123: {  	s0 =	sand.u32 $0x20, s6;
	[sflag:s29] =	ssyncadd.s32 @!p1 $0xFFFFE000;
	p1 =	slt.s32 s31, $0x1  }
.Ltmp13:
0x124: {  	p0 =	seq.s32 s0, $0x0;
	(pc) =	sbr.rel @p1 .LBB2_18-.Ltmp13, $4  }
0x125: {  	s0 =	simm.s32 @!p0 $0x4  }
0x126: {  	_ =	swait.ge @!p0 [sflag:s0], $0x1000  }
0x127: {  	[sflag:s0] =	ssyncset.done @!p0 $0x0  }
0x128: {  	[sflag:s0] =	ssyncadd.s32 @!p0 $0xFFFFF000  }
0x129: {  	s0 =	sshll.u32 s1, $0x9  }
0x12a: {  	s0 =	sshra.s32 s0, $0x2  }
0x12b: {  	s29 =	sadd.s32 $0x16A40, s0  }
0x12c: {  	[tilespmem:s29+$0xFFFFFFC0] =	vst v1  }
0x12d: {  	p0 =	sne.s32 s31, $0x1;
	[tilespmem:s29+$0x30] =	vst v1  }
.Ltmp14:
0x12e: {  	[tilespmem:s29+$0x20] =	vst v1;
	(pc) =	sbr.rel @!p0 .LBB2_17-.Ltmp14, $4  }
0x12f: {  	[tilespmem:s29+$0x10] =	vst v1  }
0x130: {  	[tilespmem:s29+$0x0] =	vst v1  }
0x131: {  	[tilespmem:s29+$0xFFFFFFF0] =	vst v1  }
0x132: {  	s31 =	sadd.s32 $0xFFFFFFFF, s31;
	[tilespmem:s29+$0xFFFFFFE0] =	vst v1  }
.LBB2_16:
0x133: {  	p0 =	sne.s32 s31, $0x1;
	s31 =	sadd.s32 $0xFFFFFFFF, s31;
	[tilespmem:s29+$0xFFFFFFD0] =	vst v1;
	s29 =	sadd.s32 $0x80, s29  }
0x134: {  	[tilespmem:s29+$0xFFFFFFC0] =	vst v1  }
0x135: {  	[tilespmem:s29+$0x30] =	vst v1  }
.Ltmp15:
0x136: {  	[tilespmem:s29+$0x20] =	vst v1;
	(pc) =	sbr.rel @p0 .LBB2_16-.Ltmp15, $4  }
0x137: {  	[tilespmem:s29+$0x10] =	vst v1  }
0x138: {  	[tilespmem:s29+$0x0] =	vst v1  }
0x139: {  	[tilespmem:s29+$0xFFFFFFF0] =	vst v1  }
0x13a: {  	[tilespmem:s29+$0xFFFFFFE0] =	vst v1  }
.LBB2_17:
0x13b: {  	[tilespmem:s29+$0xFFFFFFD0] =	vst v1  }
.LBB2_18:
0x13c: {  	s0 =	smul.u32 $0x320, s25;
	_ =	sdelay $0x1  }
0x13d: {  	s0 =	sadd.s32 s0, s10  }
0x13e: {  	s0 =	sshll.u32 s0, $0x4  }
0x13f: {  	s0 =	sadd.s32 s3, s0  }
0x140: {  	[hbm4b:s0+s4] =	stream.linear.scatter [tilespmem:s20], [sflag:$0x8], $0x6400, $0x38;
	[tilespmem:$0x1DA00] =	vst v63  }
0x141: {  	_ =	swait.ge [sflag:s21], $0x6400  }
0x142: {  	[sflag:s21] =	ssyncset.done $0x0  }
0x143: {  	[sflag:s21] =	ssyncadd.s32 $0xFFFF9C00  }
0x144: {  	v2 =	vld [tilespmem:s26+$0x1985];
	_ =	sdelay $0x4  }
0x145: {  	(v2sf) =	vpush v2, $0x0;
	_ =	sdelay $0xe  }
0x146: {  	s6 =	spop (v2sf)  }
0x147: {  	s0 =	sadd.s32 $0x1F, s6  }
0x148: {  	s31 =	sadd.s32 $0x5, s26;
	s1 =	sand.u32 $0x80, s0  }
0x149: {  	s29 =	smul.u32 $0xC8, s31;
	p0 =	seq.s32 s1, $0x0  }
0x14a: {  	s15 =	simm.s32 @!p0 $0x80;
	s6 =	simm.s32 @!p0 $0x8A00  }
0x14b: {  	[tilespmem:s6], [sflag:$0x2] =	stream.indirect.gather @!p0 [hbm4b:s2+s15], $0x80, s29, s15, $0xb8;
	[tilespmem:$0x1DA00] =	vst v63  }
0x14c: {  	s15 =	sand.u32 $0x40, s0  }
0x14d: {  	p0 =	seq.s32 s15, $0x0  }
0x14e: {  	s6 =	sshll.u32 @!p0 s1, $0x7  }
0x14f: {  	s1 =	sadd.s32 @!p0 s1, s29;
	s15 =	simm.s32 @!p0 $0x40;
	s6 =	sadd.s32 @!p0 $0x8A00, s6  }
0x150: {  	[tilespmem:s6], [sflag:$0x2] =	stream.indirect.gather @!p0 [hbm4b:s2+s15], $0x80, s1, s15, $0xb8;
	[tilespmem:$0x1DA00] =	vst v63  }
0x151: {  	s6 =	sand.u32 $0x20, s0  }
0x152: {  	p0 =	seq.s32 s6, $0x0  }
0x153: {  	s0 =	sand.u32 @!p0 $0xC0, s0  }
0x154: {  	s1 =	sshll.u32 @!p0 s0, $0x7  }
0x155: {  	s6 =	simm.s32 @!p0 $0x20;
	s0 =	sadd.s32 @!p0 s0, s29;
	s1 =	sor.u32 @!p0 $0x8A00, s1  }
0x156: {  	[tilespmem:s1], [sflag:$0x2] =	stream.indirect.gather @!p0 [hbm4b:s2+s6], $0x80, s0, s6, $0xb8;
	[tilespmem:$0x1DA00] =	vst v63  }
0x157: {  	v2 =	vld [tilespmem:s30+$0x1980];
	_ =	sdelay $0x4  }
0x158: {  	(v2sf) =	vpush v2, $0x0;
	_ =	sdelay $0xe  }
0x159: {  	s1 =	spop (v2sf)  }
0x15a: {  	s0 =	sadd.s32 $0x1F, s1  }
0x15b: {  	s15 =	sand.u32 $0x80, s0  }
0x15c: {  	p0 =	seq.s32 s15, $0x0  }
0x15d: {  	s6 =	simm.s32 @!p0 $0x1  }
0x15e: {  	s30 =	sand.u32 $0x40, s0;
	_ =	swait.ge @!p0 [sflag:s6], $0x4000  }
0x15f: {  	p1 =	seq.s32 s30, $0x0;
	[sflag:s6] =	ssyncset.done @!p0 $0x0  }
0x160: {  	[sflag:s6] =	ssyncadd.s32 @!p0 $0xFFFFC000;
	s6 =	simm.s32 @!p1 $0x1  }
0x161: {  	s0 =	sand.u32 $0x20, s0;
	_ =	swait.ge @!p1 [sflag:s6], $0x2000  }
0x162: {  	p0 =	seq.s32 s0, $0x0;
	s0 =	ssub.s32 $0xC8, s1;
	[sflag:s6] =	ssyncset.done @!p1 $0x0  }
0x163: {  	[sflag:s6] =	ssyncadd.s32 @!p1 $0xFFFFE000;
	p1 =	slt.s32 s0, $0x1  }
.Ltmp16:
0x164: {  	_ = 	snop;
	(pc) =	sbr.rel @p1 .LBB2_22-.Ltmp16, $4  }
0x165: {  	s6 =	simm.s32 @!p0 $0x1  }
0x166: {  	_ =	swait.ge @!p0 [sflag:s6], $0x1000  }
0x167: {  	[sflag:s6] =	ssyncset.done @!p0 $0x0  }
0x168: {  	[sflag:s6] =	ssyncadd.s32 @!p0 $0xFFFFF000  }
0x169: {  	s1 =	sshll.u32 s1, $0x9  }
0x16a: {  	s1 =	sshra.s32 s1, $0x2  }
0x16b: {  	s30 =	sadd.s32 $0x1A40, s1  }
0x16c: {  	[tilespmem:s30+$0xFFFFFFC0] =	vst v1  }
0x16d: {  	p0 =	sne.s32 s0, $0x1;
	[tilespmem:s30+$0x30] =	vst v1  }
.Ltmp17:
0x16e: {  	[tilespmem:s30+$0x20] =	vst v1;
	(pc) =	sbr.rel @!p0 .LBB2_21-.Ltmp17, $4  }
0x16f: {  	[tilespmem:s30+$0x10] =	vst v1  }
0x170: {  	[tilespmem:s30+$0x0] =	vst v1  }
0x171: {  	[tilespmem:s30+$0xFFFFFFF0] =	vst v1  }
0x172: {  	s1 =	sadd.s32 $0xFFFFFFFF, s0;
	[tilespmem:s30+$0xFFFFFFE0] =	vst v1  }
.LBB2_20:
0x173: {  	p0 =	sne.s32 s1, $0x1;
	s1 =	sadd.s32 $0xFFFFFFFF, s1;
	[tilespmem:s30+$0xFFFFFFD0] =	vst v1;
	s30 =	sadd.s32 $0x80, s30  }
0x174: {  	[tilespmem:s30+$0xFFFFFFC0] =	vst v1  }
0x175: {  	[tilespmem:s30+$0x30] =	vst v1  }
.Ltmp18:
0x176: {  	[tilespmem:s30+$0x20] =	vst v1;
	(pc) =	sbr.rel @p0 .LBB2_20-.Ltmp18, $4  }
0x177: {  	[tilespmem:s30+$0x10] =	vst v1  }
0x178: {  	[tilespmem:s30+$0x0] =	vst v1  }
0x179: {  	[tilespmem:s30+$0xFFFFFFF0] =	vst v1  }
0x17a: {  	[tilespmem:s30+$0xFFFFFFE0] =	vst v1  }
.LBB2_21:
0x17b: {  	[tilespmem:s30+$0xFFFFFFD0] =	vst v1  }
.LBB2_22:
0x17c: {  	s0 =	sadd.s32 s5, s28  }
0x17d: {  	s0 =	sshll.u32 s0, $0x4  }
0x17e: {  	s0 =	sadd.s32 s3, s0  }
0x17f: {  	[hbm4b:s0+s4] =	stream.linear.scatter [tilespmem:s16], [sflag:$0x5], $0x6400, $0x38;
	[tilespmem:$0x1DA00] =	vst v63  }
0x180: {  	_ =	swait.ge [sflag:s22], $0x6400  }
0x181: {  	[sflag:s22] =	ssyncset.done $0x0  }
0x182: {  	[sflag:s22] =	ssyncadd.s32 $0xFFFF9C00  }
0x183: {  	v2 =	vld [tilespmem:s26+$0x1986];
	_ =	sdelay $0x4  }
0x184: {  	(v2sf) =	vpush v2, $0x0;
	_ =	sdelay $0xe  }
0x185: {  	s15 =	spop (v2sf)  }
0x186: {  	s0 =	sadd.s32 $0x1F, s15  }
0x187: {  	s28 =	smul.u32 $0xC8, s26;
	s1 =	sand.u32 $0x80, s0  }
0x188: {  	p0 =	seq.s32 s1, $0x0  }
0x189: {  	s6 =	sadd.s32 $0x4B0, s28;
	s15 =	simm.s32 @!p0 $0x80;
	s30 =	simm.s32 @!p0 $0xFA00  }
0x18a: {  	[tilespmem:s30], [sflag:$0x3] =	stream.indirect.gather @!p0 [hbm4b:s2+s15], $0x80, s6, s15, $0xb8;
	[tilespmem:$0x1DA00] =	vst v63  }
0x18b: {  	s30 =	sand.u32 $0x40, s0  }
0x18c: {  	p0 =	seq.s32 s30, $0x0  }
0x18d: {  	s15 =	sshll.u32 @!p0 s1, $0x7  }
0x18e: {  	s1 =	sadd.s32 @!p0 s1, s6;
	s30 =	simm.s32 @!p0 $0x40;
	s15 =	sadd.s32 @!p0 $0xFA00, s15  }
0x18f: {  	[tilespmem:s15], [sflag:$0x3] =	stream.indirect.gather @!p0 [hbm4b:s2+s30], $0x80, s1, s30, $0xb8;
	[tilespmem:$0x1DA00] =	vst v63  }
0x190: {  	s15 =	sand.u32 $0x20, s0  }
0x191: {  	p0 =	seq.s32 s15, $0x0  }
0x192: {  	s0 =	sand.u32 @!p0 $0xC0, s0  }
0x193: {  	s1 =	sshll.u32 @!p0 s0, $0x7  }
0x194: {  	s0 =	sadd.s32 @!p0 s0, s6;
	s6 =	simm.s32 @!p0 $0x20;
	s1 =	sadd.s32 @!p0 $0xFA00, s1  }
0x195: {  	[tilespmem:s1], [sflag:$0x3] =	stream.indirect.gather @!p0 [hbm4b:s2+s6], $0x80, s0, s6, $0xb8;
	[tilespmem:$0x1DA00] =	vst v63  }
0x196: {  	v2 =	vld [tilespmem:s31+$0x1980];
	_ =	sdelay $0x4  }
0x197: {  	(v2sf) =	vpush v2, $0x0;
	_ =	sdelay $0xe  }
0x198: {  	s1 =	spop (v2sf)  }
0x199: {  	s0 =	sadd.s32 $0x1F, s1  }
0x19a: {  	s30 =	sand.u32 $0x80, s0  }
0x19b: {  	p0 =	seq.s32 s30, $0x0  }
0x19c: {  	s6 =	simm.s32 @!p0 $0x2  }
0x19d: {  	s31 =	sand.u32 $0x40, s0;
	_ =	swait.ge @!p0 [sflag:s6], $0x4000  }
0x19e: {  	p1 =	seq.s32 s31, $0x0;
	[sflag:s6] =	ssyncset.done @!p0 $0x0  }
0x19f: {  	[sflag:s6] =	ssyncadd.s32 @!p0 $0xFFFFC000;
	s6 =	simm.s32 @!p1 $0x2  }
0x1a0: {  	s0 =	sand.u32 $0x20, s0;
	_ =	swait.ge @!p1 [sflag:s6], $0x2000  }
0x1a1: {  	p0 =	seq.s32 s0, $0x0;
	s0 =	ssub.s32 $0xC8, s1;
	[sflag:s6] =	ssyncset.done @!p1 $0x0  }
0x1a2: {  	[sflag:s6] =	ssyncadd.s32 @!p1 $0xFFFFE000;
	p1 =	slt.s32 s0, $0x1  }
.Ltmp19:
0x1a3: {  	_ = 	snop;
	(pc) =	sbr.rel @p1 .LBB2_26-.Ltmp19, $4  }
0x1a4: {  	s6 =	simm.s32 @!p0 $0x2  }
0x1a5: {  	_ =	swait.ge @!p0 [sflag:s6], $0x1000  }
0x1a6: {  	[sflag:s6] =	ssyncset.done @!p0 $0x0  }
0x1a7: {  	[sflag:s6] =	ssyncadd.s32 @!p0 $0xFFFFF000  }
0x1a8: {  	s1 =	sshll.u32 s1, $0x9  }
0x1a9: {  	s1 =	sshra.s32 s1, $0x2  }
0x1aa: {  	s30 =	sadd.s32 $0x8A40, s1  }
0x1ab: {  	[tilespmem:s30+$0xFFFFFFC0] =	vst v1  }
0x1ac: {  	p0 =	sne.s32 s0, $0x1;
	[tilespmem:s30+$0x30] =	vst v1  }
.Ltmp20:
0x1ad: {  	[tilespmem:s30+$0x20] =	vst v1;
	(pc) =	sbr.rel @!p0 .LBB2_25-.Ltmp20, $4  }
0x1ae: {  	[tilespmem:s30+$0x10] =	vst v1  }
0x1af: {  	[tilespmem:s30+$0x0] =	vst v1  }
0x1b0: {  	[tilespmem:s30+$0xFFFFFFF0] =	vst v1  }
0x1b1: {  	s1 =	sadd.s32 $0xFFFFFFFF, s0;
	[tilespmem:s30+$0xFFFFFFE0] =	vst v1  }
.LBB2_24:
0x1b2: {  	p0 =	sne.s32 s1, $0x1;
	s1 =	sadd.s32 $0xFFFFFFFF, s1;
	[tilespmem:s30+$0xFFFFFFD0] =	vst v1;
	s30 =	sadd.s32 $0x80, s30  }
0x1b3: {  	[tilespmem:s30+$0xFFFFFFC0] =	vst v1  }
0x1b4: {  	[tilespmem:s30+$0x30] =	vst v1  }
.Ltmp21:
0x1b5: {  	[tilespmem:s30+$0x20] =	vst v1;
	(pc) =	sbr.rel @p0 .LBB2_24-.Ltmp21, $4  }
0x1b6: {  	[tilespmem:s30+$0x10] =	vst v1  }
0x1b7: {  	[tilespmem:s30+$0x0] =	vst v1  }
0x1b8: {  	[tilespmem:s30+$0xFFFFFFF0] =	vst v1  }
0x1b9: {  	[tilespmem:s30+$0xFFFFFFE0] =	vst v1  }
.Ltmp22:
0x1ba: {  	_ = 	snop;
	(pc) =	sbr.rel .LBB2_25-.Ltmp22, $1  }
0x1bb: {  	_ =	sdelay $0x3  }
.LBB2_27:
0x1bc: {  	v2 =	vld [tilespmem:$0x199E];
	_ =	sdelay $0x4  }
0x1bd: {  	(v2sf) =	vpush v2, $0x0;
	_ =	sdelay $0xe  }
0x1be: {  	s1 =	spop (v2sf)  }
0x1bf: {  	s0 =	sadd.s32 $0x1F, s1  }
0x1c0: {  	s6 =	sand.u32 $0x80, s0  }
0x1c1: {  	p0 =	seq.s32 s6, $0x0  }
0x1c2: {  	s6 =	simm.s32 @!p0 $0x3  }
0x1c3: {  	s15 =	sand.u32 $0x40, s0;
	_ =	swait.ge @!p0 [sflag:s6], $0x4000  }
0x1c4: {  	p1 =	seq.s32 s15, $0x0;
	[sflag:s6] =	ssyncset.done @!p0 $0x0  }
0x1c5: {  	[sflag:s6] =	ssyncadd.s32 @!p0 $0xFFFFC000;
	s6 =	simm.s32 @!p1 $0x3  }
0x1c6: {  	s0 =	sand.u32 $0x20, s0;
	_ =	swait.ge @!p1 [sflag:s6], $0x2000  }
0x1c7: {  	p0 =	seq.s32 s0, $0x0;
	s0 =	ssub.s32 $0xC8, s1;
	[sflag:s6] =	ssyncset.done @!p1 $0x0  }
0x1c8: {  	[sflag:s6] =	ssyncadd.s32 @!p1 $0xFFFFE000;
	p1 =	slt.s32 s0, $0x1  }
.Ltmp23:
0x1c9: {  	_ = 	snop;
	(pc) =	sbr.rel @p1 .LBB2_31-.Ltmp23, $4  }
0x1ca: {  	s6 =	simm.s32 @!p0 $0x3  }
0x1cb: {  	_ =	swait.ge @!p0 [sflag:s6], $0x1000  }
0x1cc: {  	[sflag:s6] =	ssyncset.done @!p0 $0x0  }
0x1cd: {  	[sflag:s6] =	ssyncadd.s32 @!p0 $0xFFFFF000  }
0x1ce: {  	s1 =	sshll.u32 s1, $0x9  }
0x1cf: {  	s1 =	sshra.s32 s1, $0x2  }
0x1d0: {  	s25 =	sadd.s32 $0xFA40, s1  }
0x1d1: {  	[tilespmem:s25+$0xFFFFFFC0] =	vst v1  }
0x1d2: {  	p0 =	sne.s32 s0, $0x1;
	[tilespmem:s25+$0x30] =	vst v1  }
.Ltmp24:
0x1d3: {  	[tilespmem:s25+$0x20] =	vst v1;
	(pc) =	sbr.rel @!p0 .LBB2_30-.Ltmp24, $4  }
0x1d4: {  	[tilespmem:s25+$0x10] =	vst v1  }
0x1d5: {  	[tilespmem:s25+$0x0] =	vst v1  }
0x1d6: {  	[tilespmem:s25+$0xFFFFFFF0] =	vst v1  }
0x1d7: {  	s1 =	sadd.s32 $0xFFFFFFFF, s0;
	[tilespmem:s25+$0xFFFFFFE0] =	vst v1  }
.LBB2_29:
0x1d8: {  	p0 =	sne.s32 s1, $0x1;
	s1 =	sadd.s32 $0xFFFFFFFF, s1;
	[tilespmem:s25+$0xFFFFFFD0] =	vst v1;
	s25 =	sadd.s32 $0x80, s25  }
0x1d9: {  	[tilespmem:s25+$0xFFFFFFC0] =	vst v1  }
0x1da: {  	[tilespmem:s25+$0x30] =	vst v1  }
.Ltmp25:
0x1db: {  	[tilespmem:s25+$0x20] =	vst v1;
	(pc) =	sbr.rel @p0 .LBB2_29-.Ltmp25, $4  }
0x1dc: {  	[tilespmem:s25+$0x10] =	vst v1  }
0x1dd: {  	[tilespmem:s25+$0x0] =	vst v1  }
0x1de: {  	[tilespmem:s25+$0xFFFFFFF0] =	vst v1  }
0x1df: {  	[tilespmem:s25+$0xFFFFFFE0] =	vst v1  }
.LBB2_30:
0x1e0: {  	[tilespmem:s25+$0xFFFFFFD0] =	vst v1  }
.LBB2_31:
0x1e1: {  	[hbm4b:s11+s4] =	stream.linear.scatter [tilespmem:s18], [sflag:$0x7], $0x6400, $0x38;
	[tilespmem:$0x1DA00] =	vst v63  }
0x1e2: {  	_ =	swait.ge [sflag:s19], $0x6400  }
0x1e3: {  	[sflag:s19] =	ssyncset.done $0x0  }
0x1e4: {  	[sflag:s19] =	ssyncadd.s32 $0xFFFF9C00  }
0x1e5: {  	v2 =	vld [tilespmem:$0x199F];
	_ =	sdelay $0x4  }
0x1e6: {  	(v2sf) =	vpush v2, $0x0;
	_ =	sdelay $0xe  }
0x1e7: {  	s1 =	spop (v2sf)  }
0x1e8: {  	s0 =	sadd.s32 $0x1F, s1  }
0x1e9: {  	s6 =	sand.u32 $0x80, s0  }
0x1ea: {  	p0 =	seq.s32 s6, $0x0  }
0x1eb: {  	s6 =	simm.s32 @!p0 $0x4  }
0x1ec: {  	s15 =	sand.u32 $0x40, s0;
	_ =	swait.ge @!p0 [sflag:s6], $0x4000  }
0x1ed: {  	p1 =	seq.s32 s15, $0x0;
	[sflag:s6] =	ssyncset.done @!p0 $0x0  }
0x1ee: {  	[sflag:s6] =	ssyncadd.s32 @!p0 $0xFFFFC000;
	s6 =	simm.s32 @!p1 $0x4  }
0x1ef: {  	s0 =	sand.u32 $0x20, s0;
	_ =	swait.ge @!p1 [sflag:s6], $0x2000  }
0x1f0: {  	p0 =	seq.s32 s0, $0x0;
	s0 =	ssub.s32 $0xC8, s1;
	[sflag:s6] =	ssyncset.done @!p1 $0x0  }
0x1f1: {  	[sflag:s6] =	ssyncadd.s32 @!p1 $0xFFFFE000;
	p1 =	slt.s32 s0, $0x1  }
.Ltmp26:
0x1f2: {  	_ = 	snop;
	(pc) =	sbr.rel @p1 .LBB2_35-.Ltmp26, $4  }
0x1f3: {  	s6 =	simm.s32 @!p0 $0x4  }
0x1f4: {  	_ =	swait.ge @!p0 [sflag:s6], $0x1000  }
0x1f5: {  	[sflag:s6] =	ssyncset.done @!p0 $0x0  }
0x1f6: {  	[sflag:s6] =	ssyncadd.s32 @!p0 $0xFFFFF000  }
0x1f7: {  	s1 =	sshll.u32 s1, $0x9  }
0x1f8: {  	s1 =	sshra.s32 s1, $0x2  }
0x1f9: {  	s25 =	sadd.s32 $0x16A40, s1  }
0x1fa: {  	[tilespmem:s25+$0xFFFFFFC0] =	vst v1  }
0x1fb: {  	p0 =	sne.s32 s0, $0x1;
	[tilespmem:s25+$0x30] =	vst v1  }
.Ltmp27:
0x1fc: {  	[tilespmem:s25+$0x20] =	vst v1;
	(pc) =	sbr.rel @!p0 .LBB2_34-.Ltmp27, $4  }
0x1fd: {  	[tilespmem:s25+$0x10] =	vst v1  }
0x1fe: {  	[tilespmem:s25+$0x0] =	vst v1  }
0x1ff: {  	[tilespmem:s25+$0xFFFFFFF0] =	vst v1  }
0x200: {  	s1 =	sadd.s32 $0xFFFFFFFF, s0;
	[tilespmem:s25+$0xFFFFFFE0] =	vst v1  }
.LBB2_33:
0x201: {  	p0 =	sne.s32 s1, $0x1;
	s1 =	sadd.s32 $0xFFFFFFFF, s1;
	[tilespmem:s25+$0xFFFFFFD0] =	vst v1;
	s25 =	sadd.s32 $0x80, s25  }
0x202: {  	[tilespmem:s25+$0xFFFFFFC0] =	vst v1  }
0x203: {  	[tilespmem:s25+$0x30] =	vst v1  }
.Ltmp28:
0x204: {  	[tilespmem:s25+$0x20] =	vst v1;
	(pc) =	sbr.rel @p0 .LBB2_33-.Ltmp28, $4  }
0x205: {  	[tilespmem:s25+$0x10] =	vst v1  }
0x206: {  	[tilespmem:s25+$0x0] =	vst v1  }
0x207: {  	[tilespmem:s25+$0xFFFFFFF0] =	vst v1  }
0x208: {  	[tilespmem:s25+$0xFFFFFFE0] =	vst v1  }
.Ltmp29:
0x209: {  	_ = 	snop;
	(pc) =	sbr.rel .LBB2_34-.Ltmp29, $1  }
0x20a: {  	_ =	sdelay $0x3  }
.LBB2_36:
0x20b: {  	_ =	sfence.sel $0x180000  }
0x20c: {  	[bflag:$0x0] =	sbarrier.arrive $0xFFFF  }
0x20d: {  	_ =	strace $0x90000047  }
0x20e: {  	s0 =	stileid.u32;
	[bflag:$0x2] =	sbarrier.arrive $0xFFFF  }
0x20f: {  	p0 =	sne.s32 s0, $0x0;
	s0 =	rddreg [dreg:$0x4]  }
0x210: {  	s0 =	sadd.s32 @!p0 $0x100000, s0  }
0x211: {  	[sflag:s0] =	ssyncadd.tile.s32 @!p0 $0x1;
	_ =	shalt  }
.Lfunc_end2:
_tile_overlayer_lowered:
.L_overlay_start_2:
0x212: {  	(tag) =	ssettag $0x2  }
0x213: {  	s0 =	rddreg [dreg:$0x0];
	s2 =	stileid.u32  }
0x214: {  	s1 =	rddreg [dreg:$0x1];
	p0 =	sne.s32 s2, $0x0  }
0x215: {  	s3 =	rddreg [dreg:$0x2];
	[bflag:$0x3] =	sbarrier.arrive $0xFFFF;
	s2 =	simm.s32 @!p0 $0x1C09  }
0x216: {  	[timem:s3], [sflag:s2] =	dma.local @!p0 [hbm:s0], s1  }
0x217: {  	s0 =	simm.s32 @!p0 $0x9  }
0x218: {  	_ =	swait.ge @!p0 [sflag:s0], s1  }
0x219: {  	s1 =	ssub.s32 @!p0 $0x0, s1;
	[sflag:s0] =	ssyncset.done @!p0 $0x0  }
0x21a: {  	[sflag:s0] =	ssyncadd.s32 @!p0 s1  }
0x21b: {  	[bflag:$0x3] =	sbarrier.arrive $0xFFFF  }
0x21c: {  	_ =	shalt  }

</sc_bundles>
